<compile_context>
chip_gen: v7x
topology: tpu7x:2x2x1
jax: 0.10.2.dev20260603
libtpu: 0.0.44.dev20260713+nightly
codegen_flags: <defaults>
</compile_context>

<pallas_src>
import functools

import jax
import jax.numpy as jnp
from jax import lax
from jax.experimental import pallas as pl
from jax.experimental.pallas import tpu as pltpu
from jax.experimental.pallas import tpu_sc as plsc

NNODE = 100000
NEDGE = 6400000
LANES = 128
ROWS = 784
NPAD = ROWS * LANES
NC = 2
NS = 16
NW = NC * NS
EPW = NEDGE // NW
BLK = 2000
NBLK = EPW // BLK
NSLICE = NPAD // NS

_mesh = plsc.VectorSubcoreMesh(core_axis_name="c", subcore_axis_name="s")




GROUPS = BLK // 16


def _gather_block(yv, idx_ref, vals_ref):

    @plsc.parallel_loop(0, BLK, step=16, unroll=16)
    def _(i):
        sl = pl.ds(i, 16)
        vals_ref[sl] = plsc.load_gather(yv, [idx_ref[sl]])


def _sc_gather_scatter(edge_hbm, y_hbm, zero_hbm, out_hbm,
                       idx_s0, idx_s1, idx_d0, idx_d1, idx_d2, idx_d3,
                       vals0, vals1, vals2, vals3, yv, accsp,
                       sem_i0, sem_i1, sem_s0, sem_s1, sem_s2, sem_s3):
    core = lax.axis_index("c")
    sub = lax.axis_index("s")
    wid = core * NS + sub
    ebase = wid * EPW
    sl = pl.ds(sub * NSLICE, NSLICE)
    idx_s = (idx_s0, idx_s1)
    idx_d = (idx_d0, idx_d1, idx_d2, idx_d3)
    vals = (vals0, vals1, vals2, vals3)
    sem_i = (sem_i0, sem_i1)
    sem_s = (sem_s0, sem_s1, sem_s2, sem_s3)

    pltpu.sync_copy(y_hbm, yv)
    pltpu.sync_copy(zero_hbm.at[sl], accsp.at[sl])
    plsc.subcore_barrier()

    def start_idx(k, b2, b4):
        base = ebase + k * BLK
        pltpu.async_copy(edge_hbm.at[0, pl.ds(base, BLK)], idx_s[b2], sem_i[b2])
        pltpu.async_copy(edge_hbm.at[1, pl.ds(base, BLK)], idx_d[b4], sem_i[b2])

    def wait_idx(b2, b4):
        pltpu.make_async_copy(edge_hbm.at[0, pl.ds(0, BLK)], idx_s[b2],
                              sem_i[b2]).wait()
        pltpu.make_async_copy(edge_hbm.at[1, pl.ds(0, BLK)], idx_d[b4],
                              sem_i[b2]).wait()

    def wait_scat(b4):
        pltpu.make_async_copy(vals[b4], accsp.at[idx_d[b4]], sem_s[b4]).wait()

    start_idx(0, 0, 0)

    def outer(j, carry):
        for b in range(4):
            k = 4 * j + b
            b2 = b % 2
            if b == 3:
                wait_scat(0)
            else:
                @pl.when(j >= 1)
                def _():
                    wait_scat(b + 1)
            if b < 3:
                start_idx(k + 1, 1 - b2, b + 1)
            else:
                @pl.when(j < (NBLK // 4) - 1)
                def _():
                    start_idx(k + 1, 1 - b2, 0)
            wait_idx(b2, b)
            _gather_block(yv, idx_s[b2], vals[b])
            pltpu.async_copy(vals[b], accsp.at[idx_d[b]], sem_s[b], add=True)
        return carry

    lax.fori_loop(0, NBLK // 4, outer, 0)
    wait_scat(1)
    wait_scat(2)
    wait_scat(3)
    plsc.subcore_barrier()
    pltpu.sync_copy(accsp.at[sl], out_hbm.at[core, sl])


def _sc_degree(edge_hbm, one_hbm, zero_hbm, out_hbm,
               ones_v, idx_d0, idx_d1, idx_d2, idx_d3, accsp,
               sem_i0, sem_i1, sem_s0, sem_s1, sem_s2, sem_s3):
    core = lax.axis_index("c")
    sub = lax.axis_index("s")
    wid = core * NS + sub
    ebase = wid * EPW
    sl = pl.ds(sub * NSLICE, NSLICE)
    idx_d = (idx_d0, idx_d1, idx_d2, idx_d3)
    sem_i = (sem_i0, sem_i1)
    sem_s = (sem_s0, sem_s1, sem_s2, sem_s3)

    pltpu.sync_copy(zero_hbm.at[sl], accsp.at[sl])
    pltpu.sync_copy(one_hbm, ones_v)
    plsc.subcore_barrier()

    def start_idx(k, b2, b4):
        base = ebase + k * BLK
        pltpu.async_copy(edge_hbm.at[1, pl.ds(base, BLK)], idx_d[b4], sem_i[b2])

    def wait_idx(b2, b4):
        pltpu.make_async_copy(edge_hbm.at[1, pl.ds(0, BLK)], idx_d[b4],
                              sem_i[b2]).wait()

    def wait_scat(b4):
        pltpu.make_async_copy(ones_v, accsp.at[idx_d[b4]], sem_s[b4]).wait()

    start_idx(0, 0, 0)

    def outer(j, carry):
        for b in range(4):
            k = 4 * j + b
            b2 = b % 2
            if b == 3:
                wait_scat(0)
            else:
                @pl.when(j >= 1)
                def _():
                    wait_scat(b + 1)
            if b < 3:
                start_idx(k + 1, 1 - b2, b + 1)
            else:
                @pl.when(j < (NBLK // 4) - 1)
                def _():
                    start_idx(k + 1, 1 - b2, 0)
            wait_idx(b2, b)
            pltpu.async_copy(ones_v, accsp.at[idx_d[b]], sem_s[b], add=True)
        return carry

    lax.fori_loop(0, NBLK // 4, outer, 0)
    wait_scat(1)
    wait_scat(2)
    wait_scat(3)
    plsc.subcore_barrier()
    pltpu.sync_copy(accsp.at[sl], out_hbm.at[core, sl])


_sc_params = pltpu.CompilerParams(use_tc_tiling_on_sc=False, needs_layout_passes=False)

_deg_call = functools.partial(
    pl.kernel,
    out_type=jax.ShapeDtypeStruct((NC, NPAD), jnp.float32),
    mesh=_mesh,
    compiler_params=_sc_params,
    scratch_types=[
        pltpu.VMEM((BLK,), jnp.float32),
        pltpu.VMEM((BLK,), jnp.int32),
        pltpu.VMEM((BLK,), jnp.int32),
        pltpu.VMEM((BLK,), jnp.int32),
        pltpu.VMEM((BLK,), jnp.int32),
        pltpu.VMEM_SHARED((NPAD,), jnp.float32),
        pltpu.SemaphoreType.DMA,
        pltpu.SemaphoreType.DMA,
        pltpu.SemaphoreType.DMA,
        pltpu.SemaphoreType.DMA,
        pltpu.SemaphoreType.DMA,
        pltpu.SemaphoreType.DMA,
    ],
)(_sc_degree)

_pass_call = functools.partial(
    pl.kernel,
    out_type=jax.ShapeDtypeStruct((NC, NPAD), jnp.float32),
    mesh=_mesh,
    compiler_params=_sc_params,
    scratch_types=[
        pltpu.VMEM((BLK,), jnp.int32),
        pltpu.VMEM((BLK,), jnp.int32),
        pltpu.VMEM((BLK,), jnp.int32),
        pltpu.VMEM((BLK,), jnp.int32),
        pltpu.VMEM((BLK,), jnp.int32),
        pltpu.VMEM((BLK,), jnp.int32),
        pltpu.VMEM((BLK,), jnp.float32),
        pltpu.VMEM((BLK,), jnp.float32),
        pltpu.VMEM((BLK,), jnp.float32),
        pltpu.VMEM((BLK,), jnp.float32),
        pltpu.VMEM((NPAD,), jnp.float32),
        pltpu.VMEM_SHARED((NPAD,), jnp.float32),
        pltpu.SemaphoreType.DMA,
        pltpu.SemaphoreType.DMA,
        pltpu.SemaphoreType.DMA,
        pltpu.SemaphoreType.DMA,
        pltpu.SemaphoreType.DMA,
        pltpu.SemaphoreType.DMA,
    ],
)(_sc_gather_scatter)




def _tc_prep(degp_ref, x_ref, dinv_ref, y1_ref):
    deg = degp_ref[0] + degp_ref[1] + 1.0
    dinv = lax.rsqrt(deg)
    dinv_ref[...] = dinv
    y1_ref[...] = dinv * x_ref[...]


def _tc_mid(sp_ref, y_ref, dinv_ref, w_ref, b_ref, y2_ref):
    s = sp_ref[0] + sp_ref[1]
    conv = w_ref[0, 0] * dinv_ref[...] * (s + y_ref[...]) + b_ref[0, 0]
    y2_ref[...] = dinv_ref[...] * jnp.maximum(conv, 0.0)


def _tc_final(sp_ref, y_ref, dinv_ref, w_ref, b_ref, wl_ref, bl_ref, out_ref):
    s = sp_ref[0] + sp_ref[1]
    h2 = w_ref[0, 0] * dinv_ref[...] * (s + y_ref[...]) + b_ref[0, 0]
    out_ref[...] = jnp.sum(h2 * wl_ref[...], keepdims=True) + bl_ref[...]


def kernel(x, edge_index, W1, b1, W2, b2, Wl, bl):
    f32 = jnp.float32
    xp = jnp.pad(x[:, 0].astype(f32), (0, NPAD - NNODE))
    wlp = jnp.pad(Wl[0].astype(f32), (0, NPAD - NNODE))
    zero = jnp.zeros((NPAD,), f32)
    one_blk = jnp.ones((BLK,), f32)
    edge_index = edge_index.astype(jnp.int32)

    deg_p = _deg_call(edge_index, one_blk, zero)

    dinv, y1 = pl.pallas_call(
        _tc_prep,
        out_shape=(jax.ShapeDtypeStruct((ROWS, LANES), f32),
                   jax.ShapeDtypeStruct((ROWS, LANES), f32)),
    )(deg_p.reshape(NC, ROWS, LANES), xp.reshape(ROWS, LANES))

    s1_p = _pass_call(edge_index, y1.reshape(NPAD), zero)

    y2 = pl.pallas_call(
        _tc_mid,
        out_shape=jax.ShapeDtypeStruct((ROWS, LANES), f32),
    )(s1_p.reshape(NC, ROWS, LANES), y1, dinv,
      W1.astype(f32), b1.reshape(1, 1).astype(f32))

    s2_p = _pass_call(edge_index, y2.reshape(NPAD), zero)

    out = pl.pallas_call(
        _tc_final,
        out_shape=jax.ShapeDtypeStruct((1, 1), f32),
    )(s2_p.reshape(NC, ROWS, LANES), y2, dinv,
      W2.astype(f32), b2.reshape(1, 1).astype(f32),
      wlp.reshape(ROWS, LANES), bl.reshape(1, 1).astype(f32))

    return out

# --- scband reference (transcript-rebuilt; emitter-appended) ---
"""Pipeline reference for scband-gcnmodel-31825707663963 (READ-ONLY COPY).

The authoritative reference and input builder live on the scoring server;
editing this copy changes nothing except your own understanding.
"""

import jax, jax.numpy as jnp
import numpy as np

N = 100000
E = 6400000

def setup_inputs(seed: int = 0) -> dict:
    key = jax.random.key(seed)
    ks = jax.random.split(key, 8)
    x = jax.random.normal(ks[0], (N, 1), dtype=jnp.float32)
    edge_index = jax.random.randint(ks[1], (2, E), 0, N)
    W1 = jax.random.normal(ks[2], (1, 1), dtype=jnp.float32)
    b1 = jnp.zeros((1,), dtype=jnp.float32)
    W2 = jax.random.normal(ks[3], (1, 1), dtype=jnp.float32)
    b2 = jnp.zeros((1,), dtype=jnp.float32)
    Wl = jax.random.normal(ks[4], (1, N), dtype=jnp.float32) * (1.0 / np.sqrt(N))
    bl = jnp.zeros((1,), dtype=jnp.float32)
    return {"x": x, "edge_index": edge_index, "W1": W1, "b1": b1, "W2": W2, "b2": b2, "Wl": Wl, "bl": bl}


def _gcn_conv(x, edge_index, W, b, num_nodes):
    # PyG GCNConv: add self loops, symmetric normalization, linear transform, scatter-add aggregation
    src = edge_index[0]
    dst = edge_index[1]
    loop = jnp.arange(num_nodes, dtype=src.dtype)
    src = jnp.concatenate([src, loop])
    dst = jnp.concatenate([dst, loop])
    deg = jnp.zeros((num_nodes,), dtype=x.dtype).at[dst].add(1.0)
    dinv = 1.0 / jnp.sqrt(deg)
    dinv = jnp.where(jnp.isinf(dinv), 0.0, dinv)
    norm = dinv[src] * dinv[dst]
    h = x @ W
    msg = h[src] * norm[:, None]
    out = jnp.zeros((num_nodes, h.shape[1]), dtype=x.dtype).at[dst].add(msg)
    return out + b


def reference(x, edge_index, W1, b1, W2, b2, Wl, bl):
    h = _gcn_conv(x, edge_index, W1, b1, N)
    h = jax.nn.relu(h)
    h = _gcn_conv(h, edge_index, W2, b2, N)
    # x.T -> [1, N]; Linear(N, 1) -> [1, 1]
    out = h.T @ Wl.T + bl
    return out

if __name__ == "__main__":
    import jax
    _d = setup_inputs()
    print(jax.jit(kernel)(*tuple(_d.values())))

</pallas_src>

<mosaic_0001>
#map = affine_map<(d0, d1) -> (0, 0)>
#map1 = affine_map<(d0, d1) -> (0)>
module attributes {stable_mosaic.version = 14 : i64} {
  func.func @_sc_gather_scatter(%arg0: i32, %arg1: i32, %arg2: memref<2x6400000xi32, #tpu.memory_space<hbm>>, %arg3: memref<100352xf32, #tpu.memory_space<hbm>>, %arg4: memref<100352xf32, #tpu.memory_space<hbm>>, %arg5: memref<2x100352xf32, #tpu.memory_space<hbm>>, %arg6: memref<2000xi32, #tpu.memory_space<vmem>>, %arg7: memref<2000xi32, #tpu.memory_space<vmem>>, %arg8: memref<2000xi32, #tpu.memory_space<vmem>>, %arg9: memref<2000xi32, #tpu.memory_space<vmem>>, %arg10: memref<2000xi32, #tpu.memory_space<vmem>>, %arg11: memref<2000xi32, #tpu.memory_space<vmem>>, %arg12: memref<2000xf32, #tpu.memory_space<vmem>>, %arg13: memref<2000xf32, #tpu.memory_space<vmem>>, %arg14: memref<2000xf32, #tpu.memory_space<vmem>>, %arg15: memref<2000xf32, #tpu.memory_space<vmem>>, %arg16: memref<100352xf32, #tpu.memory_space<vmem>>, %arg17: memref<100352xf32, #tpu.memory_space<vmem_shared>>, %arg18: memref<!tpu.dma_semaphore, #tpu.memory_space<semaphore_mem>>, %arg19: memref<!tpu.dma_semaphore, #tpu.memory_space<semaphore_mem>>, %arg20: memref<!tpu.dma_semaphore, #tpu.memory_space<semaphore_mem>>, %arg21: memref<!tpu.dma_semaphore, #tpu.memory_space<semaphore_mem>>, %arg22: memref<!tpu.dma_semaphore, #tpu.memory_space<semaphore_mem>>, %arg23: memref<!tpu.dma_semaphore, #tpu.memory_space<semaphore_mem>>) attributes {dimension_semantics = [#tpu.dimension_semantics<core_parallel>, #tpu.dimension_semantics<subcore_parallel>], iteration_bounds = array<i64: 2, 16>, scalar_prefetch = 0 : i64, scratch_operands = 18 : i64, tpu.core_type = #tpu.core_type<sc_vector_subcore>, window_params = [{transform_indices = #map}, {transform_indices = #map1}, {transform_indices = #map1}, {transform_indices = #map}]} {
    %mul3A = arith.constant 16 : i32
    %mul3A_0 = arith.muli %arg0, %mul3A : i32
    %add3A = arith.addi %mul3A_0, %arg1 : i32
    %mul3A_1 = arith.constant 200000 : i32
    %mul3A_2 = arith.muli %add3A, %mul3A_1 : i32
    %mul3A_3 = arith.constant 6272 : i32
    %mul3A_4 = arith.muli %arg1, %mul3A_3 : i32
    "tpu.region"() ({
      %run_scoped3A = tpu.sem_alloc : memref<!tpu.dma_semaphore, #tpu.memory_space<semaphore_mem>>
      tpu.enqueue_dma source(%arg3 : memref<100352xf32, #tpu.memory_space<hbm>>) target(%arg16 : memref<100352xf32, #tpu.memory_space<vmem>>) target_semaphore(%run_scoped3A : memref<!tpu.dma_semaphore, #tpu.memory_space<semaphore_mem>>)
      tpu.wait_dma2 semaphore(%run_scoped3A : memref<!tpu.dma_semaphore, #tpu.memory_space<semaphore_mem>>) src(%arg3 : memref<100352xf32, #tpu.memory_space<hbm>>) dst(%arg16 : memref<100352xf32, #tpu.memory_space<vmem>>)
      tpu.yield
    }) : () -> ()
    "tpu.region"() ({
      %run_scoped3A = tpu.sem_alloc : memref<!tpu.dma_semaphore, #tpu.memory_space<semaphore_mem>>
      %dma_start3A_27 = tpu.memref_slice %arg17[%mul3A_4] : memref<100352xf32, #tpu.memory_space<vmem_shared>> -> memref<6272xf32, #tpu.memory_space<vmem_shared>>
      %dma_start3A_28 = tpu.memref_slice %arg4[%mul3A_4] : memref<100352xf32, #tpu.memory_space<hbm>> -> memref<6272xf32, #tpu.memory_space<hbm>>
      tpu.enqueue_dma source(%dma_start3A_28 : memref<6272xf32, #tpu.memory_space<hbm>>) target(%dma_start3A_27 : memref<6272xf32, #tpu.memory_space<vmem_shared>>) target_semaphore(%run_scoped3A : memref<!tpu.dma_semaphore, #tpu.memory_space<semaphore_mem>>)
      %dma_wait3A_29 = tpu.memref_slice %arg17[%mul3A_4] : memref<100352xf32, #tpu.memory_space<vmem_shared>> -> memref<6272xf32, #tpu.memory_space<vmem_shared>>
      %dma_wait3A_30 = tpu.memref_slice %arg4[%mul3A_4] : memref<100352xf32, #tpu.memory_space<hbm>> -> memref<6272xf32, #tpu.memory_space<hbm>>
      tpu.wait_dma2 semaphore(%run_scoped3A : memref<!tpu.dma_semaphore, #tpu.memory_space<semaphore_mem>>) src(%dma_wait3A_30 : memref<6272xf32, #tpu.memory_space<hbm>>) dst(%dma_wait3A_29 : memref<6272xf32, #tpu.memory_space<vmem_shared>>)
      tpu.yield
    }) : () -> ()
    %barrier3A = arith.constant 0 : index
    tpu.barrier barrier_id(%barrier3A)
    %add3A_5 = arith.constant 0 : i32
    %add3A_6 = arith.addi %mul3A_2, %add3A_5 : i32
    %dma_start3A = arith.constant 0 : i32
    %dma_start3A_7 = tpu.memref_slice %arg2[%dma_start3A, %add3A_6] : memref<2x6400000xi32, #tpu.memory_space<hbm>> -> memref<1x2000xi32, #tpu.memory_space<hbm>>
    %dma_start3A_8 = tpu.memref_squeeze %dma_start3A_7 : memref<1x2000xi32, #tpu.memory_space<hbm>> -> memref<2000xi32, #tpu.memory_space<hbm>>
    %dma_start3A_9 = tpu.memref_slice %arg2[%dma_start3A, %add3A_6] : memref<2x6400000xi32, #tpu.memory_space<hbm>> -> memref<1x2000xi32, #tpu.memory_space<hbm>>
    %dma_start3A_10 = tpu.memref_squeeze %dma_start3A_9 : memref<1x2000xi32, #tpu.memory_space<hbm>> -> memref<2000xi32, #tpu.memory_space<hbm>>
    tpu.enqueue_dma source(%dma_start3A_10 : memref<2000xi32, #tpu.memory_space<hbm>>) target(%arg6 : memref<2000xi32, #tpu.memory_space<vmem>>) target_semaphore(%arg18 : memref<!tpu.dma_semaphore, #tpu.memory_space<semaphore_mem>>)
    %dma_start3A_11 = arith.constant 1 : i32
    %dma_start3A_12 = tpu.memref_slice %arg2[%dma_start3A_11, %add3A_6] : memref<2x6400000xi32, #tpu.memory_space<hbm>> -> memref<1x2000xi32, #tpu.memory_space<hbm>>
    %dma_start3A_13 = tpu.memref_squeeze %dma_start3A_12 : memref<1x2000xi32, #tpu.memory_space<hbm>> -> memref<2000xi32, #tpu.memory_space<hbm>>
    %dma_start3A_14 = tpu.memref_slice %arg2[%dma_start3A_11, %add3A_6] : memref<2x6400000xi32, #tpu.memory_space<hbm>> -> memref<1x2000xi32, #tpu.memory_space<hbm>>
    %dma_start3A_15 = tpu.memref_squeeze %dma_start3A_14 : memref<1x2000xi32, #tpu.memory_space<hbm>> -> memref<2000xi32, #tpu.memory_space<hbm>>
    tpu.enqueue_dma source(%dma_start3A_15 : memref<2000xi32, #tpu.memory_space<hbm>>) target(%arg8 : memref<2000xi32, #tpu.memory_space<vmem>>) target_semaphore(%arg18 : memref<!tpu.dma_semaphore, #tpu.memory_space<semaphore_mem>>)
    %scan3A = arith.constant 0 : i32
    %scan3A_16 = arith.constant 0 : i32
    %scan3A_17 = arith.constant 25 : i32
    %scan3A_18 = arith.addi %scan3A_16, %scan3A_17 : i32
    %scan3A_19 = arith.constant 1 : i32
    scf.for %scan3A_27 = %scan3A_16 to %scan3A_18 step %scan3A_19  : i32 {
      %mul3A_28 = arith.constant 4 : i32
      %mul3A_29 = arith.muli %mul3A_28, %scan3A_27 : i32
      %add3A_30 = arith.constant 0 : i32
      %add3A_31 = arith.addi %mul3A_29, %add3A_30 : i32
      %ge3A = arith.constant 1 : i32
      %ge3A_32 = arith.cmpi sge, %scan3A_27, %ge3A : i32
      %convert_element_type3A = arith.extui %ge3A_32 : i1 to i32
      %cond3A = arith.constant 0 : i32
      %cond3A_33 = arith.cmpi ne, %convert_element_type3A, %cond3A : i32
      scf.if %cond3A_33 {
        %dma_wait3A_182 = arith.constant 0 : i32
        %dma_wait3A_183 = tpu.memref_slice %arg17[%dma_wait3A_182] : memref<100352xf32, #tpu.memory_space<vmem_shared>> -> memref<100352xf32, #tpu.memory_space<vmem_shared>>
        tpu.wait_indirect_dma semaphore(%arg21 : memref<!tpu.dma_semaphore, #tpu.memory_space<semaphore_mem>>) src(%arg13 : memref<2000xf32, #tpu.memory_space<vmem>>) dst(%dma_wait3A_183 : memref<100352xf32, #tpu.memory_space<vmem_shared>>)
      } else {
      }
      %add3A_34 = arith.constant 1 : i32
      %add3A_35 = arith.addi %add3A_31, %add3A_34 : i32
      %mul3A_36 = arith.constant 2000 : i32
      %mul3A_37 = arith.muli %add3A_35, %mul3A_36 : i32
      %add3A_38 = arith.addi %mul3A_2, %mul3A_37 : i32
      %dma_start3A_39 = arith.constant 0 : i32
      %dma_start3A_40 = tpu.memref_slice %arg2[%dma_start3A_39, %add3A_38] : memref<2x6400000xi32, #tpu.memory_space<hbm>> -> memref<1x2000xi32, #tpu.memory_space<hbm>>
      %dma_start3A_41 = tpu.memref_squeeze %dma_start3A_40 : memref<1x2000xi32, #tpu.memory_space<hbm>> -> memref<2000xi32, #tpu.memory_space<hbm>>
      %dma_start3A_42 = tpu.memref_slice %arg2[%dma_start3A_39, %add3A_38] : memref<2x6400000xi32, #tpu.memory_space<hbm>> -> memref<1x2000xi32, #tpu.memory_space<hbm>>
      %dma_start3A_43 = tpu.memref_squeeze %dma_start3A_42 : memref<1x2000xi32, #tpu.memory_space<hbm>> -> memref<2000xi32, #tpu.memory_space<hbm>>
      tpu.enqueue_dma source(%dma_start3A_43 : memref<2000xi32, #tpu.memory_space<hbm>>) target(%arg7 : memref<2000xi32, #tpu.memory_space<vmem>>) target_semaphore(%arg19 : memref<!tpu.dma_semaphore, #tpu.memory_space<semaphore_mem>>)
      %dma_start3A_44 = arith.constant 1 : i32
      %dma_start3A_45 = tpu.memref_slice %arg2[%dma_start3A_44, %add3A_38] : memref<2x6400000xi32, #tpu.memory_space<hbm>> -> memref<1x2000xi32, #tpu.memory_space<hbm>>
      %dma_start3A_46 = tpu.memref_squeeze %dma_start3A_45 : memref<1x2000xi32, #tpu.memory_space<hbm>> -> memref<2000xi32, #tpu.memory_space<hbm>>
      %dma_start3A_47 = tpu.memref_slice %arg2[%dma_start3A_44, %add3A_38] : memref<2x6400000xi32, #tpu.memory_space<hbm>> -> memref<1x2000xi32, #tpu.memory_space<hbm>>
      %dma_start3A_48 = tpu.memref_squeeze %dma_start3A_47 : memref<1x2000xi32, #tpu.memory_space<hbm>> -> memref<2000xi32, #tpu.memory_space<hbm>>
      tpu.enqueue_dma source(%dma_start3A_48 : memref<2000xi32, #tpu.memory_space<hbm>>) target(%arg9 : memref<2000xi32, #tpu.memory_space<vmem>>) target_semaphore(%arg19 : memref<!tpu.dma_semaphore, #tpu.memory_space<semaphore_mem>>)
      %dma_wait3A_49 = arith.constant 0 : i32
      %dma_wait3A_50 = arith.constant 0 : i32
      %dma_wait3A_51 = tpu.memref_slice %arg2[%dma_wait3A_49, %dma_wait3A_50] : memref<2x6400000xi32, #tpu.memory_space<hbm>> -> memref<1x2000xi32, #tpu.memory_space<hbm>>
      %dma_wait3A_52 = tpu.memref_squeeze %dma_wait3A_51 : memref<1x2000xi32, #tpu.memory_space<hbm>> -> memref<2000xi32, #tpu.memory_space<hbm>>
      %dma_wait3A_53 = arith.constant 0 : i32
      %dma_wait3A_54 = tpu.memref_slice %arg2[%dma_wait3A_49, %dma_wait3A_53] : memref<2x6400000xi32, #tpu.memory_space<hbm>> -> memref<1x2000xi32, #tpu.memory_space<hbm>>
      %dma_wait3A_55 = tpu.memref_squeeze %dma_wait3A_54 : memref<1x2000xi32, #tpu.memory_space<hbm>> -> memref<2000xi32, #tpu.memory_space<hbm>>
      tpu.wait_dma2 semaphore(%arg18 : memref<!tpu.dma_semaphore, #tpu.memory_space<semaphore_mem>>) src(%dma_wait3A_55 : memref<2000xi32, #tpu.memory_space<hbm>>) dst(%arg6 : memref<2000xi32, #tpu.memory_space<vmem>>)
      %dma_wait3A_56 = arith.constant 1 : i32
      %dma_wait3A_57 = arith.constant 0 : i32
      %dma_wait3A_58 = tpu.memref_slice %arg2[%dma_wait3A_56, %dma_wait3A_57] : memref<2x6400000xi32, #tpu.memory_space<hbm>> -> memref<1x2000xi32, #tpu.memory_space<hbm>>
      %dma_wait3A_59 = tpu.memref_squeeze %dma_wait3A_58 : memref<1x2000xi32, #tpu.memory_space<hbm>> -> memref<2000xi32, #tpu.memory_space<hbm>>
      %dma_wait3A_60 = arith.constant 0 : i32
      %dma_wait3A_61 = tpu.memref_slice %arg2[%dma_wait3A_56, %dma_wait3A_60] : memref<2x6400000xi32, #tpu.memory_space<hbm>> -> memref<1x2000xi32, #tpu.memory_space<hbm>>
      %dma_wait3A_62 = tpu.memref_squeeze %dma_wait3A_61 : memref<1x2000xi32, #tpu.memory_space<hbm>> -> memref<2000xi32, #tpu.memory_space<hbm>>
      tpu.wait_dma2 semaphore(%arg18 : memref<!tpu.dma_semaphore, #tpu.memory_space<semaphore_mem>>) src(%dma_wait3A_62 : memref<2000xi32, #tpu.memory_space<hbm>>) dst(%arg8 : memref<2000xi32, #tpu.memory_space<vmem>>)
      %parallel_loop3A = arith.constant 0 : i32
      %parallel_loop3A_63 = arith.constant 2000 : i32
      %parallel_loop3A_64 = arith.constant 16 : i32
      scf.for %parallel_loop3A_182 = %parallel_loop3A to %parallel_loop3A_63 step %parallel_loop3A_64  : i32 {
        %parallel_loop3A_183 = arith.index_cast %parallel_loop3A_182 : i32 to index
        %parallel_loop3A_184 = tpu.vector_load %arg6[%parallel_loop3A_183] {strides = array<i32>} : memref<2000xi32, #tpu.memory_space<vmem>>, vector<16xi32>,
        %parallel_loop3A_185 = tpu.vector_load_idx %arg16[%parallel_loop3A_184] : memref<100352xf32, #tpu.memory_space<vmem>>[vector<16xi32>], vector<16xf32>,
        %parallel_loop3A_186 = arith.index_cast %parallel_loop3A_182 : i32 to index
        %parallel_loop3A_187 = tpu.vector_load %arg12[%parallel_loop3A_186] {strides = array<i32>} : memref<2000xf32, #tpu.memory_space<vmem>>, vector<16xf32>,
        tpu.vector_store %arg12[%parallel_loop3A_186], %parallel_loop3A_185 {strides = array<i32>} : memref<2000xf32, #tpu.memory_space<vmem>>, vector<16xf32>,
      } {sc.loop_unroll_factor = 16 : i64, sc.parallel_access}
      %dma_start3A_65 = arith.constant 0 : i32
      %dma_start3A_66 = tpu.memref_slice %arg17[%dma_start3A_65] : memref<100352xf32, #tpu.memory_space<vmem_shared>> -> memref<100352xf32, #tpu.memory_space<vmem_shared>>
      tpu.enqueue_indirect_dma source(%arg12 : memref<2000xf32, #tpu.memory_space<vmem>>) target(%dma_start3A_66 : memref<100352xf32, #tpu.memory_space<vmem_shared>>) offsets(%arg8 : memref<2000xi32, #tpu.memory_space<vmem>>) semaphore(%arg20 : memref<!tpu.dma_semaphore, #tpu.memory_space<semaphore_mem>>) {add = true}
      %mul3A_67 = arith.constant 4 : i32
      %mul3A_68 = arith.muli %mul3A_67, %scan3A_27 : i32
      %add3A_69 = arith.constant 1 : i32
      %add3A_70 = arith.addi %mul3A_68, %add3A_69 : i32
      %ge3A_71 = arith.constant 1 : i32
      %ge3A_72 = arith.cmpi sge, %scan3A_27, %ge3A_71 : i32
      %convert_element_type3A_73 = arith.extui %ge3A_72 : i1 to i32
      %cond3A_74 = arith.constant 0 : i32
      %cond3A_75 = arith.cmpi ne, %convert_element_type3A_73, %cond3A_74 : i32
      scf.if %cond3A_75 {
        %dma_wait3A_182 = arith.constant 0 : i32
        %dma_wait3A_183 = tpu.memref_slice %arg17[%dma_wait3A_182] : memref<100352xf32, #tpu.memory_space<vmem_shared>> -> memref<100352xf32, #tpu.memory_space<vmem_shared>>
        tpu.wait_indirect_dma semaphore(%arg22 : memref<!tpu.dma_semaphore, #tpu.memory_space<semaphore_mem>>) src(%arg14 : memref<2000xf32, #tpu.memory_space<vmem>>) dst(%dma_wait3A_183 : memref<100352xf32, #tpu.memory_space<vmem_shared>>)
      } else {
      }
      %add3A_76 = arith.constant 1 : i32
      %add3A_77 = arith.addi %add3A_70, %add3A_76 : i32
      %mul3A_78 = arith.constant 2000 : i32
      %mul3A_79 = arith.muli %add3A_77, %mul3A_78 : i32
      %add3A_80 = arith.addi %mul3A_2, %mul3A_79 : i32
      %dma_start3A_81 = arith.constant 0 : i32
      %dma_start3A_82 = tpu.memref_slice %arg2[%dma_start3A_81, %add3A_80] : memref<2x6400000xi32, #tpu.memory_space<hbm>> -> memref<1x2000xi32, #tpu.memory_space<hbm>>
      %dma_start3A_83 = tpu.memref_squeeze %dma_start3A_82 : memref<1x2000xi32, #tpu.memory_space<hbm>> -> memref<2000xi32, #tpu.memory_space<hbm>>
      %dma_start3A_84 = tpu.memref_slice %arg2[%dma_start3A_81, %add3A_80] : memref<2x6400000xi32, #tpu.memory_space<hbm>> -> memref<1x2000xi32, #tpu.memory_space<hbm>>
      %dma_start3A_85 = tpu.memref_squeeze %dma_start3A_84 : memref<1x2000xi32, #tpu.memory_space<hbm>> -> memref<2000xi32, #tpu.memory_space<hbm>>
      tpu.enqueue_dma source(%dma_start3A_85 : memref<2000xi32, #tpu.memory_space<hbm>>) target(%arg6 : memref<2000xi32, #tpu.memory_space<vmem>>) target_semaphore(%arg18 : memref<!tpu.dma_semaphore, #tpu.memory_space<semaphore_mem>>)
      %dma_start3A_86 = arith.constant 1 : i32
      %dma_start3A_87 = tpu.memref_slice %arg2[%dma_start3A_86, %add3A_80] : memref<2x6400000xi32, #tpu.memory_space<hbm>> -> memref<1x2000xi32, #tpu.memory_space<hbm>>
      %dma_start3A_88 = tpu.memref_squeeze %dma_start3A_87 : memref<1x2000xi32, #tpu.memory_space<hbm>> -> memref<2000xi32, #tpu.memory_space<hbm>>
      %dma_start3A_89 = tpu.memref_slice %arg2[%dma_start3A_86, %add3A_80] : memref<2x6400000xi32, #tpu.memory_space<hbm>> -> memref<1x2000xi32, #tpu.memory_space<hbm>>
      %dma_start3A_90 = tpu.memref_squeeze %dma_start3A_89 : memref<1x2000xi32, #tpu.memory_space<hbm>> -> memref<2000xi32, #tpu.memory_space<hbm>>
      tpu.enqueue_dma source(%dma_start3A_90 : memref<2000xi32, #tpu.memory_space<hbm>>) target(%arg10 : memref<2000xi32, #tpu.memory_space<vmem>>) target_semaphore(%arg18 : memref<!tpu.dma_semaphore, #tpu.memory_space<semaphore_mem>>)
      %dma_wait3A_91 = arith.constant 0 : i32
      %dma_wait3A_92 = arith.constant 0 : i32
      %dma_wait3A_93 = tpu.memref_slice %arg2[%dma_wait3A_91, %dma_wait3A_92] : memref<2x6400000xi32, #tpu.memory_space<hbm>> -> memref<1x2000xi32, #tpu.memory_space<hbm>>
      %dma_wait3A_94 = tpu.memref_squeeze %dma_wait3A_93 : memref<1x2000xi32, #tpu.memory_space<hbm>> -> memref<2000xi32, #tpu.memory_space<hbm>>
      %dma_wait3A_95 = arith.constant 0 : i32
      %dma_wait3A_96 = tpu.memref_slice %arg2[%dma_wait3A_91, %dma_wait3A_95] : memref<2x6400000xi32, #tpu.memory_space<hbm>> -> memref<1x2000xi32, #tpu.memory_space<hbm>>
      %dma_wait3A_97 = tpu.memref_squeeze %dma_wait3A_96 : memref<1x2000xi32, #tpu.memory_space<hbm>> -> memref<2000xi32, #tpu.memory_space<hbm>>
      tpu.wait_dma2 semaphore(%arg19 : memref<!tpu.dma_semaphore, #tpu.memory_space<semaphore_mem>>) src(%dma_wait3A_97 : memref<2000xi32, #tpu.memory_space<hbm>>) dst(%arg7 : memref<2000xi32, #tpu.memory_space<vmem>>)
      %dma_wait3A_98 = arith.constant 1 : i32
      %dma_wait3A_99 = arith.constant 0 : i32
      %dma_wait3A_100 = tpu.memref_slice %arg2[%dma_wait3A_98, %dma_wait3A_99] : memref<2x6400000xi32, #tpu.memory_space<hbm>> -> memref<1x2000xi32, #tpu.memory_space<hbm>>
      %dma_wait3A_101 = tpu.memref_squeeze %dma_wait3A_100 : memref<1x2000xi32, #tpu.memory_space<hbm>> -> memref<2000xi32, #tpu.memory_space<hbm>>
      %dma_wait3A_102 = arith.constant 0 : i32
      %dma_wait3A_103 = tpu.memref_slice %arg2[%dma_wait3A_98, %dma_wait3A_102] : memref<2x6400000xi32, #tpu.memory_space<hbm>> -> memref<1x2000xi32, #tpu.memory_space<hbm>>
      %dma_wait3A_104 = tpu.memref_squeeze %dma_wait3A_103 : memref<1x2000xi32, #tpu.memory_space<hbm>> -> memref<2000xi32, #tpu.memory_space<hbm>>
      tpu.wait_dma2 semaphore(%arg19 : memref<!tpu.dma_semaphore, #tpu.memory_space<semaphore_mem>>) src(%dma_wait3A_104 : memref<2000xi32, #tpu.memory_space<hbm>>) dst(%arg9 : memref<2000xi32, #tpu.memory_space<vmem>>)
      %parallel_loop3A_105 = arith.constant 0 : i32
      %parallel_loop3A_106 = arith.constant 2000 : i32
      %parallel_loop3A_107 = arith.constant 16 : i32
      scf.for %parallel_loop3A_182 = %parallel_loop3A_105 to %parallel_loop3A_106 step %parallel_loop3A_107  : i32 {
        %parallel_loop3A_183 = arith.index_cast %parallel_loop3A_182 : i32 to index
        %parallel_loop3A_184 = tpu.vector_load %arg7[%parallel_loop3A_183] {strides = array<i32>} : memref<2000xi32, #tpu.memory_space<vmem>>, vector<16xi32>,
        %parallel_loop3A_185 = tpu.vector_load_idx %arg16[%parallel_loop3A_184] : memref<100352xf32, #tpu.memory_space<vmem>>[vector<16xi32>], vector<16xf32>,
        %parallel_loop3A_186 = arith.index_cast %parallel_loop3A_182 : i32 to index
        %parallel_loop3A_187 = tpu.vector_load %arg13[%parallel_loop3A_186] {strides = array<i32>} : memref<2000xf32, #tpu.memory_space<vmem>>, vector<16xf32>,
        tpu.vector_store %arg13[%parallel_loop3A_186], %parallel_loop3A_185 {strides = array<i32>} : memref<2000xf32, #tpu.memory_space<vmem>>, vector<16xf32>,
      } {sc.loop_unroll_factor = 16 : i64, sc.parallel_access}
      %dma_start3A_108 = arith.constant 0 : i32
      %dma_start3A_109 = tpu.memref_slice %arg17[%dma_start3A_108] : memref<100352xf32, #tpu.memory_space<vmem_shared>> -> memref<100352xf32, #tpu.memory_space<vmem_shared>>
      tpu.enqueue_indirect_dma source(%arg13 : memref<2000xf32, #tpu.memory_space<vmem>>) target(%dma_start3A_109 : memref<100352xf32, #tpu.memory_space<vmem_shared>>) offsets(%arg9 : memref<2000xi32, #tpu.memory_space<vmem>>) semaphore(%arg21 : memref<!tpu.dma_semaphore, #tpu.memory_space<semaphore_mem>>) {add = true}
      %mul3A_110 = arith.constant 4 : i32
      %mul3A_111 = arith.muli %mul3A_110, %scan3A_27 : i32
      %add3A_112 = arith.constant 2 : i32
      %add3A_113 = arith.addi %mul3A_111, %add3A_112 : i32
      %ge3A_114 = arith.constant 1 : i32
      %ge3A_115 = arith.cmpi sge, %scan3A_27, %ge3A_114 : i32
      %convert_element_type3A_116 = arith.extui %ge3A_115 : i1 to i32
      %cond3A_117 = arith.constant 0 : i32
      %cond3A_118 = arith.cmpi ne, %convert_element_type3A_116, %cond3A_117 : i32
      scf.if %cond3A_118 {
        %dma_wait3A_182 = arith.constant 0 : i32
        %dma_wait3A_183 = tpu.memref_slice %arg17[%dma_wait3A_182] : memref<100352xf32, #tpu.memory_space<vmem_shared>> -> memref<100352xf32, #tpu.memory_space<vmem_shared>>
        tpu.wait_indirect_dma semaphore(%arg23 : memref<!tpu.dma_semaphore, #tpu.memory_space<semaphore_mem>>) src(%arg15 : memref<2000xf32, #tpu.memory_space<vmem>>) dst(%dma_wait3A_183 : memref<100352xf32, #tpu.memory_space<vmem_shared>>)
      } else {
      }
      %add3A_119 = arith.constant 1 : i32
      %add3A_120 = arith.addi %add3A_113, %add3A_119 : i32
      %mul3A_121 = arith.constant 2000 : i32
      %mul3A_122 = arith.muli %add3A_120, %mul3A_121 : i32
      %add3A_123 = arith.addi %mul3A_2, %mul3A_122 : i32
      %dma_start3A_124 = arith.constant 0 : i32
      %dma_start3A_125 = tpu.memref_slice %arg2[%dma_start3A_124, %add3A_123] : memref<2x6400000xi32, #tpu.memory_space<hbm>> -> memref<1x2000xi32, #tpu.memory_space<hbm>>
      %dma_start3A_126 = tpu.memref_squeeze %dma_start3A_125 : memref<1x2000xi32, #tpu.memory_space<hbm>> -> memref<2000xi32, #tpu.memory_space<hbm>>
      %dma_start3A_127 = tpu.memref_slice %arg2[%dma_start3A_124, %add3A_123] : memref<2x6400000xi32, #tpu.memory_space<hbm>> -> memref<1x2000xi32, #tpu.memory_space<hbm>>
      %dma_start3A_128 = tpu.memref_squeeze %dma_start3A_127 : memref<1x2000xi32, #tpu.memory_space<hbm>> -> memref<2000xi32, #tpu.memory_space<hbm>>
      tpu.enqueue_dma source(%dma_start3A_128 : memref<2000xi32, #tpu.memory_space<hbm>>) target(%arg7 : memref<2000xi32, #tpu.memory_space<vmem>>) target_semaphore(%arg19 : memref<!tpu.dma_semaphore, #tpu.memory_space<semaphore_mem>>)
      %dma_start3A_129 = arith.constant 1 : i32
      %dma_start3A_130 = tpu.memref_slice %arg2[%dma_start3A_129, %add3A_123] : memref<2x6400000xi32, #tpu.memory_space<hbm>> -> memref<1x2000xi32, #tpu.memory_space<hbm>>
      %dma_start3A_131 = tpu.memref_squeeze %dma_start3A_130 : memref<1x2000xi32, #tpu.memory_space<hbm>> -> memref<2000xi32, #tpu.memory_space<hbm>>
      %dma_start3A_132 = tpu.memref_slice %arg2[%dma_start3A_129, %add3A_123] : memref<2x6400000xi32, #tpu.memory_space<hbm>> -> memref<1x2000xi32, #tpu.memory_space<hbm>>
      %dma_start3A_133 = tpu.memref_squeeze %dma_start3A_132 : memref<1x2000xi32, #tpu.memory_space<hbm>> -> memref<2000xi32, #tpu.memory_space<hbm>>
      tpu.enqueue_dma source(%dma_start3A_133 : memref<2000xi32, #tpu.memory_space<hbm>>) target(%arg11 : memref<2000xi32, #tpu.memory_space<vmem>>) target_semaphore(%arg19 : memref<!tpu.dma_semaphore, #tpu.memory_space<semaphore_mem>>)
      %dma_wait3A_134 = arith.constant 0 : i32
      %dma_wait3A_135 = arith.constant 0 : i32
      %dma_wait3A_136 = tpu.memref_slice %arg2[%dma_wait3A_134, %dma_wait3A_135] : memref<2x6400000xi32, #tpu.memory_space<hbm>> -> memref<1x2000xi32, #tpu.memory_space<hbm>>
      %dma_wait3A_137 = tpu.memref_squeeze %dma_wait3A_136 : memref<1x2000xi32, #tpu.memory_space<hbm>> -> memref<2000xi32, #tpu.memory_space<hbm>>
      %dma_wait3A_138 = arith.constant 0 : i32
      %dma_wait3A_139 = tpu.memref_slice %arg2[%dma_wait3A_134, %dma_wait3A_138] : memref<2x6400000xi32, #tpu.memory_space<hbm>> -> memref<1x2000xi32, #tpu.memory_space<hbm>>
      %dma_wait3A_140 = tpu.memref_squeeze %dma_wait3A_139 : memref<1x2000xi32, #tpu.memory_space<hbm>> -> memref<2000xi32, #tpu.memory_space<hbm>>
      tpu.wait_dma2 semaphore(%arg18 : memref<!tpu.dma_semaphore, #tpu.memory_space<semaphore_mem>>) src(%dma_wait3A_140 : memref<2000xi32, #tpu.memory_space<hbm>>) dst(%arg6 : memref<2000xi32, #tpu.memory_space<vmem>>)
      %dma_wait3A_141 = arith.constant 1 : i32
      %dma_wait3A_142 = arith.constant 0 : i32
      %dma_wait3A_143 = tpu.memref_slice %arg2[%dma_wait3A_141, %dma_wait3A_142] : memref<2x6400000xi32, #tpu.memory_space<hbm>> -> memref<1x2000xi32, #tpu.memory_space<hbm>>
      %dma_wait3A_144 = tpu.memref_squeeze %dma_wait3A_143 : memref<1x2000xi32, #tpu.memory_space<hbm>> -> memref<2000xi32, #tpu.memory_space<hbm>>
      %dma_wait3A_145 = arith.constant 0 : i32
      %dma_wait3A_146 = tpu.memref_slice %arg2[%dma_wait3A_141, %dma_wait3A_145] : memref<2x6400000xi32, #tpu.memory_space<hbm>> -> memref<1x2000xi32, #tpu.memory_space<hbm>>
      %dma_wait3A_147 = tpu.memref_squeeze %dma_wait3A_146 : memref<1x2000xi32, #tpu.memory_space<hbm>> -> memref<2000xi32, #tpu.memory_space<hbm>>
      tpu.wait_dma2 semaphore(%arg18 : memref<!tpu.dma_semaphore, #tpu.memory_space<semaphore_mem>>) src(%dma_wait3A_147 : memref<2000xi32, #tpu.memory_space<hbm>>) dst(%arg10 : memref<2000xi32, #tpu.memory_space<vmem>>)
      %parallel_loop3A_148 = arith.constant 0 : i32
      %parallel_loop3A_149 = arith.constant 2000 : i32
      %parallel_loop3A_150 = arith.constant 16 : i32
      scf.for %parallel_loop3A_182 = %parallel_loop3A_148 to %parallel_loop3A_149 step %parallel_loop3A_150  : i32 {
        %parallel_loop3A_183 = arith.index_cast %parallel_loop3A_182 : i32 to index
        %parallel_loop3A_184 = tpu.vector_load %arg6[%parallel_loop3A_183] {strides = array<i32>} : memref<2000xi32, #tpu.memory_space<vmem>>, vector<16xi32>,
        %parallel_loop3A_185 = tpu.vector_load_idx %arg16[%parallel_loop3A_184] : memref<100352xf32, #tpu.memory_space<vmem>>[vector<16xi32>], vector<16xf32>,
        %parallel_loop3A_186 = arith.index_cast %parallel_loop3A_182 : i32 to index
        %parallel_loop3A_187 = tpu.vector_load %arg14[%parallel_loop3A_186] {strides = array<i32>} : memref<2000xf32, #tpu.memory_space<vmem>>, vector<16xf32>,
        tpu.vector_store %arg14[%parallel_loop3A_186], %parallel_loop3A_185 {strides = array<i32>} : memref<2000xf32, #tpu.memory_space<vmem>>, vector<16xf32>,
      } {sc.loop_unroll_factor = 16 : i64, sc.parallel_access}
      %dma_start3A_151 = arith.constant 0 : i32
      %dma_start3A_152 = tpu.memref_slice %arg17[%dma_start3A_151] : memref<100352xf32, #tpu.memory_space<vmem_shared>> -> memref<100352xf32, #tpu.memory_space<vmem_shared>>
      tpu.enqueue_indirect_dma source(%arg14 : memref<2000xf32, #tpu.memory_space<vmem>>) target(%dma_start3A_152 : memref<100352xf32, #tpu.memory_space<vmem_shared>>) offsets(%arg10 : memref<2000xi32, #tpu.memory_space<vmem>>) semaphore(%arg22 : memref<!tpu.dma_semaphore, #tpu.memory_space<semaphore_mem>>) {add = true}
      %mul3A_153 = arith.constant 4 : i32
      %mul3A_154 = arith.muli %mul3A_153, %scan3A_27 : i32
      %add3A_155 = arith.constant 3 : i32
      %add3A_156 = arith.addi %mul3A_154, %add3A_155 : i32
      %dma_wait3A_157 = arith.constant 0 : i32
      %dma_wait3A_158 = tpu.memref_slice %arg17[%dma_wait3A_157] : memref<100352xf32, #tpu.memory_space<vmem_shared>> -> memref<100352xf32, #tpu.memory_space<vmem_shared>>
      tpu.wait_indirect_dma semaphore(%arg20 : memref<!tpu.dma_semaphore, #tpu.memory_space<semaphore_mem>>) src(%arg12 : memref<2000xf32, #tpu.memory_space<vmem>>) dst(%dma_wait3A_158 : memref<100352xf32, #tpu.memory_space<vmem_shared>>)
      %lt3A = arith.constant 24 : i32
      %lt3A_159 = arith.cmpi slt, %scan3A_27, %lt3A : i32
      %convert_element_type3A_160 = arith.extui %lt3A_159 : i1 to i32
      %cond3A_161 = arith.constant 0 : i32
      %cond3A_162 = arith.cmpi ne, %convert_element_type3A_160, %cond3A_161 : i32
      scf.if %cond3A_162 {
        %add3A_182 = arith.constant 1 : i32
        %add3A_183 = arith.addi %add3A_156, %add3A_182 : i32
        %mul3A_184 = arith.constant 2000 : i32
        %mul3A_185 = arith.muli %add3A_183, %mul3A_184 : i32
        %add3A_186 = arith.addi %mul3A_2, %mul3A_185 : i32
        %dma_start3A_187 = arith.constant 0 : i32
        %dma_start3A_188 = tpu.memref_slice %arg2[%dma_start3A_187, %add3A_186] : memref<2x6400000xi32, #tpu.memory_space<hbm>> -> memref<1x2000xi32, #tpu.memory_space<hbm>>
        %dma_start3A_189 = tpu.memref_squeeze %dma_start3A_188 : memref<1x2000xi32, #tpu.memory_space<hbm>> -> memref<2000xi32, #tpu.memory_space<hbm>>
        %dma_start3A_190 = tpu.memref_slice %arg2[%dma_start3A_187, %add3A_186] : memref<2x6400000xi32, #tpu.memory_space<hbm>> -> memref<1x2000xi32, #tpu.memory_space<hbm>>
        %dma_start3A_191 = tpu.memref_squeeze %dma_start3A_190 : memref<1x2000xi32, #tpu.memory_space<hbm>> -> memref<2000xi32, #tpu.memory_space<hbm>>
        tpu.enqueue_dma source(%dma_start3A_191 : memref<2000xi32, #tpu.memory_space<hbm>>) target(%arg6 : memref<2000xi32, #tpu.memory_space<vmem>>) target_semaphore(%arg18 : memref<!tpu.dma_semaphore, #tpu.memory_space<semaphore_mem>>)
        %dma_start3A_192 = arith.constant 1 : i32
        %dma_start3A_193 = tpu.memref_slice %arg2[%dma_start3A_192, %add3A_186] : memref<2x6400000xi32, #tpu.memory_space<hbm>> -> memref<1x2000xi32, #tpu.memory_space<hbm>>
        %dma_start3A_194 = tpu.memref_squeeze %dma_start3A_193 : memref<1x2000xi32, #tpu.memory_space<hbm>> -> memref<2000xi32, #tpu.memory_space<hbm>>
        %dma_start3A_195 = tpu.memref_slice %arg2[%dma_start3A_192, %add3A_186] : memref<2x6400000xi32, #tpu.memory_space<hbm>> -> memref<1x2000xi32, #tpu.memory_space<hbm>>
        %dma_start3A_196 = tpu.memref_squeeze %dma_start3A_195 : memref<1x2000xi32, #tpu.memory_space<hbm>> -> memref<2000xi32, #tpu.memory_space<hbm>>
        tpu.enqueue_dma source(%dma_start3A_196 : memref<2000xi32, #tpu.memory_space<hbm>>) target(%arg8 : memref<2000xi32, #tpu.memory_space<vmem>>) target_semaphore(%arg18 : memref<!tpu.dma_semaphore, #tpu.memory_space<semaphore_mem>>)
      } else {
      }
      %dma_wait3A_163 = arith.constant 0 : i32
      %dma_wait3A_164 = arith.constant 0 : i32
      %dma_wait3A_165 = tpu.memref_slice %arg2[%dma_wait3A_163, %dma_wait3A_164] : memref<2x6400000xi32, #tpu.memory_space<hbm>> -> memref<1x2000xi32, #tpu.memory_space<hbm>>
      %dma_wait3A_166 = tpu.memref_squeeze %dma_wait3A_165 : memref<1x2000xi32, #tpu.memory_space<hbm>> -> memref<2000xi32, #tpu.memory_space<hbm>>
      %dma_wait3A_167 = arith.constant 0 : i32
      %dma_wait3A_168 = tpu.memref_slice %arg2[%dma_wait3A_163, %dma_wait3A_167] : memref<2x6400000xi32, #tpu.memory_space<hbm>> -> memref<1x2000xi32, #tpu.memory_space<hbm>>
      %dma_wait3A_169 = tpu.memref_squeeze %dma_wait3A_168 : memref<1x2000xi32, #tpu.memory_space<hbm>> -> memref<2000xi32, #tpu.memory_space<hbm>>
      tpu.wait_dma2 semaphore(%arg19 : memref<!tpu.dma_semaphore, #tpu.memory_space<semaphore_mem>>) src(%dma_wait3A_169 : memref<2000xi32, #tpu.memory_space<hbm>>) dst(%arg7 : memref<2000xi32, #tpu.memory_space<vmem>>)
      %dma_wait3A_170 = arith.constant 1 : i32
      %dma_wait3A_171 = arith.constant 0 : i32
      %dma_wait3A_172 = tpu.memref_slice %arg2[%dma_wait3A_170, %dma_wait3A_171] : memref<2x6400000xi32, #tpu.memory_space<hbm>> -> memref<1x2000xi32, #tpu.memory_space<hbm>>
      %dma_wait3A_173 = tpu.memref_squeeze %dma_wait3A_172 : memref<1x2000xi32, #tpu.memory_space<hbm>> -> memref<2000xi32, #tpu.memory_space<hbm>>
      %dma_wait3A_174 = arith.constant 0 : i32
      %dma_wait3A_175 = tpu.memref_slice %arg2[%dma_wait3A_170, %dma_wait3A_174] : memref<2x6400000xi32, #tpu.memory_space<hbm>> -> memref<1x2000xi32, #tpu.memory_space<hbm>>
      %dma_wait3A_176 = tpu.memref_squeeze %dma_wait3A_175 : memref<1x2000xi32, #tpu.memory_space<hbm>> -> memref<2000xi32, #tpu.memory_space<hbm>>
      tpu.wait_dma2 semaphore(%arg19 : memref<!tpu.dma_semaphore, #tpu.memory_space<semaphore_mem>>) src(%dma_wait3A_176 : memref<2000xi32, #tpu.memory_space<hbm>>) dst(%arg11 : memref<2000xi32, #tpu.memory_space<vmem>>)
      %parallel_loop3A_177 = arith.constant 0 : i32
      %parallel_loop3A_178 = arith.constant 2000 : i32
      %parallel_loop3A_179 = arith.constant 16 : i32
      scf.for %parallel_loop3A_182 = %parallel_loop3A_177 to %parallel_loop3A_178 step %parallel_loop3A_179  : i32 {
        %parallel_loop3A_183 = arith.index_cast %parallel_loop3A_182 : i32 to index
        %parallel_loop3A_184 = tpu.vector_load %arg7[%parallel_loop3A_183] {strides = array<i32>} : memref<2000xi32, #tpu.memory_space<vmem>>, vector<16xi32>,
        %parallel_loop3A_185 = tpu.vector_load_idx %arg16[%parallel_loop3A_184] : memref<100352xf32, #tpu.memory_space<vmem>>[vector<16xi32>], vector<16xf32>,
        %parallel_loop3A_186 = arith.index_cast %parallel_loop3A_182 : i32 to index
        %parallel_loop3A_187 = tpu.vector_load %arg15[%parallel_loop3A_186] {strides = array<i32>} : memref<2000xf32, #tpu.memory_space<vmem>>, vector<16xf32>,
        tpu.vector_store %arg15[%parallel_loop3A_186], %parallel_loop3A_185 {strides = array<i32>} : memref<2000xf32, #tpu.memory_space<vmem>>, vector<16xf32>,
      } {sc.loop_unroll_factor = 16 : i64, sc.parallel_access}
      %dma_start3A_180 = arith.constant 0 : i32
      %dma_start3A_181 = tpu.memref_slice %arg17[%dma_start3A_180] : memref<100352xf32, #tpu.memory_space<vmem_shared>> -> memref<100352xf32, #tpu.memory_space<vmem_shared>>
      tpu.enqueue_indirect_dma source(%arg15 : memref<2000xf32, #tpu.memory_space<vmem>>) target(%dma_start3A_181 : memref<100352xf32, #tpu.memory_space<vmem_shared>>) offsets(%arg11 : memref<2000xi32, #tpu.memory_space<vmem>>) semaphore(%arg23 : memref<!tpu.dma_semaphore, #tpu.memory_space<semaphore_mem>>) {add = true}
    }
    %scan3A_20 = arith.constant 25 : i32
    %dma_wait3A = arith.constant 0 : i32
    %dma_wait3A_21 = tpu.memref_slice %arg17[%dma_wait3A] : memref<100352xf32, #tpu.memory_space<vmem_shared>> -> memref<100352xf32, #tpu.memory_space<vmem_shared>>
    tpu.wait_indirect_dma semaphore(%arg21 : memref<!tpu.dma_semaphore, #tpu.memory_space<semaphore_mem>>) src(%arg13 : memref<2000xf32, #tpu.memory_space<vmem>>) dst(%dma_wait3A_21 : memref<100352xf32, #tpu.memory_space<vmem_shared>>)
    %dma_wait3A_22 = arith.constant 0 : i32
    %dma_wait3A_23 = tpu.memref_slice %arg17[%dma_wait3A_22] : memref<100352xf32, #tpu.memory_space<vmem_shared>> -> memref<100352xf32, #tpu.memory_space<vmem_shared>>
    tpu.wait_indirect_dma semaphore(%arg22 : memref<!tpu.dma_semaphore, #tpu.memory_space<semaphore_mem>>) src(%arg14 : memref<2000xf32, #tpu.memory_space<vmem>>) dst(%dma_wait3A_23 : memref<100352xf32, #tpu.memory_space<vmem_shared>>)
    %dma_wait3A_24 = arith.constant 0 : i32
    %dma_wait3A_25 = tpu.memref_slice %arg17[%dma_wait3A_24] : memref<100352xf32, #tpu.memory_space<vmem_shared>> -> memref<100352xf32, #tpu.memory_space<vmem_shared>>
    tpu.wait_indirect_dma semaphore(%arg23 : memref<!tpu.dma_semaphore, #tpu.memory_space<semaphore_mem>>) src(%arg15 : memref<2000xf32, #tpu.memory_space<vmem>>) dst(%dma_wait3A_25 : memref<100352xf32, #tpu.memory_space<vmem_shared>>)
    %barrier3A_26 = arith.constant 0 : index
    tpu.barrier barrier_id(%barrier3A_26)
    "tpu.region"() ({
      %run_scoped3A = tpu.sem_alloc : memref<!tpu.dma_semaphore, #tpu.memory_space<semaphore_mem>>
      %dma_start3A_27 = tpu.memref_slice %arg5[%arg0, %mul3A_4] : memref<2x100352xf32, #tpu.memory_space<hbm>> -> memref<1x6272xf32, #tpu.memory_space<hbm>>
      %dma_start3A_28 = tpu.memref_squeeze %dma_start3A_27 : memref<1x6272xf32, #tpu.memory_space<hbm>> -> memref<6272xf32, #tpu.memory_space<hbm>>
      %dma_start3A_29 = tpu.memref_slice %arg17[%mul3A_4] : memref<100352xf32, #tpu.memory_space<vmem_shared>> -> memref<6272xf32, #tpu.memory_space<vmem_shared>>
      tpu.enqueue_dma source(%dma_start3A_29 : memref<6272xf32, #tpu.memory_space<vmem_shared>>) target(%dma_start3A_28 : memref<6272xf32, #tpu.memory_space<hbm>>) target_semaphore(%run_scoped3A : memref<!tpu.dma_semaphore, #tpu.memory_space<semaphore_mem>>)
      %dma_wait3A_30 = tpu.memref_slice %arg5[%arg0, %mul3A_4] : memref<2x100352xf32, #tpu.memory_space<hbm>> -> memref<1x6272xf32, #tpu.memory_space<hbm>>
      %dma_wait3A_31 = tpu.memref_squeeze %dma_wait3A_30 : memref<1x6272xf32, #tpu.memory_space<hbm>> -> memref<6272xf32, #tpu.memory_space<hbm>>
      %dma_wait3A_32 = tpu.memref_slice %arg17[%mul3A_4] : memref<100352xf32, #tpu.memory_space<vmem_shared>> -> memref<6272xf32, #tpu.memory_space<vmem_shared>>
      tpu.wait_dma2 semaphore(%run_scoped3A : memref<!tpu.dma_semaphore, #tpu.memory_space<semaphore_mem>>) src(%dma_wait3A_32 : memref<6272xf32, #tpu.memory_space<vmem_shared>>) dst(%dma_wait3A_31 : memref<6272xf32, #tpu.memory_space<hbm>>)
      tpu.yield
    }) : () -> ()
    return
  }
}

#map = affine_map<(d0, d1) -> (0, 0)>
#map1 = affine_map<(d0, d1) -> (0)>
module attributes {stable_mosaic.version = 14 : i64} {
  func.func @_sc_gather_scatter(%arg0: i32, %arg1: i32, %arg2: memref<2x6400000xi32, #tpu.memory_space<hbm>>, %arg3: memref<100352xf32, #tpu.memory_space<hbm>>, %arg4: memref<100352xf32, #tpu.memory_space<hbm>>, %arg5: memref<2x100352xf32, #tpu.memory_space<hbm>>, %arg6: memref<2000xi32, #tpu.memory_space<vmem>>, %arg7: memref<2000xi32, #tpu.memory_space<vmem>>, %arg8: memref<2000xi32, #tpu.memory_space<vmem>>, %arg9: memref<2000xi32, #tpu.memory_space<vmem>>, %arg10: memref<2000xi32, #tpu.memory_space<vmem>>, %arg11: memref<2000xi32, #tpu.memory_space<vmem>>, %arg12: memref<2000xf32, #tpu.memory_space<vmem>>, %arg13: memref<2000xf32, #tpu.memory_space<vmem>>, %arg14: memref<2000xf32, #tpu.memory_space<vmem>>, %arg15: memref<2000xf32, #tpu.memory_space<vmem>>, %arg16: memref<100352xf32, #tpu.memory_space<vmem>>, %arg17: memref<100352xf32, #tpu.memory_space<vmem_shared>>, %arg18: memref<!tpu.dma_semaphore, #tpu.memory_space<semaphore_mem>>, %arg19: memref<!tpu.dma_semaphore, #tpu.memory_space<semaphore_mem>>, %arg20: memref<!tpu.dma_semaphore, #tpu.memory_space<semaphore_mem>>, %arg21: memref<!tpu.dma_semaphore, #tpu.memory_space<semaphore_mem>>, %arg22: memref<!tpu.dma_semaphore, #tpu.memory_space<semaphore_mem>>, %arg23: memref<!tpu.dma_semaphore, #tpu.memory_space<semaphore_mem>>) attributes {dimension_semantics = [#tpu.dimension_semantics<core_parallel>, #tpu.dimension_semantics<subcore_parallel>], iteration_bounds = array<i64: 2, 16>, scalar_prefetch = 0 : i64, scratch_operands = 18 : i64, tpu.core_type = #tpu.core_type<sc_vector_subcore>, window_params = [{transform_indices = #map}, {transform_indices = #map1}, {transform_indices = #map1}, {transform_indices = #map}]} {
    %mul3A = arith.constant 16 : i32
    %mul3A_0 = arith.muli %arg0, %mul3A : i32
    %add3A = arith.addi %mul3A_0, %arg1 : i32
    %mul3A_1 = arith.constant 200000 : i32
    %mul3A_2 = arith.muli %add3A, %mul3A_1 : i32
    %mul3A_3 = arith.constant 6272 : i32
    %mul3A_4 = arith.muli %arg1, %mul3A_3 : i32
    "tpu.region"() ({
      %run_scoped3A = tpu.sem_alloc : memref<!tpu.dma_semaphore, #tpu.memory_space<semaphore_mem>>
      tpu.enqueue_dma source(%arg3 : memref<100352xf32, #tpu.memory_space<hbm>>) target(%arg16 : memref<100352xf32, #tpu.memory_space<vmem>>) target_semaphore(%run_scoped3A : memref<!tpu.dma_semaphore, #tpu.memory_space<semaphore_mem>>)
      tpu.wait_dma2 semaphore(%run_scoped3A : memref<!tpu.dma_semaphore, #tpu.memory_space<semaphore_mem>>) src(%arg3 : memref<100352xf32, #tpu.memory_space<hbm>>) dst(%arg16 : memref<100352xf32, #tpu.memory_space<vmem>>)
      tpu.yield
    }) : () -> ()
    "tpu.region"() ({
      %run_scoped3A = tpu.sem_alloc : memref<!tpu.dma_semaphore, #tpu.memory_space<semaphore_mem>>
      %dma_start3A_27 = tpu.memref_slice %arg17[%mul3A_4] : memref<100352xf32, #tpu.memory_space<vmem_shared>> -> memref<6272xf32, #tpu.memory_space<vmem_shared>>
      %dma_start3A_28 = tpu.memref_slice %arg4[%mul3A_4] : memref<100352xf32, #tpu.memory_space<hbm>> -> memref<6272xf32, #tpu.memory_space<hbm>>
      tpu.enqueue_dma source(%dma_start3A_28 : memref<6272xf32, #tpu.memory_space<hbm>>) target(%dma_start3A_27 : memref<6272xf32, #tpu.memory_space<vmem_shared>>) target_semaphore(%run_scoped3A : memref<!tpu.dma_semaphore, #tpu.memory_space<semaphore_mem>>)
      %dma_wait3A_29 = tpu.memref_slice %arg17[%mul3A_4] : memref<100352xf32, #tpu.memory_space<vmem_shared>> -> memref<6272xf32, #tpu.memory_space<vmem_shared>>
      %dma_wait3A_30 = tpu.memref_slice %arg4[%mul3A_4] : memref<100352xf32, #tpu.memory_space<hbm>> -> memref<6272xf32, #tpu.memory_space<hbm>>
      tpu.wait_dma2 semaphore(%run_scoped3A : memref<!tpu.dma_semaphore, #tpu.memory_space<semaphore_mem>>) src(%dma_wait3A_30 : memref<6272xf32, #tpu.memory_space<hbm>>) dst(%dma_wait3A_29 : memref<6272xf32, #tpu.memory_space<vmem_shared>>)
      tpu.yield
    }) : () -> ()
    %barrier3A = arith.constant 0 : index
    tpu.barrier barrier_id(%barrier3A)
    %add3A_5 = arith.constant 0 : i32
    %add3A_6 = arith.addi %mul3A_2, %add3A_5 : i32
    %dma_start3A = arith.constant 0 : i32
    %dma_start3A_7 = tpu.memref_slice %arg2[%dma_start3A, %add3A_6] : memref<2x6400000xi32, #tpu.memory_space<hbm>> -> memref<1x2000xi32, #tpu.memory_space<hbm>>
    %dma_start3A_8 = tpu.memref_squeeze %dma_start3A_7 : memref<1x2000xi32, #tpu.memory_space<hbm>> -> memref<2000xi32, #tpu.memory_space<hbm>>
    %dma_start3A_9 = tpu.memref_slice %arg2[%dma_start3A, %add3A_6] : memref<2x6400000xi32, #tpu.memory_space<hbm>> -> memref<1x2000xi32, #tpu.memory_space<hbm>>
    %dma_start3A_10 = tpu.memref_squeeze %dma_start3A_9 : memref<1x2000xi32, #tpu.memory_space<hbm>> -> memref<2000xi32, #tpu.memory_space<hbm>>
    tpu.enqueue_dma source(%dma_start3A_10 : memref<2000xi32, #tpu.memory_space<hbm>>) target(%arg6 : memref<2000xi32, #tpu.memory_space<vmem>>) target_semaphore(%arg18 : memref<!tpu.dma_semaphore, #tpu.memory_space<semaphore_mem>>)
    %dma_start3A_11 = arith.constant 1 : i32
    %dma_start3A_12 = tpu.memref_slice %arg2[%dma_start3A_11, %add3A_6] : memref<2x6400000xi32, #tpu.memory_space<hbm>> -> memref<1x2000xi32, #tpu.memory_space<hbm>>
    %dma_start3A_13 = tpu.memref_squeeze %dma_start3A_12 : memref<1x2000xi32, #tpu.memory_space<hbm>> -> memref<2000xi32, #tpu.memory_space<hbm>>
    %dma_start3A_14 = tpu.memref_slice %arg2[%dma_start3A_11, %add3A_6] : memref<2x6400000xi32, #tpu.memory_space<hbm>> -> memref<1x2000xi32, #tpu.memory_space<hbm>>
    %dma_start3A_15 = tpu.memref_squeeze %dma_start3A_14 : memref<1x2000xi32, #tpu.memory_space<hbm>> -> memref<2000xi32, #tpu.memory_space<hbm>>
    tpu.enqueue_dma source(%dma_start3A_15 : memref<2000xi32, #tpu.memory_space<hbm>>) target(%arg8 : memref<2000xi32, #tpu.memory_space<vmem>>) target_semaphore(%arg18 : memref<!tpu.dma_semaphore, #tpu.memory_space<semaphore_mem>>)
    %scan3A = arith.constant 0 : i32
    %scan3A_16 = arith.constant 0 : i32
    %scan3A_17 = arith.constant 25 : i32
    %scan3A_18 = arith.addi %scan3A_16, %scan3A_17 : i32
    %scan3A_19 = arith.constant 1 : i32
    scf.for %scan3A_27 = %scan3A_16 to %scan3A_18 step %scan3A_19  : i32 {
      %mul3A_28 = arith.constant 4 : i32
      %mul3A_29 = arith.muli %mul3A_28, %scan3A_27 : i32
      %add3A_30 = arith.constant 0 : i32
      %add3A_31 = arith.addi %mul3A_29, %add3A_30 : i32
      %ge3A = arith.constant 1 : i32
      %ge3A_32 = arith.cmpi sge, %scan3A_27, %ge3A : i32
      %convert_element_type3A = arith.extui %ge3A_32 : i1 to i32
      %cond3A = arith.constant 0 : i32
      %cond3A_33 = arith.cmpi ne, %convert_element_type3A, %cond3A : i32
      scf.if %cond3A_33 {
        %dma_wait3A_182 = arith.constant 0 : i32
        %dma_wait3A_183 = tpu.memref_slice %arg17[%dma_wait3A_182] : memref<100352xf32, #tpu.memory_space<vmem_shared>> -> memref<100352xf32, #tpu.memory_space<vmem_shared>>
        tpu.wait_indirect_dma semaphore(%arg21 : memref<!tpu.dma_semaphore, #tpu.memory_space<semaphore_mem>>) src(%arg13 : memref<2000xf32, #tpu.memory_space<vmem>>) dst(%dma_wait3A_183 : memref<100352xf32, #tpu.memory_space<vmem_shared>>)
      } else {
      }
      %add3A_34 = arith.constant 1 : i32
      %add3A_35 = arith.addi %add3A_31, %add3A_34 : i32
      %mul3A_36 = arith.constant 2000 : i32
      %mul3A_37 = arith.muli %add3A_35, %mul3A_36 : i32
      %add3A_38 = arith.addi %mul3A_2, %mul3A_37 : i32
      %dma_start3A_39 = arith.constant 0 : i32
      %dma_start3A_40 = tpu.memref_slice %arg2[%dma_start3A_39, %add3A_38] : memref<2x6400000xi32, #tpu.memory_space<hbm>> -> memref<1x2000xi32, #tpu.memory_space<hbm>>
      %dma_start3A_41 = tpu.memref_squeeze %dma_start3A_40 : memref<1x2000xi32, #tpu.memory_space<hbm>> -> memref<2000xi32, #tpu.memory_space<hbm>>
      %dma_start3A_42 = tpu.memref_slice %arg2[%dma_start3A_39, %add3A_38] : memref<2x6400000xi32, #tpu.memory_space<hbm>> -> memref<1x2000xi32, #tpu.memory_space<hbm>>
      %dma_start3A_43 = tpu.memref_squeeze %dma_start3A_42 : memref<1x2000xi32, #tpu.memory_space<hbm>> -> memref<2000xi32, #tpu.memory_space<hbm>>
      tpu.enqueue_dma source(%dma_start3A_43 : memref<2000xi32, #tpu.memory_space<hbm>>) target(%arg7 : memref<2000xi32, #tpu.memory_space<vmem>>) target_semaphore(%arg19 : memref<!tpu.dma_semaphore, #tpu.memory_space<semaphore_mem>>)
      %dma_start3A_44 = arith.constant 1 : i32
      %dma_start3A_45 = tpu.memref_slice %arg2[%dma_start3A_44, %add3A_38] : memref<2x6400000xi32, #tpu.memory_space<hbm>> -> memref<1x2000xi32, #tpu.memory_space<hbm>>
      %dma_start3A_46 = tpu.memref_squeeze %dma_start3A_45 : memref<1x2000xi32, #tpu.memory_space<hbm>> -> memref<2000xi32, #tpu.memory_space<hbm>>
      %dma_start3A_47 = tpu.memref_slice %arg2[%dma_start3A_44, %add3A_38] : memref<2x6400000xi32, #tpu.memory_space<hbm>> -> memref<1x2000xi32, #tpu.memory_space<hbm>>
      %dma_start3A_48 = tpu.memref_squeeze %dma_start3A_47 : memref<1x2000xi32, #tpu.memory_space<hbm>> -> memref<2000xi32, #tpu.memory_space<hbm>>
      tpu.enqueue_dma source(%dma_start3A_48 : memref<2000xi32, #tpu.memory_space<hbm>>) target(%arg9 : memref<2000xi32, #tpu.memory_space<vmem>>) target_semaphore(%arg19 : memref<!tpu.dma_semaphore, #tpu.memory_space<semaphore_mem>>)
      %dma_wait3A_49 = arith.constant 0 : i32
      %dma_wait3A_50 = arith.constant 0 : i32
      %dma_wait3A_51 = tpu.memref_slice %arg2[%dma_wait3A_49, %dma_wait3A_50] : memref<2x6400000xi32, #tpu.memory_space<hbm>> -> memref<1x2000xi32, #tpu.memory_space<hbm>>
      %dma_wait3A_52 = tpu.memref_squeeze %dma_wait3A_51 : memref<1x2000xi32, #tpu.memory_space<hbm>> -> memref<2000xi32, #tpu.memory_space<hbm>>
      %dma_wait3A_53 = arith.constant 0 : i32
      %dma_wait3A_54 = tpu.memref_slice %arg2[%dma_wait3A_49, %dma_wait3A_53] : memref<2x6400000xi32, #tpu.memory_space<hbm>> -> memref<1x2000xi32, #tpu.memory_space<hbm>>
      %dma_wait3A_55 = tpu.memref_squeeze %dma_wait3A_54 : memref<1x2000xi32, #tpu.memory_space<hbm>> -> memref<2000xi32, #tpu.memory_space<hbm>>
      tpu.wait_dma2 semaphore(%arg18 : memref<!tpu.dma_semaphore, #tpu.memory_space<semaphore_mem>>) src(%dma_wait3A_55 : memref<2000xi32, #tpu.memory_space<hbm>>) dst(%arg6 : memref<2000xi32, #tpu.memory_space<vmem>>)
      %dma_wait3A_56 = arith.constant 1 : i32
      %dma_wait3A_57 = arith.constant 0 : i32
      %dma_wait3A_58 = tpu.memref_slice %arg2[%dma_wait3A_56, %dma_wait3A_57] : memref<2x6400000xi32, #tpu.memory_space<hbm>> -> memref<1x2000xi32, #tpu.memory_space<hbm>>
      %dma_wait3A_59 = tpu.memref_squeeze %dma_wait3A_58 : memref<1x2000xi32, #tpu.memory_space<hbm>> -> memref<2000xi32, #tpu.memory_space<hbm>>
      %dma_wait3A_60 = arith.constant 0 : i32
      %dma_wait3A_61 = tpu.memref_slice %arg2[%dma_wait3A_56, %dma_wait3A_60] : memref<2x6400000xi32, #tpu.memory_space<hbm>> -> memref<1x2000xi32, #tpu.memory_space<hbm>>
      %dma_wait3A_62 = tpu.memref_squeeze %dma_wait3A_61 : memref<1x2000xi32, #tpu.memory_space<hbm>> -> memref<2000xi32, #tpu.memory_space<hbm>>
      tpu.wait_dma2 semaphore(%arg18 : memref<!tpu.dma_semaphore, #tpu.memory_space<semaphore_mem>>) src(%dma_wait3A_62 : memref<2000xi32, #tpu.memory_space<hbm>>) dst(%arg8 : memref<2000xi32, #tpu.memory_space<vmem>>)
      %parallel_loop3A = arith.constant 0 : i32
      %parallel_loop3A_63 = arith.constant 2000 : i32
      %parallel_loop3A_64 = arith.constant 16 : i32
      scf.for %parallel_loop3A_182 = %parallel_loop3A to %parallel_loop3A_63 step %parallel_loop3A_64  : i32 {
        %parallel_loop3A_183 = arith.index_cast %parallel_loop3A_182 : i32 to index
        %parallel_loop3A_184 = tpu.vector_load %arg6[%parallel_loop3A_183] {strides = array<i32>} : memref<2000xi32, #tpu.memory_space<vmem>>, vector<16xi32>,
        %parallel_loop3A_185 = tpu.vector_load_idx %arg16[%parallel_loop3A_184] : memref<100352xf32, #tpu.memory_space<vmem>>[vector<16xi32>], vector<16xf32>,
        %parallel_loop3A_186 = arith.index_cast %parallel_loop3A_182 : i32 to index
        %parallel_loop3A_187 = tpu.vector_load %arg12[%parallel_loop3A_186] {strides = array<i32>} : memref<2000xf32, #tpu.memory_space<vmem>>, vector<16xf32>,
        tpu.vector_store %arg12[%parallel_loop3A_186], %parallel_loop3A_185 {strides = array<i32>} : memref<2000xf32, #tpu.memory_space<vmem>>, vector<16xf32>,
      } {sc.loop_unroll_factor = 16 : i64, sc.parallel_access}
      %dma_start3A_65 = arith.constant 0 : i32
      %dma_start3A_66 = tpu.memref_slice %arg17[%dma_start3A_65] : memref<100352xf32, #tpu.memory_space<vmem_shared>> -> memref<100352xf32, #tpu.memory_space<vmem_shared>>
      tpu.enqueue_indirect_dma source(%arg12 : memref<2000xf32, #tpu.memory_space<vmem>>) target(%dma_start3A_66 : memref<100352xf32, #tpu.memory_space<vmem_shared>>) offsets(%arg8 : memref<2000xi32, #tpu.memory_space<vmem>>) semaphore(%arg20 : memref<!tpu.dma_semaphore, #tpu.memory_space<semaphore_mem>>) {add = true}
      %mul3A_67 = arith.constant 4 : i32
      %mul3A_68 = arith.muli %mul3A_67, %scan3A_27 : i32
      %add3A_69 = arith.constant 1 : i32
      %add3A_70 = arith.addi %mul3A_68, %add3A_69 : i32
      %ge3A_71 = arith.constant 1 : i32
      %ge3A_72 = arith.cmpi sge, %scan3A_27, %ge3A_71 : i32
      %convert_element_type3A_73 = arith.extui %ge3A_72 : i1 to i32
      %cond3A_74 = arith.constant 0 : i32
      %cond3A_75 = arith.cmpi ne, %convert_element_type3A_73, %cond3A_74 : i32
      scf.if %cond3A_75 {
        %dma_wait3A_182 = arith.constant 0 : i32
        %dma_wait3A_183 = tpu.memref_slice %arg17[%dma_wait3A_182] : memref<100352xf32, #tpu.memory_space<vmem_shared>> -> memref<100352xf32, #tpu.memory_space<vmem_shared>>
        tpu.wait_indirect_dma semaphore(%arg22 : memref<!tpu.dma_semaphore, #tpu.memory_space<semaphore_mem>>) src(%arg14 : memref<2000xf32, #tpu.memory_space<vmem>>) dst(%dma_wait3A_183 : memref<100352xf32, #tpu.memory_space<vmem_shared>>)
      } else {
      }
      %add3A_76 = arith.constant 1 : i32
      %add3A_77 = arith.addi %add3A_70, %add3A_76 : i32
      %mul3A_78 = arith.constant 2000 : i32
      %mul3A_79 = arith.muli %add3A_77, %mul3A_78 : i32
      %add3A_80 = arith.addi %mul3A_2, %mul3A_79 : i32
      %dma_start3A_81 = arith.constant 0 : i32
      %dma_start3A_82 = tpu.memref_slice %arg2[%dma_start3A_81, %add3A_80] : memref<2x6400000xi32, #tpu.memory_space<hbm>> -> memref<1x2000xi32, #tpu.memory_space<hbm>>
      %dma_start3A_83 = tpu.memref_squeeze %dma_start3A_82 : memref<1x2000xi32, #tpu.memory_space<hbm>> -> memref<2000xi32, #tpu.memory_space<hbm>>
      %dma_start3A_84 = tpu.memref_slice %arg2[%dma_start3A_81, %add3A_80] : memref<2x6400000xi32, #tpu.memory_space<hbm>> -> memref<1x2000xi32, #tpu.memory_space<hbm>>
      %dma_start3A_85 = tpu.memref_squeeze %dma_start3A_84 : memref<1x2000xi32, #tpu.memory_space<hbm>> -> memref<2000xi32, #tpu.memory_space<hbm>>
      tpu.enqueue_dma source(%dma_start3A_85 : memref<2000xi32, #tpu.memory_space<hbm>>) target(%arg6 : memref<2000xi32, #tpu.memory_space<vmem>>) target_semaphore(%arg18 : memref<!tpu.dma_semaphore, #tpu.memory_space<semaphore_mem>>)
      %dma_start3A_86 = arith.constant 1 : i32
      %dma_start3A_87 = tpu.memref_slice %arg2[%dma_start3A_86, %add3A_80] : memref<2x6400000xi32, #tpu.memory_space<hbm>> -> memref<1x2000xi32, #tpu.memory_space<hbm>>
      %dma_start3A_88 = tpu.memref_squeeze %dma_start3A_87 : memref<1x2000xi32, #tpu.memory_space<hbm>> -> memref<2000xi32, #tpu.memory_space<hbm>>
      %dma_start3A_89 = tpu.memref_slice %arg2[%dma_start3A_86, %add3A_80] : memref<2x6400000xi32, #tpu.memory_space<hbm>> -> memref<1x2000xi32, #tpu.memory_space<hbm>>
      %dma_start3A_90 = tpu.memref_squeeze %dma_start3A_89 : memref<1x2000xi32, #tpu.memory_space<hbm>> -> memref<2000xi32, #tpu.memory_space<hbm>>
      tpu.enqueue_dma source(%dma_start3A_90 : memref<2000xi32, #tpu.memory_space<hbm>>) target(%arg10 : memref<2000xi32, #tpu.memory_space<vmem>>) target_semaphore(%arg18 : memref<!tpu.dma_semaphore, #tpu.memory_space<semaphore_mem>>)
      %dma_wait3A_91 = arith.constant 0 : i32
      %dma_wait3A_92 = arith.constant 0 : i32
      %dma_wait3A_93 = tpu.memref_slice %arg2[%dma_wait3A_91, %dma_wait3A_92] : memref<2x6400000xi32, #tpu.memory_space<hbm>> -> memref<1x2000xi32, #tpu.memory_space<hbm>>
      %dma_wait3A_94 = tpu.memref_squeeze %dma_wait3A_93 : memref<1x2000xi32, #tpu.memory_space<hbm>> -> memref<2000xi32, #tpu.memory_space<hbm>>
      %dma_wait3A_95 = arith.constant 0 : i32
      %dma_wait3A_96 = tpu.memref_slice %arg2[%dma_wait3A_91, %dma_wait3A_95] : memref<2x6400000xi32, #tpu.memory_space<hbm>> -> memref<1x2000xi32, #tpu.memory_space<hbm>>
      %dma_wait3A_97 = tpu.memref_squeeze %dma_wait3A_96 : memref<1x2000xi32, #tpu.memory_space<hbm>> -> memref<2000xi32, #tpu.memory_space<hbm>>
      tpu.wait_dma2 semaphore(%arg19 : memref<!tpu.dma_semaphore, #tpu.memory_space<semaphore_mem>>) src(%dma_wait3A_97 : memref<2000xi32, #tpu.memory_space<hbm>>) dst(%arg7 : memref<2000xi32, #tpu.memory_space<vmem>>)
      %dma_wait3A_98 = arith.constant 1 : i32
      %dma_wait3A_99 = arith.constant 0 : i32
      %dma_wait3A_100 = tpu.memref_slice %arg2[%dma_wait3A_98, %dma_wait3A_99] : memref<2x6400000xi32, #tpu.memory_space<hbm>> -> memref<1x2000xi32, #tpu.memory_space<hbm>>
      %dma_wait3A_101 = tpu.memref_squeeze %dma_wait3A_100 : memref<1x2000xi32, #tpu.memory_space<hbm>> -> memref<2000xi32, #tpu.memory_space<hbm>>
      %dma_wait3A_102 = arith.constant 0 : i32
      %dma_wait3A_103 = tpu.memref_slice %arg2[%dma_wait3A_98, %dma_wait3A_102] : memref<2x6400000xi32, #tpu.memory_space<hbm>> -> memref<1x2000xi32, #tpu.memory_space<hbm>>
      %dma_wait3A_104 = tpu.memref_squeeze %dma_wait3A_103 : memref<1x2000xi32, #tpu.memory_space<hbm>> -> memref<2000xi32, #tpu.memory_space<hbm>>
      tpu.wait_dma2 semaphore(%arg19 : memref<!tpu.dma_semaphore, #tpu.memory_space<semaphore_mem>>) src(%dma_wait3A_104 : memref<2000xi32, #tpu.memory_space<hbm>>) dst(%arg9 : memref<2000xi32, #tpu.memory_space<vmem>>)
      %parallel_loop3A_105 = arith.constant 0 : i32
      %parallel_loop3A_106 = arith.constant 2000 : i32
      %parallel_loop3A_107 = arith.constant 16 : i32
      scf.for %parallel_loop3A_182 = %parallel_loop3A_105 to %parallel_loop3A_106 step %parallel_loop3A_107  : i32 {
        %parallel_loop3A_183 = arith.index_cast %parallel_loop3A_182 : i32 to index
        %parallel_loop3A_184 = tpu.vector_load %arg7[%parallel_loop3A_183] {strides = array<i32>} : memref<2000xi32, #tpu.memory_space<vmem>>, vector<16xi32>,
        %parallel_loop3A_185 = tpu.vector_load_idx %arg16[%parallel_loop3A_184] : memref<100352xf32, #tpu.memory_space<vmem>>[vector<16xi32>], vector<16xf32>,
        %parallel_loop3A_186 = arith.index_cast %parallel_loop3A_182 : i32 to index
        %parallel_loop3A_187 = tpu.vector_load %arg13[%parallel_loop3A_186] {strides = array<i32>} : memref<2000xf32, #tpu.memory_space<vmem>>, vector<16xf32>,
        tpu.vector_store %arg13[%parallel_loop3A_186], %parallel_loop3A_185 {strides = array<i32>} : memref<2000xf32, #tpu.memory_space<vmem>>, vector<16xf32>,
      } {sc.loop_unroll_factor = 16 : i64, sc.parallel_access}
      %dma_start3A_108 = arith.constant 0 : i32
      %dma_start3A_109 = tpu.memref_slice %arg17[%dma_start3A_108] : memref<100352xf32, #tpu.memory_space<vmem_shared>> -> memref<100352xf32, #tpu.memory_space<vmem_shared>>
      tpu.enqueue_indirect_dma source(%arg13 : memref<2000xf32, #tpu.memory_space<vmem>>) target(%dma_start3A_109 : memref<100352xf32, #tpu.memory_space<vmem_shared>>) offsets(%arg9 : memref<2000xi32, #tpu.memory_space<vmem>>) semaphore(%arg21 : memref<!tpu.dma_semaphore, #tpu.memory_space<semaphore_mem>>) {add = true}
      %mul3A_110 = arith.constant 4 : i32
      %mul3A_111 = arith.muli %mul3A_110, %scan3A_27 : i32
      %add3A_112 = arith.constant 2 : i32
      %add3A_113 = arith.addi %mul3A_111, %add3A_112 : i32
      %ge3A_114 = arith.constant 1 : i32
      %ge3A_115 = arith.cmpi sge, %scan3A_27, %ge3A_114 : i32
      %convert_element_type3A_116 = arith.extui %ge3A_115 : i1 to i32
      %cond3A_117 = arith.constant 0 : i32
      %cond3A_118 = arith.cmpi ne, %convert_element_type3A_116, %cond3A_117 : i32
      scf.if %cond3A_118 {
        %dma_wait3A_182 = arith.constant 0 : i32
        %dma_wait3A_183 = tpu.memref_slice %arg17[%dma_wait3A_182] : memref<100352xf32, #tpu.memory_space<vmem_shared>> -> memref<100352xf32, #tpu.memory_space<vmem_shared>>
        tpu.wait_indirect_dma semaphore(%arg23 : memref<!tpu.dma_semaphore, #tpu.memory_space<semaphore_mem>>) src(%arg15 : memref<2000xf32, #tpu.memory_space<vmem>>) dst(%dma_wait3A_183 : memref<100352xf32, #tpu.memory_space<vmem_shared>>)
      } else {
      }
      %add3A_119 = arith.constant 1 : i32
      %add3A_120 = arith.addi %add3A_113, %add3A_119 : i32
      %mul3A_121 = arith.constant 2000 : i32
      %mul3A_122 = arith.muli %add3A_120, %mul3A_121 : i32
      %add3A_123 = arith.addi %mul3A_2, %mul3A_122 : i32
      %dma_start3A_124 = arith.constant 0 : i32
      %dma_start3A_125 = tpu.memref_slice %arg2[%dma_start3A_124, %add3A_123] : memref<2x6400000xi32, #tpu.memory_space<hbm>> -> memref<1x2000xi32, #tpu.memory_space<hbm>>
      %dma_start3A_126 = tpu.memref_squeeze %dma_start3A_125 : memref<1x2000xi32, #tpu.memory_space<hbm>> -> memref<2000xi32, #tpu.memory_space<hbm>>
      %dma_start3A_127 = tpu.memref_slice %arg2[%dma_start3A_124, %add3A_123] : memref<2x6400000xi32, #tpu.memory_space<hbm>> -> memref<1x2000xi32, #tpu.memory_space<hbm>>
      %dma_start3A_128 = tpu.memref_squeeze %dma_start3A_127 : memref<1x2000xi32, #tpu.memory_space<hbm>> -> memref<2000xi32, #tpu.memory_space<hbm>>
      tpu.enqueue_dma source(%dma_start3A_128 : memref<2000xi32, #tpu.memory_space<hbm>>) target(%arg7 : memref<2000xi32, #tpu.memory_space<vmem>>) target_semaphore(%arg19 : memref<!tpu.dma_semaphore, #tpu.memory_space<semaphore_mem>>)
      %dma_start3A_129 = arith.constant 1 : i32
      %dma_start3A_130 = tpu.memref_slice %arg2[%dma_start3A_129, %add3A_123] : memref<2x6400000xi32, #tpu.memory_space<hbm>> -> memref<1x2000xi32, #tpu.memory_space<hbm>>
      %dma_start3A_131 = tpu.memref_squeeze %dma_start3A_130 : memref<1x2000xi32, #tpu.memory_space<hbm>> -> memref<2000xi32, #tpu.memory_space<hbm>>
      %dma_start3A_132 = tpu.memref_slice %arg2[%dma_start3A_129, %add3A_123] : memref<2x6400000xi32, #tpu.memory_space<hbm>> -> memref<1x2000xi32, #tpu.memory_space<hbm>>
      %dma_start3A_133 = tpu.memref_squeeze %dma_start3A_132 : memref<1x2000xi32, #tpu.memory_space<hbm>> -> memref<2000xi32, #tpu.memory_space<hbm>>
      tpu.enqueue_dma source(%dma_start3A_133 : memref<2000xi32, #tpu.memory_space<hbm>>) target(%arg11 : memref<2000xi32, #tpu.memory_space<vmem>>) target_semaphore(%arg19 : memref<!tpu.dma_semaphore, #tpu.memory_space<semaphore_mem>>)
      %dma_wait3A_134 = arith.constant 0 : i32
      %dma_wait3A_135 = arith.constant 0 : i32
      %dma_wait3A_136 = tpu.memref_slice %arg2[%dma_wait3A_134, %dma_wait3A_135] : memref<2x6400000xi32, #tpu.memory_space<hbm>> -> memref<1x2000xi32, #tpu.memory_space<hbm>>
      %dma_wait3A_137 = tpu.memref_squeeze %dma_wait3A_136 : memref<1x2000xi32, #tpu.memory_space<hbm>> -> memref<2000xi32, #tpu.memory_space<hbm>>
      %dma_wait3A_138 = arith.constant 0 : i32
      %dma_wait3A_139 = tpu.memref_slice %arg2[%dma_wait3A_134, %dma_wait3A_138] : memref<2x6400000xi32, #tpu.memory_space<hbm>> -> memref<1x2000xi32, #tpu.memory_space<hbm>>
      %dma_wait3A_140 = tpu.memref_squeeze %dma_wait3A_139 : memref<1x2000xi32, #tpu.memory_space<hbm>> -> memref<2000xi32, #tpu.memory_space<hbm>>
      tpu.wait_dma2 semaphore(%arg18 : memref<!tpu.dma_semaphore, #tpu.memory_space<semaphore_mem>>) src(%dma_wait3A_140 : memref<2000xi32, #tpu.memory_space<hbm>>) dst(%arg6 : memref<2000xi32, #tpu.memory_space<vmem>>)
      %dma_wait3A_141 = arith.constant 1 : i32
      %dma_wait3A_142 = arith.constant 0 : i32
      %dma_wait3A_143 = tpu.memref_slice %arg2[%dma_wait3A_141, %dma_wait3A_142] : memref<2x6400000xi32, #tpu.memory_space<hbm>> -> memref<1x2000xi32, #tpu.memory_space<hbm>>
      %dma_wait3A_144 = tpu.memref_squeeze %dma_wait3A_143 : memref<1x2000xi32, #tpu.memory_space<hbm>> -> memref<2000xi32, #tpu.memory_space<hbm>>
      %dma_wait3A_145 = arith.constant 0 : i32
      %dma_wait3A_146 = tpu.memref_slice %arg2[%dma_wait3A_141, %dma_wait3A_145] : memref<2x6400000xi32, #tpu.memory_space<hbm>> -> memref<1x2000xi32, #tpu.memory_space<hbm>>
      %dma_wait3A_147 = tpu.memref_squeeze %dma_wait3A_146 : memref<1x2000xi32, #tpu.memory_space<hbm>> -> memref<2000xi32, #tpu.memory_space<hbm>>
      tpu.wait_dma2 semaphore(%arg18 : memref<!tpu.dma_semaphore, #tpu.memory_space<semaphore_mem>>) src(%dma_wait3A_147 : memref<2000xi32, #tpu.memory_space<hbm>>) dst(%arg10 : memref<2000xi32, #tpu.memory_space<vmem>>)
      %parallel_loop3A_148 = arith.constant 0 : i32
      %parallel_loop3A_149 = arith.constant 2000 : i32
      %parallel_loop3A_150 = arith.constant 16 : i32
      scf.for %parallel_loop3A_182 = %parallel_loop3A_148 to %parallel_loop3A_149 step %parallel_loop3A_150  : i32 {
        %parallel_loop3A_183 = arith.index_cast %parallel_loop3A_182 : i32 to index
        %parallel_loop3A_184 = tpu.vector_load %arg6[%parallel_loop3A_183] {strides = array<i32>} : memref<2000xi32, #tpu.memory_space<vmem>>, vector<16xi32>,
        %parallel_loop3A_185 = tpu.vector_load_idx %arg16[%parallel_loop3A_184] : memref<100352xf32, #tpu.memory_space<vmem>>[vector<16xi32>], vector<16xf32>,
        %parallel_loop3A_186 = arith.index_cast %parallel_loop3A_182 : i32 to index
        %parallel_loop3A_187 = tpu.vector_load %arg14[%parallel_loop3A_186] {strides = array<i32>} : memref<2000xf32, #tpu.memory_space<vmem>>, vector<16xf32>,
        tpu.vector_store %arg14[%parallel_loop3A_186], %parallel_loop3A_185 {strides = array<i32>} : memref<2000xf32, #tpu.memory_space<vmem>>, vector<16xf32>,
      } {sc.loop_unroll_factor = 16 : i64, sc.parallel_access}
      %dma_start3A_151 = arith.constant 0 : i32
      %dma_start3A_152 = tpu.memref_slice %arg17[%dma_start3A_151] : memref<100352xf32, #tpu.memory_space<vmem_shared>> -> memref<100352xf32, #tpu.memory_space<vmem_shared>>
      tpu.enqueue_indirect_dma source(%arg14 : memref<2000xf32, #tpu.memory_space<vmem>>) target(%dma_start3A_152 : memref<100352xf32, #tpu.memory_space<vmem_shared>>) offsets(%arg10 : memref<2000xi32, #tpu.memory_space<vmem>>) semaphore(%arg22 : memref<!tpu.dma_semaphore, #tpu.memory_space<semaphore_mem>>) {add = true}
      %mul3A_153 = arith.constant 4 : i32
      %mul3A_154 = arith.muli %mul3A_153, %scan3A_27 : i32
      %add3A_155 = arith.constant 3 : i32
      %add3A_156 = arith.addi %mul3A_154, %add3A_155 : i32
      %dma_wait3A_157 = arith.constant 0 : i32
      %dma_wait3A_158 = tpu.memref_slice %arg17[%dma_wait3A_157] : memref<100352xf32, #tpu.memory_space<vmem_shared>> -> memref<100352xf32, #tpu.memory_space<vmem_shared>>
      tpu.wait_indirect_dma semaphore(%arg20 : memref<!tpu.dma_semaphore, #tpu.memory_space<semaphore_mem>>) src(%arg12 : memref<2000xf32, #tpu.memory_space<vmem>>) dst(%dma_wait3A_158 : memref<100352xf32, #tpu.memory_space<vmem_shared>>)
      %lt3A = arith.constant 24 : i32
      %lt3A_159 = arith.cmpi slt, %scan3A_27, %lt3A : i32
      %convert_element_type3A_160 = arith.extui %lt3A_159 : i1 to i32
      %cond3A_161 = arith.constant 0 : i32
      %cond3A_162 = arith.cmpi ne, %convert_element_type3A_160, %cond3A_161 : i32
      scf.if %cond3A_162 {
        %add3A_182 = arith.constant 1 : i32
        %add3A_183 = arith.addi %add3A_156, %add3A_182 : i32
        %mul3A_184 = arith.constant 2000 : i32
        %mul3A_185 = arith.muli %add3A_183, %mul3A_184 : i32
        %add3A_186 = arith.addi %mul3A_2, %mul3A_185 : i32
        %dma_start3A_187 = arith.constant 0 : i32
        %dma_start3A_188 = tpu.memref_slice %arg2[%dma_start3A_187, %add3A_186] : memref<2x6400000xi32, #tpu.memory_space<hbm>> -> memref<1x2000xi32, #tpu.memory_space<hbm>>
        %dma_start3A_189 = tpu.memref_squeeze %dma_start3A_188 : memref<1x2000xi32, #tpu.memory_space<hbm>> -> memref<2000xi32, #tpu.memory_space<hbm>>
        %dma_start3A_190 = tpu.memref_slice %arg2[%dma_start3A_187, %add3A_186] : memref<2x6400000xi32, #tpu.memory_space<hbm>> -> memref<1x2000xi32, #tpu.memory_space<hbm>>
        %dma_start3A_191 = tpu.memref_squeeze %dma_start3A_190 : memref<1x2000xi32, #tpu.memory_space<hbm>> -> memref<2000xi32, #tpu.memory_space<hbm>>
        tpu.enqueue_dma source(%dma_start3A_191 : memref<2000xi32, #tpu.memory_space<hbm>>) target(%arg6 : memref<2000xi32, #tpu.memory_space<vmem>>) target_semaphore(%arg18 : memref<!tpu.dma_semaphore, #tpu.memory_space<semaphore_mem>>)
        %dma_start3A_192 = arith.constant 1 : i32
        %dma_start3A_193 = tpu.memref_slice %arg2[%dma_start3A_192, %add3A_186] : memref<2x6400000xi32, #tpu.memory_space<hbm>> -> memref<1x2000xi32, #tpu.memory_space<hbm>>
        %dma_start3A_194 = tpu.memref_squeeze %dma_start3A_193 : memref<1x2000xi32, #tpu.memory_space<hbm>> -> memref<2000xi32, #tpu.memory_space<hbm>>
        %dma_start3A_195 = tpu.memref_slice %arg2[%dma_start3A_192, %add3A_186] : memref<2x6400000xi32, #tpu.memory_space<hbm>> -> memref<1x2000xi32, #tpu.memory_space<hbm>>
        %dma_start3A_196 = tpu.memref_squeeze %dma_start3A_195 : memref<1x2000xi32, #tpu.memory_space<hbm>> -> memref<2000xi32, #tpu.memory_space<hbm>>
        tpu.enqueue_dma source(%dma_start3A_196 : memref<2000xi32, #tpu.memory_space<hbm>>) target(%arg8 : memref<2000xi32, #tpu.memory_space<vmem>>) target_semaphore(%arg18 : memref<!tpu.dma_semaphore, #tpu.memory_space<semaphore_mem>>)
      } else {
      }
      %dma_wait3A_163 = arith.constant 0 : i32
      %dma_wait3A_164 = arith.constant 0 : i32
      %dma_wait3A_165 = tpu.memref_slice %arg2[%dma_wait3A_163, %dma_wait3A_164] : memref<2x6400000xi32, #tpu.memory_space<hbm>> -> memref<1x2000xi32, #tpu.memory_space<hbm>>
      %dma_wait3A_166 = tpu.memref_squeeze %dma_wait3A_165 : memref<1x2000xi32, #tpu.memory_space<hbm>> -> memref<2000xi32, #tpu.memory_space<hbm>>
      %dma_wait3A_167 = arith.constant 0 : i32
      %dma_wait3A_168 = tpu.memref_slice %arg2[%dma_wait3A_163, %dma_wait3A_167] : memref<2x6400000xi32, #tpu.memory_space<hbm>> -> memref<1x2000xi32, #tpu.memory_space<hbm>>
      %dma_wait3A_169 = tpu.memref_squeeze %dma_wait3A_168 : memref<1x2000xi32, #tpu.memory_space<hbm>> -> memref<2000xi32, #tpu.memory_space<hbm>>
      tpu.wait_dma2 semaphore(%arg19 : memref<!tpu.dma_semaphore, #tpu.memory_space<semaphore_mem>>) src(%dma_wait3A_169 : memref<2000xi32, #tpu.memory_space<hbm>>) dst(%arg7 : memref<2000xi32, #tpu.memory_space<vmem>>)
      %dma_wait3A_170 = arith.constant 1 : i32
      %dma_wait3A_171 = arith.constant 0 : i32
      %dma_wait3A_172 = tpu.memref_slice %arg2[%dma_wait3A_170, %dma_wait3A_171] : memref<2x6400000xi32, #tpu.memory_space<hbm>> -> memref<1x2000xi32, #tpu.memory_space<hbm>>
      %dma_wait3A_173 = tpu.memref_squeeze %dma_wait3A_172 : memref<1x2000xi32, #tpu.memory_space<hbm>> -> memref<2000xi32, #tpu.memory_space<hbm>>
      %dma_wait3A_174 = arith.constant 0 : i32
      %dma_wait3A_175 = tpu.memref_slice %arg2[%dma_wait3A_170, %dma_wait3A_174] : memref<2x6400000xi32, #tpu.memory_space<hbm>> -> memref<1x2000xi32, #tpu.memory_space<hbm>>
      %dma_wait3A_176 = tpu.memref_squeeze %dma_wait3A_175 : memref<1x2000xi32, #tpu.memory_space<hbm>> -> memref<2000xi32, #tpu.memory_space<hbm>>
      tpu.wait_dma2 semaphore(%arg19 : memref<!tpu.dma_semaphore, #tpu.memory_space<semaphore_mem>>) src(%dma_wait3A_176 : memref<2000xi32, #tpu.memory_space<hbm>>) dst(%arg11 : memref<2000xi32, #tpu.memory_space<vmem>>)
      %parallel_loop3A_177 = arith.constant 0 : i32
      %parallel_loop3A_178 = arith.constant 2000 : i32
      %parallel_loop3A_179 = arith.constant 16 : i32
      scf.for %parallel_loop3A_182 = %parallel_loop3A_177 to %parallel_loop3A_178 step %parallel_loop3A_179  : i32 {
        %parallel_loop3A_183 = arith.index_cast %parallel_loop3A_182 : i32 to index
        %parallel_loop3A_184 = tpu.vector_load %arg7[%parallel_loop3A_183] {strides = array<i32>} : memref<2000xi32, #tpu.memory_space<vmem>>, vector<16xi32>,
        %parallel_loop3A_185 = tpu.vector_load_idx %arg16[%parallel_loop3A_184] : memref<100352xf32, #tpu.memory_space<vmem>>[vector<16xi32>], vector<16xf32>,
        %parallel_loop3A_186 = arith.index_cast %parallel_loop3A_182 : i32 to index
        %parallel_loop3A_187 = tpu.vector_load %arg15[%parallel_loop3A_186] {strides = array<i32>} : memref<2000xf32, #tpu.memory_space<vmem>>, vector<16xf32>,
        tpu.vector_store %arg15[%parallel_loop3A_186], %parallel_loop3A_185 {strides = array<i32>} : memref<2000xf32, #tpu.memory_space<vmem>>, vector<16xf32>,
      } {sc.loop_unroll_factor = 16 : i64, sc.parallel_access}
      %dma_start3A_180 = arith.constant 0 : i32
      %dma_start3A_181 = tpu.memref_slice %arg17[%dma_start3A_180] : memref<100352xf32, #tpu.memory_space<vmem_shared>> -> memref<100352xf32, #tpu.memory_space<vmem_shared>>
      tpu.enqueue_indirect_dma source(%arg15 : memref<2000xf32, #tpu.memory_space<vmem>>) target(%dma_start3A_181 : memref<100352xf32, #tpu.memory_space<vmem_shared>>) offsets(%arg11 : memref<2000xi32, #tpu.memory_space<vmem>>) semaphore(%arg23 : memref<!tpu.dma_semaphore, #tpu.memory_space<semaphore_mem>>) {add = true}
    }
    %scan3A_20 = arith.constant 25 : i32
    %dma_wait3A = arith.constant 0 : i32
    %dma_wait3A_21 = tpu.memref_slice %arg17[%dma_wait3A] : memref<100352xf32, #tpu.memory_space<vmem_shared>> -> memref<100352xf32, #tpu.memory_space<vmem_shared>>
    tpu.wait_indirect_dma semaphore(%arg21 : memref<!tpu.dma_semaphore, #tpu.memory_space<semaphore_mem>>) src(%arg13 : memref<2000xf32, #tpu.memory_space<vmem>>) dst(%dma_wait3A_21 : memref<100352xf32, #tpu.memory_space<vmem_shared>>)
    %dma_wait3A_22 = arith.constant 0 : i32
    %dma_wait3A_23 = tpu.memref_slice %arg17[%dma_wait3A_22] : memref<100352xf32, #tpu.memory_space<vmem_shared>> -> memref<100352xf32, #tpu.memory_space<vmem_shared>>
    tpu.wait_indirect_dma semaphore(%arg22 : memref<!tpu.dma_semaphore, #tpu.memory_space<semaphore_mem>>) src(%arg14 : memref<2000xf32, #tpu.memory_space<vmem>>) dst(%dma_wait3A_23 : memref<100352xf32, #tpu.memory_space<vmem_shared>>)
    %dma_wait3A_24 = arith.constant 0 : i32
    %dma_wait3A_25 = tpu.memref_slice %arg17[%dma_wait3A_24] : memref<100352xf32, #tpu.memory_space<vmem_shared>> -> memref<100352xf32, #tpu.memory_space<vmem_shared>>
    tpu.wait_indirect_dma semaphore(%arg23 : memref<!tpu.dma_semaphore, #tpu.memory_space<semaphore_mem>>) src(%arg15 : memref<2000xf32, #tpu.memory_space<vmem>>) dst(%dma_wait3A_25 : memref<100352xf32, #tpu.memory_space<vmem_shared>>)
    %barrier3A_26 = arith.constant 0 : index
    tpu.barrier barrier_id(%barrier3A_26)
    "tpu.region"() ({
      %run_scoped3A = tpu.sem_alloc : memref<!tpu.dma_semaphore, #tpu.memory_space<semaphore_mem>>
      %dma_start3A_27 = tpu.memref_slice %arg5[%arg0, %mul3A_4] : memref<2x100352xf32, #tpu.memory_space<hbm>> -> memref<1x6272xf32, #tpu.memory_space<hbm>>
      %dma_start3A_28 = tpu.memref_squeeze %dma_start3A_27 : memref<1x6272xf32, #tpu.memory_space<hbm>> -> memref<6272xf32, #tpu.memory_space<hbm>>
      %dma_start3A_29 = tpu.memref_slice %arg17[%mul3A_4] : memref<100352xf32, #tpu.memory_space<vmem_shared>> -> memref<6272xf32, #tpu.memory_space<vmem_shared>>
      tpu.enqueue_dma source(%dma_start3A_29 : memref<6272xf32, #tpu.memory_space<vmem_shared>>) target(%dma_start3A_28 : memref<6272xf32, #tpu.memory_space<hbm>>) target_semaphore(%run_scoped3A : memref<!tpu.dma_semaphore, #tpu.memory_space<semaphore_mem>>)
      %dma_wait3A_30 = tpu.memref_slice %arg5[%arg0, %mul3A_4] : memref<2x100352xf32, #tpu.memory_space<hbm>> -> memref<1x6272xf32, #tpu.memory_space<hbm>>
      %dma_wait3A_31 = tpu.memref_squeeze %dma_wait3A_30 : memref<1x6272xf32, #tpu.memory_space<hbm>> -> memref<6272xf32, #tpu.memory_space<hbm>>
      %dma_wait3A_32 = tpu.memref_slice %arg17[%mul3A_4] : memref<100352xf32, #tpu.memory_space<vmem_shared>> -> memref<6272xf32, #tpu.memory_space<vmem_shared>>
      tpu.wait_dma2 semaphore(%run_scoped3A : memref<!tpu.dma_semaphore, #tpu.memory_space<semaphore_mem>>) src(%dma_wait3A_32 : memref<6272xf32, #tpu.memory_space<vmem_shared>>) dst(%dma_wait3A_31 : memref<6272xf32, #tpu.memory_space<hbm>>)
      tpu.yield
    }) : () -> ()
    return
  }
}

#map = affine_map<(d0, d1) -> (0, 0)>
#map1 = affine_map<(d0, d1) -> (0)>
module attributes {stable_mosaic.version = 14 : i64} {
  func.func @_sc_degree(%arg0: i32, %arg1: i32, %arg2: memref<2x6400000xi32, #tpu.memory_space<hbm>>, %arg3: memref<2000xf32, #tpu.memory_space<hbm>>, %arg4: memref<100352xf32, #tpu.memory_space<hbm>>, %arg5: memref<2x100352xf32, #tpu.memory_space<hbm>>, %arg6: memref<2000xf32, #tpu.memory_space<vmem>>, %arg7: memref<2000xi32, #tpu.memory_space<vmem>>, %arg8: memref<2000xi32, #tpu.memory_space<vmem>>, %arg9: memref<2000xi32, #tpu.memory_space<vmem>>, %arg10: memref<2000xi32, #tpu.memory_space<vmem>>, %arg11: memref<100352xf32, #tpu.memory_space<vmem_shared>>, %arg12: memref<!tpu.dma_semaphore, #tpu.memory_space<semaphore_mem>>, %arg13: memref<!tpu.dma_semaphore, #tpu.memory_space<semaphore_mem>>, %arg14: memref<!tpu.dma_semaphore, #tpu.memory_space<semaphore_mem>>, %arg15: memref<!tpu.dma_semaphore, #tpu.memory_space<semaphore_mem>>, %arg16: memref<!tpu.dma_semaphore, #tpu.memory_space<semaphore_mem>>, %arg17: memref<!tpu.dma_semaphore, #tpu.memory_space<semaphore_mem>>) attributes {dimension_semantics = [#tpu.dimension_semantics<core_parallel>, #tpu.dimension_semantics<subcore_parallel>], iteration_bounds = array<i64: 2, 16>, scalar_prefetch = 0 : i64, scratch_operands = 12 : i64, tpu.core_type = #tpu.core_type<sc_vector_subcore>, window_params = [{transform_indices = #map}, {transform_indices = #map1}, {transform_indices = #map1}, {transform_indices = #map}]} {
    %mul3A = arith.constant 16 : i32
    %mul3A_0 = arith.muli %arg0, %mul3A : i32
    %add3A = arith.addi %mul3A_0, %arg1 : i32
    %mul3A_1 = arith.constant 200000 : i32
    %mul3A_2 = arith.muli %add3A, %mul3A_1 : i32
    %mul3A_3 = arith.constant 6272 : i32
    %mul3A_4 = arith.muli %arg1, %mul3A_3 : i32
    "tpu.region"() ({
      %run_scoped3A = tpu.sem_alloc : memref<!tpu.dma_semaphore, #tpu.memory_space<semaphore_mem>>
      %dma_start3A_22 = tpu.memref_slice %arg11[%mul3A_4] : memref<100352xf32, #tpu.memory_space<vmem_shared>> -> memref<6272xf32, #tpu.memory_space<vmem_shared>>
      %dma_start3A_23 = tpu.memref_slice %arg4[%mul3A_4] : memref<100352xf32, #tpu.memory_space<hbm>> -> memref<6272xf32, #tpu.memory_space<hbm>>
      tpu.enqueue_dma source(%dma_start3A_23 : memref<6272xf32, #tpu.memory_space<hbm>>) target(%dma_start3A_22 : memref<6272xf32, #tpu.memory_space<vmem_shared>>) target_semaphore(%run_scoped3A : memref<!tpu.dma_semaphore, #tpu.memory_space<semaphore_mem>>)
      %dma_wait3A_24 = tpu.memref_slice %arg11[%mul3A_4] : memref<100352xf32, #tpu.memory_space<vmem_shared>> -> memref<6272xf32, #tpu.memory_space<vmem_shared>>
      %dma_wait3A_25 = tpu.memref_slice %arg4[%mul3A_4] : memref<100352xf32, #tpu.memory_space<hbm>> -> memref<6272xf32, #tpu.memory_space<hbm>>
      tpu.wait_dma2 semaphore(%run_scoped3A : memref<!tpu.dma_semaphore, #tpu.memory_space<semaphore_mem>>) src(%dma_wait3A_25 : memref<6272xf32, #tpu.memory_space<hbm>>) dst(%dma_wait3A_24 : memref<6272xf32, #tpu.memory_space<vmem_shared>>)
      tpu.yield
    }) : () -> ()
    "tpu.region"() ({
      %run_scoped3A = tpu.sem_alloc : memref<!tpu.dma_semaphore, #tpu.memory_space<semaphore_mem>>
      tpu.enqueue_dma source(%arg3 : memref<2000xf32, #tpu.memory_space<hbm>>) target(%arg6 : memref<2000xf32, #tpu.memory_space<vmem>>) target_semaphore(%run_scoped3A : memref<!tpu.dma_semaphore, #tpu.memory_space<semaphore_mem>>)
      tpu.wait_dma2 semaphore(%run_scoped3A : memref<!tpu.dma_semaphore, #tpu.memory_space<semaphore_mem>>) src(%arg3 : memref<2000xf32, #tpu.memory_space<hbm>>) dst(%arg6 : memref<2000xf32, #tpu.memory_space<vmem>>)
      tpu.yield
    }) : () -> ()
    %barrier3A = arith.constant 0 : index
    tpu.barrier barrier_id(%barrier3A)
    %add3A_5 = arith.constant 0 : i32
    %add3A_6 = arith.addi %mul3A_2, %add3A_5 : i32
    %dma_start3A = arith.constant 1 : i32
    %dma_start3A_7 = tpu.memref_slice %arg2[%dma_start3A, %add3A_6] : memref<2x6400000xi32, #tpu.memory_space<hbm>> -> memref<1x2000xi32, #tpu.memory_space<hbm>>
    %dma_start3A_8 = tpu.memref_squeeze %dma_start3A_7 : memref<1x2000xi32, #tpu.memory_space<hbm>> -> memref<2000xi32, #tpu.memory_space<hbm>>
    %dma_start3A_9 = tpu.memref_slice %arg2[%dma_start3A, %add3A_6] : memref<2x6400000xi32, #tpu.memory_space<hbm>> -> memref<1x2000xi32, #tpu.memory_space<hbm>>
    %dma_start3A_10 = tpu.memref_squeeze %dma_start3A_9 : memref<1x2000xi32, #tpu.memory_space<hbm>> -> memref<2000xi32, #tpu.memory_space<hbm>>
    tpu.enqueue_dma source(%dma_start3A_10 : memref<2000xi32, #tpu.memory_space<hbm>>) target(%arg7 : memref<2000xi32, #tpu.memory_space<vmem>>) target_semaphore(%arg12 : memref<!tpu.dma_semaphore, #tpu.memory_space<semaphore_mem>>)
    %scan3A = arith.constant 0 : i32
    %scan3A_11 = arith.constant 0 : i32
    %scan3A_12 = arith.constant 25 : i32
    %scan3A_13 = arith.addi %scan3A_11, %scan3A_12 : i32
    %scan3A_14 = arith.constant 1 : i32
    scf.for %scan3A_22 = %scan3A_11 to %scan3A_13 step %scan3A_14  : i32 {
      %mul3A_23 = arith.constant 4 : i32
      %mul3A_24 = arith.muli %mul3A_23, %scan3A_22 : i32
      %add3A_25 = arith.constant 0 : i32
      %add3A_26 = arith.addi %mul3A_24, %add3A_25 : i32
      %ge3A = arith.constant 1 : i32
      %ge3A_27 = arith.cmpi sge, %scan3A_22, %ge3A : i32
      %convert_element_type3A = arith.extui %ge3A_27 : i1 to i32
      %cond3A = arith.constant 0 : i32
      %cond3A_28 = arith.cmpi ne, %convert_element_type3A, %cond3A : i32
      scf.if %cond3A_28 {
        %dma_wait3A_123 = arith.constant 0 : i32
        %dma_wait3A_124 = tpu.memref_slice %arg11[%dma_wait3A_123] : memref<100352xf32, #tpu.memory_space<vmem_shared>> -> memref<100352xf32, #tpu.memory_space<vmem_shared>>
        tpu.wait_indirect_dma semaphore(%arg15 : memref<!tpu.dma_semaphore, #tpu.memory_space<semaphore_mem>>) src(%arg6 : memref<2000xf32, #tpu.memory_space<vmem>>) dst(%dma_wait3A_124 : memref<100352xf32, #tpu.memory_space<vmem_shared>>)
      } else {
      }
      %add3A_29 = arith.constant 1 : i32
      %add3A_30 = arith.addi %add3A_26, %add3A_29 : i32
      %mul3A_31 = arith.constant 2000 : i32
      %mul3A_32 = arith.muli %add3A_30, %mul3A_31 : i32
      %add3A_33 = arith.addi %mul3A_2, %mul3A_32 : i32
      %dma_start3A_34 = arith.constant 1 : i32
      %dma_start3A_35 = tpu.memref_slice %arg2[%dma_start3A_34, %add3A_33] : memref<2x6400000xi32, #tpu.memory_space<hbm>> -> memref<1x2000xi32, #tpu.memory_space<hbm>>
      %dma_start3A_36 = tpu.memref_squeeze %dma_start3A_35 : memref<1x2000xi32, #tpu.memory_space<hbm>> -> memref<2000xi32, #tpu.memory_space<hbm>>
      %dma_start3A_37 = tpu.memref_slice %arg2[%dma_start3A_34, %add3A_33] : memref<2x6400000xi32, #tpu.memory_space<hbm>> -> memref<1x2000xi32, #tpu.memory_space<hbm>>
      %dma_start3A_38 = tpu.memref_squeeze %dma_start3A_37 : memref<1x2000xi32, #tpu.memory_space<hbm>> -> memref<2000xi32, #tpu.memory_space<hbm>>
      tpu.enqueue_dma source(%dma_start3A_38 : memref<2000xi32, #tpu.memory_space<hbm>>) target(%arg8 : memref<2000xi32, #tpu.memory_space<vmem>>) target_semaphore(%arg13 : memref<!tpu.dma_semaphore, #tpu.memory_space<semaphore_mem>>)
      %dma_wait3A_39 = arith.constant 1 : i32
      %dma_wait3A_40 = arith.constant 0 : i32
      %dma_wait3A_41 = tpu.memref_slice %arg2[%dma_wait3A_39, %dma_wait3A_40] : memref<2x6400000xi32, #tpu.memory_space<hbm>> -> memref<1x2000xi32, #tpu.memory_space<hbm>>
      %dma_wait3A_42 = tpu.memref_squeeze %dma_wait3A_41 : memref<1x2000xi32, #tpu.memory_space<hbm>> -> memref<2000xi32, #tpu.memory_space<hbm>>
      %dma_wait3A_43 = arith.constant 0 : i32
      %dma_wait3A_44 = tpu.memref_slice %arg2[%dma_wait3A_39, %dma_wait3A_43] : memref<2x6400000xi32, #tpu.memory_space<hbm>> -> memref<1x2000xi32, #tpu.memory_space<hbm>>
      %dma_wait3A_45 = tpu.memref_squeeze %dma_wait3A_44 : memref<1x2000xi32, #tpu.memory_space<hbm>> -> memref<2000xi32, #tpu.memory_space<hbm>>
      tpu.wait_dma2 semaphore(%arg12 : memref<!tpu.dma_semaphore, #tpu.memory_space<semaphore_mem>>) src(%dma_wait3A_45 : memref<2000xi32, #tpu.memory_space<hbm>>) dst(%arg7 : memref<2000xi32, #tpu.memory_space<vmem>>)
      %dma_start3A_46 = arith.constant 0 : i32
      %dma_start3A_47 = tpu.memref_slice %arg11[%dma_start3A_46] : memref<100352xf32, #tpu.memory_space<vmem_shared>> -> memref<100352xf32, #tpu.memory_space<vmem_shared>>
      tpu.enqueue_indirect_dma source(%arg6 : memref<2000xf32, #tpu.memory_space<vmem>>) target(%dma_start3A_47 : memref<100352xf32, #tpu.memory_space<vmem_shared>>) offsets(%arg7 : memref<2000xi32, #tpu.memory_space<vmem>>) semaphore(%arg14 : memref<!tpu.dma_semaphore, #tpu.memory_space<semaphore_mem>>) {add = true}
      %mul3A_48 = arith.constant 4 : i32
      %mul3A_49 = arith.muli %mul3A_48, %scan3A_22 : i32
      %add3A_50 = arith.constant 1 : i32
      %add3A_51 = arith.addi %mul3A_49, %add3A_50 : i32
      %ge3A_52 = arith.constant 1 : i32
      %ge3A_53 = arith.cmpi sge, %scan3A_22, %ge3A_52 : i32
      %convert_element_type3A_54 = arith.extui %ge3A_53 : i1 to i32
      %cond3A_55 = arith.constant 0 : i32
      %cond3A_56 = arith.cmpi ne, %convert_element_type3A_54, %cond3A_55 : i32
      scf.if %cond3A_56 {
        %dma_wait3A_123 = arith.constant 0 : i32
        %dma_wait3A_124 = tpu.memref_slice %arg11[%dma_wait3A_123] : memref<100352xf32, #tpu.memory_space<vmem_shared>> -> memref<100352xf32, #tpu.memory_space<vmem_shared>>
        tpu.wait_indirect_dma semaphore(%arg16 : memref<!tpu.dma_semaphore, #tpu.memory_space<semaphore_mem>>) src(%arg6 : memref<2000xf32, #tpu.memory_space<vmem>>) dst(%dma_wait3A_124 : memref<100352xf32, #tpu.memory_space<vmem_shared>>)
      } else {
      }
      %add3A_57 = arith.constant 1 : i32
      %add3A_58 = arith.addi %add3A_51, %add3A_57 : i32
      %mul3A_59 = arith.constant 2000 : i32
      %mul3A_60 = arith.muli %add3A_58, %mul3A_59 : i32
      %add3A_61 = arith.addi %mul3A_2, %mul3A_60 : i32
      %dma_start3A_62 = arith.constant 1 : i32
      %dma_start3A_63 = tpu.memref_slice %arg2[%dma_start3A_62, %add3A_61] : memref<2x6400000xi32, #tpu.memory_space<hbm>> -> memref<1x2000xi32, #tpu.memory_space<hbm>>
      %dma_start3A_64 = tpu.memref_squeeze %dma_start3A_63 : memref<1x2000xi32, #tpu.memory_space<hbm>> -> memref<2000xi32, #tpu.memory_space<hbm>>
      %dma_start3A_65 = tpu.memref_slice %arg2[%dma_start3A_62, %add3A_61] : memref<2x6400000xi32, #tpu.memory_space<hbm>> -> memref<1x2000xi32, #tpu.memory_space<hbm>>
      %dma_start3A_66 = tpu.memref_squeeze %dma_start3A_65 : memref<1x2000xi32, #tpu.memory_space<hbm>> -> memref<2000xi32, #tpu.memory_space<hbm>>
      tpu.enqueue_dma source(%dma_start3A_66 : memref<2000xi32, #tpu.memory_space<hbm>>) target(%arg9 : memref<2000xi32, #tpu.memory_space<vmem>>) target_semaphore(%arg12 : memref<!tpu.dma_semaphore, #tpu.memory_space<semaphore_mem>>)
      %dma_wait3A_67 = arith.constant 1 : i32
      %dma_wait3A_68 = arith.constant 0 : i32
      %dma_wait3A_69 = tpu.memref_slice %arg2[%dma_wait3A_67, %dma_wait3A_68] : memref<2x6400000xi32, #tpu.memory_space<hbm>> -> memref<1x2000xi32, #tpu.memory_space<hbm>>
      %dma_wait3A_70 = tpu.memref_squeeze %dma_wait3A_69 : memref<1x2000xi32, #tpu.memory_space<hbm>> -> memref<2000xi32, #tpu.memory_space<hbm>>
      %dma_wait3A_71 = arith.constant 0 : i32
      %dma_wait3A_72 = tpu.memref_slice %arg2[%dma_wait3A_67, %dma_wait3A_71] : memref<2x6400000xi32, #tpu.memory_space<hbm>> -> memref<1x2000xi32, #tpu.memory_space<hbm>>
      %dma_wait3A_73 = tpu.memref_squeeze %dma_wait3A_72 : memref<1x2000xi32, #tpu.memory_space<hbm>> -> memref<2000xi32, #tpu.memory_space<hbm>>
      tpu.wait_dma2 semaphore(%arg13 : memref<!tpu.dma_semaphore, #tpu.memory_space<semaphore_mem>>) src(%dma_wait3A_73 : memref<2000xi32, #tpu.memory_space<hbm>>) dst(%arg8 : memref<2000xi32, #tpu.memory_space<vmem>>)
      %dma_start3A_74 = arith.constant 0 : i32
      %dma_start3A_75 = tpu.memref_slice %arg11[%dma_start3A_74] : memref<100352xf32, #tpu.memory_space<vmem_shared>> -> memref<100352xf32, #tpu.memory_space<vmem_shared>>
      tpu.enqueue_indirect_dma source(%arg6 : memref<2000xf32, #tpu.memory_space<vmem>>) target(%dma_start3A_75 : memref<100352xf32, #tpu.memory_space<vmem_shared>>) offsets(%arg8 : memref<2000xi32, #tpu.memory_space<vmem>>) semaphore(%arg15 : memref<!tpu.dma_semaphore, #tpu.memory_space<semaphore_mem>>) {add = true}
      %mul3A_76 = arith.constant 4 : i32
      %mul3A_77 = arith.muli %mul3A_76, %scan3A_22 : i32
      %add3A_78 = arith.constant 2 : i32
      %add3A_79 = arith.addi %mul3A_77, %add3A_78 : i32
      %ge3A_80 = arith.constant 1 : i32
      %ge3A_81 = arith.cmpi sge, %scan3A_22, %ge3A_80 : i32
      %convert_element_type3A_82 = arith.extui %ge3A_81 : i1 to i32
      %cond3A_83 = arith.constant 0 : i32
      %cond3A_84 = arith.cmpi ne, %convert_element_type3A_82, %cond3A_83 : i32
      scf.if %cond3A_84 {
        %dma_wait3A_123 = arith.constant 0 : i32
        %dma_wait3A_124 = tpu.memref_slice %arg11[%dma_wait3A_123] : memref<100352xf32, #tpu.memory_space<vmem_shared>> -> memref<100352xf32, #tpu.memory_space<vmem_shared>>
        tpu.wait_indirect_dma semaphore(%arg17 : memref<!tpu.dma_semaphore, #tpu.memory_space<semaphore_mem>>) src(%arg6 : memref<2000xf32, #tpu.memory_space<vmem>>) dst(%dma_wait3A_124 : memref<100352xf32, #tpu.memory_space<vmem_shared>>)
      } else {
      }
      %add3A_85 = arith.constant 1 : i32
      %add3A_86 = arith.addi %add3A_79, %add3A_85 : i32
      %mul3A_87 = arith.constant 2000 : i32
      %mul3A_88 = arith.muli %add3A_86, %mul3A_87 : i32
      %add3A_89 = arith.addi %mul3A_2, %mul3A_88 : i32
      %dma_start3A_90 = arith.constant 1 : i32
      %dma_start3A_91 = tpu.memref_slice %arg2[%dma_start3A_90, %add3A_89] : memref<2x6400000xi32, #tpu.memory_space<hbm>> -> memref<1x2000xi32, #tpu.memory_space<hbm>>
      %dma_start3A_92 = tpu.memref_squeeze %dma_start3A_91 : memref<1x2000xi32, #tpu.memory_space<hbm>> -> memref<2000xi32, #tpu.memory_space<hbm>>
      %dma_start3A_93 = tpu.memref_slice %arg2[%dma_start3A_90, %add3A_89] : memref<2x6400000xi32, #tpu.memory_space<hbm>> -> memref<1x2000xi32, #tpu.memory_space<hbm>>
      %dma_start3A_94 = tpu.memref_squeeze %dma_start3A_93 : memref<1x2000xi32, #tpu.memory_space<hbm>> -> memref<2000xi32, #tpu.memory_space<hbm>>
      tpu.enqueue_dma source(%dma_start3A_94 : memref<2000xi32, #tpu.memory_space<hbm>>) target(%arg10 : memref<2000xi32, #tpu.memory_space<vmem>>) target_semaphore(%arg13 : memref<!tpu.dma_semaphore, #tpu.memory_space<semaphore_mem>>)
      %dma_wait3A_95 = arith.constant 1 : i32
      %dma_wait3A_96 = arith.constant 0 : i32
      %dma_wait3A_97 = tpu.memref_slice %arg2[%dma_wait3A_95, %dma_wait3A_96] : memref<2x6400000xi32, #tpu.memory_space<hbm>> -> memref<1x2000xi32, #tpu.memory_space<hbm>>
      %dma_wait3A_98 = tpu.memref_squeeze %dma_wait3A_97 : memref<1x2000xi32, #tpu.memory_space<hbm>> -> memref<2000xi32, #tpu.memory_space<hbm>>
      %dma_wait3A_99 = arith.constant 0 : i32
      %dma_wait3A_100 = tpu.memref_slice %arg2[%dma_wait3A_95, %dma_wait3A_99] : memref<2x6400000xi32, #tpu.memory_space<hbm>> -> memref<1x2000xi32, #tpu.memory_space<hbm>>
      %dma_wait3A_101 = tpu.memref_squeeze %dma_wait3A_100 : memref<1x2000xi32, #tpu.memory_space<hbm>> -> memref<2000xi32, #tpu.memory_space<hbm>>
      tpu.wait_dma2 semaphore(%arg12 : memref<!tpu.dma_semaphore, #tpu.memory_space<semaphore_mem>>) src(%dma_wait3A_101 : memref<2000xi32, #tpu.memory_space<hbm>>) dst(%arg9 : memref<2000xi32, #tpu.memory_space<vmem>>)
      %dma_start3A_102 = arith.constant 0 : i32
      %dma_start3A_103 = tpu.memref_slice %arg11[%dma_start3A_102] : memref<100352xf32, #tpu.memory_space<vmem_shared>> -> memref<100352xf32, #tpu.memory_space<vmem_shared>>
      tpu.enqueue_indirect_dma source(%arg6 : memref<2000xf32, #tpu.memory_space<vmem>>) target(%dma_start3A_103 : memref<100352xf32, #tpu.memory_space<vmem_shared>>) offsets(%arg9 : memref<2000xi32, #tpu.memory_space<vmem>>) semaphore(%arg16 : memref<!tpu.dma_semaphore, #tpu.memory_space<semaphore_mem>>) {add = true}
      %mul3A_104 = arith.constant 4 : i32
      %mul3A_105 = arith.muli %mul3A_104, %scan3A_22 : i32
      %add3A_106 = arith.constant 3 : i32
      %add3A_107 = arith.addi %mul3A_105, %add3A_106 : i32
      %dma_wait3A_108 = arith.constant 0 : i32
      %dma_wait3A_109 = tpu.memref_slice %arg11[%dma_wait3A_108] : memref<100352xf32, #tpu.memory_space<vmem_shared>> -> memref<100352xf32, #tpu.memory_space<vmem_shared>>
      tpu.wait_indirect_dma semaphore(%arg14 : memref<!tpu.dma_semaphore, #tpu.memory_space<semaphore_mem>>) src(%arg6 : memref<2000xf32, #tpu.memory_space<vmem>>) dst(%dma_wait3A_109 : memref<100352xf32, #tpu.memory_space<vmem_shared>>)
      %lt3A = arith.constant 24 : i32
      %lt3A_110 = arith.cmpi slt, %scan3A_22, %lt3A : i32
      %convert_element_type3A_111 = arith.extui %lt3A_110 : i1 to i32
      %cond3A_112 = arith.constant 0 : i32
      %cond3A_113 = arith.cmpi ne, %convert_element_type3A_111, %cond3A_112 : i32
      scf.if %cond3A_113 {
        %add3A_123 = arith.constant 1 : i32
        %add3A_124 = arith.addi %add3A_107, %add3A_123 : i32
        %mul3A_125 = arith.constant 2000 : i32
        %mul3A_126 = arith.muli %add3A_124, %mul3A_125 : i32
        %add3A_127 = arith.addi %mul3A_2, %mul3A_126 : i32
        %dma_start3A_128 = arith.constant 1 : i32
        %dma_start3A_129 = tpu.memref_slice %arg2[%dma_start3A_128, %add3A_127] : memref<2x6400000xi32, #tpu.memory_space<hbm>> -> memref<1x2000xi32, #tpu.memory_space<hbm>>
        %dma_start3A_130 = tpu.memref_squeeze %dma_start3A_129 : memref<1x2000xi32, #tpu.memory_space<hbm>> -> memref<2000xi32, #tpu.memory_space<hbm>>
        %dma_start3A_131 = tpu.memref_slice %arg2[%dma_start3A_128, %add3A_127] : memref<2x6400000xi32, #tpu.memory_space<hbm>> -> memref<1x2000xi32, #tpu.memory_space<hbm>>
        %dma_start3A_132 = tpu.memref_squeeze %dma_start3A_131 : memref<1x2000xi32, #tpu.memory_space<hbm>> -> memref<2000xi32, #tpu.memory_space<hbm>>
        tpu.enqueue_dma source(%dma_start3A_132 : memref<2000xi32, #tpu.memory_space<hbm>>) target(%arg7 : memref<2000xi32, #tpu.memory_space<vmem>>) target_semaphore(%arg12 : memref<!tpu.dma_semaphore, #tpu.memory_space<semaphore_mem>>)
      } else {
      }
      %dma_wait3A_114 = arith.constant 1 : i32
      %dma_wait3A_115 = arith.constant 0 : i32
      %dma_wait3A_116 = tpu.memref_slice %arg2[%dma_wait3A_114, %dma_wait3A_115] : memref<2x6400000xi32, #tpu.memory_space<hbm>> -> memref<1x2000xi32, #tpu.memory_space<hbm>>
      %dma_wait3A_117 = tpu.memref_squeeze %dma_wait3A_116 : memref<1x2000xi32, #tpu.memory_space<hbm>> -> memref<2000xi32, #tpu.memory_space<hbm>>
      %dma_wait3A_118 = arith.constant 0 : i32
      %dma_wait3A_119 = tpu.memref_slice %arg2[%dma_wait3A_114, %dma_wait3A_118] : memref<2x6400000xi32, #tpu.memory_space<hbm>> -> memref<1x2000xi32, #tpu.memory_space<hbm>>
      %dma_wait3A_120 = tpu.memref_squeeze %dma_wait3A_119 : memref<1x2000xi32, #tpu.memory_space<hbm>> -> memref<2000xi32, #tpu.memory_space<hbm>>
      tpu.wait_dma2 semaphore(%arg13 : memref<!tpu.dma_semaphore, #tpu.memory_space<semaphore_mem>>) src(%dma_wait3A_120 : memref<2000xi32, #tpu.memory_space<hbm>>) dst(%arg10 : memref<2000xi32, #tpu.memory_space<vmem>>)
      %dma_start3A_121 = arith.constant 0 : i32
      %dma_start3A_122 = tpu.memref_slice %arg11[%dma_start3A_121] : memref<100352xf32, #tpu.memory_space<vmem_shared>> -> memref<100352xf32, #tpu.memory_space<vmem_shared>>
      tpu.enqueue_indirect_dma source(%arg6 : memref<2000xf32, #tpu.memory_space<vmem>>) target(%dma_start3A_122 : memref<100352xf32, #tpu.memory_space<vmem_shared>>) offsets(%arg10 : memref<2000xi32, #tpu.memory_space<vmem>>) semaphore(%arg17 : memref<!tpu.dma_semaphore, #tpu.memory_space<semaphore_mem>>) {add = true}
    }
    %scan3A_15 = arith.constant 25 : i32
    %dma_wait3A = arith.constant 0 : i32
    %dma_wait3A_16 = tpu.memref_slice %arg11[%dma_wait3A] : memref<100352xf32, #tpu.memory_space<vmem_shared>> -> memref<100352xf32, #tpu.memory_space<vmem_shared>>
    tpu.wait_indirect_dma semaphore(%arg15 : memref<!tpu.dma_semaphore, #tpu.memory_space<semaphore_mem>>) src(%arg6 : memref<2000xf32, #tpu.memory_space<vmem>>) dst(%dma_wait3A_16 : memref<100352xf32, #tpu.memory_space<vmem_shared>>)
    %dma_wait3A_17 = arith.constant 0 : i32
    %dma_wait3A_18 = tpu.memref_slice %arg11[%dma_wait3A_17] : memref<100352xf32, #tpu.memory_space<vmem_shared>> -> memref<100352xf32, #tpu.memory_space<vmem_shared>>
    tpu.wait_indirect_dma semaphore(%arg16 : memref<!tpu.dma_semaphore, #tpu.memory_space<semaphore_mem>>) src(%arg6 : memref<2000xf32, #tpu.memory_space<vmem>>) dst(%dma_wait3A_18 : memref<100352xf32, #tpu.memory_space<vmem_shared>>)
    %dma_wait3A_19 = arith.constant 0 : i32
    %dma_wait3A_20 = tpu.memref_slice %arg11[%dma_wait3A_19] : memref<100352xf32, #tpu.memory_space<vmem_shared>> -> memref<100352xf32, #tpu.memory_space<vmem_shared>>
    tpu.wait_indirect_dma semaphore(%arg17 : memref<!tpu.dma_semaphore, #tpu.memory_space<semaphore_mem>>) src(%arg6 : memref<2000xf32, #tpu.memory_space<vmem>>) dst(%dma_wait3A_20 : memref<100352xf32, #tpu.memory_space<vmem_shared>>)
    %barrier3A_21 = arith.constant 0 : index
    tpu.barrier barrier_id(%barrier3A_21)
    "tpu.region"() ({
      %run_scoped3A = tpu.sem_alloc : memref<!tpu.dma_semaphore, #tpu.memory_space<semaphore_mem>>
      %dma_start3A_22 = tpu.memref_slice %arg5[%arg0, %mul3A_4] : memref<2x100352xf32, #tpu.memory_space<hbm>> -> memref<1x6272xf32, #tpu.memory_space<hbm>>
      %dma_start3A_23 = tpu.memref_squeeze %dma_start3A_22 : memref<1x6272xf32, #tpu.memory_space<hbm>> -> memref<6272xf32, #tpu.memory_space<hbm>>
      %dma_start3A_24 = tpu.memref_slice %arg11[%mul3A_4] : memref<100352xf32, #tpu.memory_space<vmem_shared>> -> memref<6272xf32, #tpu.memory_space<vmem_shared>>
      tpu.enqueue_dma source(%dma_start3A_24 : memref<6272xf32, #tpu.memory_space<vmem_shared>>) target(%dma_start3A_23 : memref<6272xf32, #tpu.memory_space<hbm>>) target_semaphore(%run_scoped3A : memref<!tpu.dma_semaphore, #tpu.memory_space<semaphore_mem>>)
      %dma_wait3A_25 = tpu.memref_slice %arg5[%arg0, %mul3A_4] : memref<2x100352xf32, #tpu.memory_space<hbm>> -> memref<1x6272xf32, #tpu.memory_space<hbm>>
      %dma_wait3A_26 = tpu.memref_squeeze %dma_wait3A_25 : memref<1x6272xf32, #tpu.memory_space<hbm>> -> memref<6272xf32, #tpu.memory_space<hbm>>
      %dma_wait3A_27 = tpu.memref_slice %arg11[%mul3A_4] : memref<100352xf32, #tpu.memory_space<vmem_shared>> -> memref<6272xf32, #tpu.memory_space<vmem_shared>>
      tpu.wait_dma2 semaphore(%run_scoped3A : memref<!tpu.dma_semaphore, #tpu.memory_space<semaphore_mem>>) src(%dma_wait3A_27 : memref<6272xf32, #tpu.memory_space<vmem_shared>>) dst(%dma_wait3A_26 : memref<6272xf32, #tpu.memory_space<hbm>>)
      tpu.yield
    }) : () -> ()
    return
  }
}

module attributes {stable_mosaic.version = 14 : i64} {
  func.func @_tc_prep(%arg0: memref<2x784x128xf32, #tpu.memory_space<vmem>>, %arg1: memref<784x128xf32, #tpu.memory_space<vmem>>, %arg2: memref<784x128xf32, #tpu.memory_space<vmem>>, %arg3: memref<784x128xf32, #tpu.memory_space<vmem>>) attributes {dimension_semantics = [], scalar_prefetch = 0 : i64, scratch_operands = 0 : i64, tpu.core_type = #tpu.core_type<tc>} {
    %get3A = arith.constant 0 : index
    %get3A_0 = arith.constant 0 : index
    %get3A_1 = arith.constant 0 : index
    %get3A_2 = vector.load %arg0[%get3A, %get3A_0, %get3A_1] : memref<2x784x128xf32, #tpu.memory_space<vmem>>, vector<1x784x128xf32>
    %get3A_3 = vector.shape_cast %get3A_2 : vector<1x784x128xf32> to vector<784x128xf32>
    %get3A_4 = arith.constant 1 : index
    %get3A_5 = arith.constant 0 : index
    %get3A_6 = arith.constant 0 : index
    %get3A_7 = vector.load %arg0[%get3A_4, %get3A_5, %get3A_6] : memref<2x784x128xf32, #tpu.memory_space<vmem>>, vector<1x784x128xf32>
    %get3A_8 = vector.shape_cast %get3A_7 : vector<1x784x128xf32> to vector<784x128xf32>
    %add3A = arith.addf %get3A_3, %get3A_8 : vector<784x128xf32>
    %add3A_9 = arith.constant 1.000000e+00 : f32
    %add3A_10 = vector.broadcast %add3A_9 : f32 to vector<784x128xf32>
    %add3A_11 = arith.addf %add3A, %add3A_10 : vector<784x128xf32>
    %rsqrt3A = math.rsqrt %add3A_11 : vector<784x128xf32>
    %swap3A = arith.constant 0 : index
    %swap3A_12 = arith.constant 0 : index
    %swap3A_13 = vector.load %arg2[%swap3A, %swap3A_12] : memref<784x128xf32, #tpu.memory_space<vmem>>, vector<784x128xf32>
    tpu.vector_store %arg2[%swap3A, %swap3A_12], %rsqrt3A {strides = array<i32>} : memref<784x128xf32, #tpu.memory_space<vmem>>, vector<784x128xf32>,
    %get3A_14 = arith.constant 0 : index
    %get3A_15 = arith.constant 0 : index
    %get3A_16 = vector.load %arg1[%get3A_14, %get3A_15] : memref<784x128xf32, #tpu.memory_space<vmem>>, vector<784x128xf32>
    %mul3A = arith.mulf %rsqrt3A, %get3A_16 : vector<784x128xf32>
    %swap3A_17 = arith.constant 0 : index
    %swap3A_18 = arith.constant 0 : index
    %swap3A_19 = vector.load %arg3[%swap3A_17, %swap3A_18] : memref<784x128xf32, #tpu.memory_space<vmem>>, vector<784x128xf32>
    tpu.vector_store %arg3[%swap3A_17, %swap3A_18], %mul3A {strides = array<i32>} : memref<784x128xf32, #tpu.memory_space<vmem>>, vector<784x128xf32>,
    return
  }
}

module attributes {stable_mosaic.version = 14 : i64} {
  func.func @_tc_mid(%arg0: memref<2x784x128xf32, #tpu.memory_space<vmem>>, %arg1: memref<784x128xf32, #tpu.memory_space<vmem>>, %arg2: memref<784x128xf32, #tpu.memory_space<vmem>>, %arg3: memref<1x1xf32, #tpu.memory_space<vmem>>, %arg4: memref<1x1xf32, #tpu.memory_space<vmem>>, %arg5: memref<784x128xf32, #tpu.memory_space<vmem>>) attributes {dimension_semantics = [], scalar_prefetch = 0 : i64, scratch_operands = 0 : i64, tpu.core_type = #tpu.core_type<tc>} {
    %get3A = arith.constant 0 : index
    %get3A_0 = arith.constant 0 : index
    %get3A_1 = arith.constant 0 : index
    %get3A_2 = vector.load %arg0[%get3A, %get3A_0, %get3A_1] : memref<2x784x128xf32, #tpu.memory_space<vmem>>, vector<1x784x128xf32>
    %get3A_3 = vector.shape_cast %get3A_2 : vector<1x784x128xf32> to vector<784x128xf32>
    %get3A_4 = arith.constant 1 : index
    %get3A_5 = arith.constant 0 : index
    %get3A_6 = arith.constant 0 : index
    %get3A_7 = vector.load %arg0[%get3A_4, %get3A_5, %get3A_6] : memref<2x784x128xf32, #tpu.memory_space<vmem>>, vector<1x784x128xf32>
    %get3A_8 = vector.shape_cast %get3A_7 : vector<1x784x128xf32> to vector<784x128xf32>
    %add3A = arith.addf %get3A_3, %get3A_8 : vector<784x128xf32>
    %get3A_9 = arith.constant 0 : index
    %get3A_10 = arith.constant 0 : index
    %get3A_11 = vector.load %arg3[%get3A_9, %get3A_10] : memref<1x1xf32, #tpu.memory_space<vmem>>, vector<1x1xf32>
    %get3A_12 = vector.extract %get3A_11[0, 0] : f32 from vector<1x1xf32>
    %get3A_13 = arith.constant 0 : index
    %get3A_14 = arith.constant 0 : index
    %get3A_15 = vector.load %arg2[%get3A_13, %get3A_14] : memref<784x128xf32, #tpu.memory_space<vmem>>, vector<784x128xf32>
    %mul3A = vector.broadcast %get3A_12 : f32 to vector<784x128xf32>
    %mul3A_16 = arith.mulf %mul3A, %get3A_15 : vector<784x128xf32>
    %get3A_17 = arith.constant 0 : index
    %get3A_18 = arith.constant 0 : index
    %get3A_19 = vector.load %arg1[%get3A_17, %get3A_18] : memref<784x128xf32, #tpu.memory_space<vmem>>, vector<784x128xf32>
    %add3A_20 = arith.addf %add3A, %get3A_19 : vector<784x128xf32>
    %mul3A_21 = arith.mulf %mul3A_16, %add3A_20 : vector<784x128xf32>
    %get3A_22 = arith.constant 0 : index
    %get3A_23 = arith.constant 0 : index
    %get3A_24 = vector.load %arg4[%get3A_22, %get3A_23] : memref<1x1xf32, #tpu.memory_space<vmem>>, vector<1x1xf32>
    %get3A_25 = vector.extract %get3A_24[0, 0] : f32 from vector<1x1xf32>
    %add3A_26 = vector.broadcast %get3A_25 : f32 to vector<784x128xf32>
    %add3A_27 = arith.addf %mul3A_21, %add3A_26 : vector<784x128xf32>
    %get3A_28 = arith.constant 0 : index
    %get3A_29 = arith.constant 0 : index
    %get3A_30 = vector.load %arg2[%get3A_28, %get3A_29] : memref<784x128xf32, #tpu.memory_space<vmem>>, vector<784x128xf32>
    %max3A = arith.constant 0.000000e+00 : f32
    %max3A_31 = vector.broadcast %max3A : f32 to vector<784x128xf32>
    %max3A_32 = arith.maximumf %add3A_27, %max3A_31 : vector<784x128xf32>
    %mul3A_33 = arith.mulf %get3A_30, %max3A_32 : vector<784x128xf32>
    %swap3A = arith.constant 0 : index
    %swap3A_34 = arith.constant 0 : index
    %swap3A_35 = vector.load %arg5[%swap3A, %swap3A_34] : memref<784x128xf32, #tpu.memory_space<vmem>>, vector<784x128xf32>
    tpu.vector_store %arg5[%swap3A, %swap3A_34], %mul3A_33 {strides = array<i32>} : memref<784x128xf32, #tpu.memory_space<vmem>>, vector<784x128xf32>,
    return
  }
}

module attributes {stable_mosaic.version = 14 : i64} {
  func.func @_tc_final(%arg0: memref<2x784x128xf32, #tpu.memory_space<vmem>>, %arg1: memref<784x128xf32, #tpu.memory_space<vmem>>, %arg2: memref<784x128xf32, #tpu.memory_space<vmem>>, %arg3: memref<1x1xf32, #tpu.memory_space<vmem>>, %arg4: memref<1x1xf32, #tpu.memory_space<vmem>>, %arg5: memref<784x128xf32, #tpu.memory_space<vmem>>, %arg6: memref<1x1xf32, #tpu.memory_space<vmem>>, %arg7: memref<1x1xf32, #tpu.memory_space<vmem>>) attributes {dimension_semantics = [], scalar_prefetch = 0 : i64, scratch_operands = 0 : i64, tpu.core_type = #tpu.core_type<tc>} {
    %get3A = arith.constant 0 : index
    %get3A_0 = arith.constant 0 : index
    %get3A_1 = arith.constant 0 : index
    %get3A_2 = vector.load %arg0[%get3A, %get3A_0, %get3A_1] : memref<2x784x128xf32, #tpu.memory_space<vmem>>, vector<1x784x128xf32>
    %get3A_3 = vector.shape_cast %get3A_2 : vector<1x784x128xf32> to vector<784x128xf32>
    %get3A_4 = arith.constant 1 : index
    %get3A_5 = arith.constant 0 : index
    %get3A_6 = arith.constant 0 : index
    %get3A_7 = vector.load %arg0[%get3A_4, %get3A_5, %get3A_6] : memref<2x784x128xf32, #tpu.memory_space<vmem>>, vector<1x784x128xf32>
    %get3A_8 = vector.shape_cast %get3A_7 : vector<1x784x128xf32> to vector<784x128xf32>
    %add3A = arith.addf %get3A_3, %get3A_8 : vector<784x128xf32>
    %get3A_9 = arith.constant 0 : index
    %get3A_10 = arith.constant 0 : index
    %get3A_11 = vector.load %arg3[%get3A_9, %get3A_10] : memref<1x1xf32, #tpu.memory_space<vmem>>, vector<1x1xf32>
    %get3A_12 = vector.extract %get3A_11[0, 0] : f32 from vector<1x1xf32>
    %get3A_13 = arith.constant 0 : index
    %get3A_14 = arith.constant 0 : index
    %get3A_15 = vector.load %arg2[%get3A_13, %get3A_14] : memref<784x128xf32, #tpu.memory_space<vmem>>, vector<784x128xf32>
    %mul3A = vector.broadcast %get3A_12 : f32 to vector<784x128xf32>
    %mul3A_16 = arith.mulf %mul3A, %get3A_15 : vector<784x128xf32>
    %get3A_17 = arith.constant 0 : index
    %get3A_18 = arith.constant 0 : index
    %get3A_19 = vector.load %arg1[%get3A_17, %get3A_18] : memref<784x128xf32, #tpu.memory_space<vmem>>, vector<784x128xf32>
    %add3A_20 = arith.addf %add3A, %get3A_19 : vector<784x128xf32>
    %mul3A_21 = arith.mulf %mul3A_16, %add3A_20 : vector<784x128xf32>
    %get3A_22 = arith.constant 0 : index
    %get3A_23 = arith.constant 0 : index
    %get3A_24 = vector.load %arg4[%get3A_22, %get3A_23] : memref<1x1xf32, #tpu.memory_space<vmem>>, vector<1x1xf32>
    %get3A_25 = vector.extract %get3A_24[0, 0] : f32 from vector<1x1xf32>
    %add3A_26 = vector.broadcast %get3A_25 : f32 to vector<784x128xf32>
    %add3A_27 = arith.addf %mul3A_21, %add3A_26 : vector<784x128xf32>
    %get3A_28 = arith.constant 0 : index
    %get3A_29 = arith.constant 0 : index
    %get3A_30 = vector.load %arg5[%get3A_28, %get3A_29] : memref<784x128xf32, #tpu.memory_space<vmem>>, vector<784x128xf32>
    %mul3A_31 = arith.mulf %add3A_27, %get3A_30 : vector<784x128xf32>
    %reduce_sum3A = vector.shape_cast %mul3A_31 : vector<784x128xf32> to vector<1x784x128xf32>
    %reduce_sum3A_32 = arith.constant dense<0.000000e+00> : vector<1xf32>
    %reduce_sum3A_33 = vector.multi_reduction <add>, %reduce_sum3A, %reduce_sum3A_32 [1, 2] : vector<1x784x128xf32> to vector<1xf32>
    %reduce_sum3A_34 = vector.shape_cast %reduce_sum3A_33 : vector<1xf32> to vector<1x1x1xf32>
    %reduce_sum3A_35 = vector.extract %reduce_sum3A_34[0, 0, 0] : f32 from vector<1x1x1xf32>
    %broadcast_in_dim3A = vector.broadcast %reduce_sum3A_35 : f32 to vector<1x1xf32>
    %get3A_36 = arith.constant 0 : index
    %get3A_37 = arith.constant 0 : index
    %get3A_38 = vector.load %arg6[%get3A_36, %get3A_37] : memref<1x1xf32, #tpu.memory_space<vmem>>, vector<1x1xf32>
    %add3A_39 = arith.addf %broadcast_in_dim3A, %get3A_38 : vector<1x1xf32>
    %swap3A = arith.constant 0 : index
    %swap3A_40 = arith.constant 0 : index
    %swap3A_41 = vector.load %arg7[%swap3A, %swap3A_40] : memref<1x1xf32, #tpu.memory_space<vmem>>, vector<1x1xf32>
    tpu.vector_store %arg7[%swap3A, %swap3A_40], %add3A_39 {strides = array<i32>} : memref<1x1xf32, #tpu.memory_space<vmem>>, vector<1x1xf32>,
    return
  }
}

</mosaic_0001>

<sc_bundles>
// kernel: kernel.11.cloned.1.call-start
scs
__scs_entry_jumppad:
0x0: {  	(pc) =	sbr.rel $0x88, $3  }
0x1: {  	(tag) =	ssettag $0x0;
	lr =	simm.s32 $0x1  }
0x2: {  	[smem:$0x3F99] =	sst lr;
	_ =	strace $0xD0000000  }
0x3: {  	_ = 	snop  }
0x4: {  	_ = 	snop  }
0x5: {  	_ = 	snop  }
0x6: {  	_ = 	snop  }
0x7: {  	_ = 	snop  }
__scs_overlays_trampoline_lowered:
0x8: {  	[smem:$0x3FA8] =	sst s0  }
0x9: {  	[smem:$0x3FA9] =	sst s1  }
0xa: {  	[smem:$0x3FAA] =	sst s2  }
0xb: {  	[smem:$0x3FAB] =	sst s3  }
0xc: {  	[smem:$0x3FAC] =	sst s4  }
0xd: {  	[smem:$0x3FAD] =	sst s5  }
0xe: {  	[smem:$0x3FAE] =	sst s6  }
0xf: {  	[smem:$0x3FAF] =	sst s7  }
0x10: {  	[smem:$0x3FB0] =	sst s8  }
0x11: {  	[smem:$0x3FB1] =	sst s9;
	s0 =	simm.s32 @!p0 $0x0  }
0x12: {  	s1 =	sld [smem:$0x3F97];
	s0 =	simm.s32 @p0 $0x1  }
0x13: {  	[smem:$0x3FB2] =	sst s0;
	s0 =	simm.s32 @!p1 $0x0  }
0x14: {  	s2 =	sld [smem:$0x3F96];
	s0 =	simm.s32 @p1 $0x1  }
0x15: {  	[smem:$0x3FB3] =	sst s0;
	s0 =	simm.s32 @!p2 $0x0  }
0x16: {  	s3 =	sld [smem:$0x3FDB];
	s0 =	simm.s32 @p2 $0x1  }
0x17: {  	s4 =	simm.s32 $0x1BF5;
	[smem:$0x3FB5] =	sst s0  }
0x18: {  	s0 =	sld [smem:$0x3F98];
	_ =	swait.ge [sflag:s4], $0x0  }
0x19: {  	s7 =	sld [smem:$0x3F99]  }
0x1a: {  	s8 =	sadd.s32 $0xFFFFE003, lr  }
0x1b: {  	s9 =	sadd.s32 $0xFFFFFEF7, lr;
	s5 =	simm.s32 $0xFFFFFFFF;
	p2 =	slt.u32 s8, $0xFFFFF086  }
0x1c: {  	p1 =	slt.u32 s9, $0xF7A;
	s5 =	simm.s32 @!p2 $0x0  }
0x1d: {  	s5 =	simm.s32 @p1 $0x1;
	p0 =	seq.s32 s7, s2  }
0x1e: {  	s7 =	smul.u32 @!p0 $0xF7A, s2;
	p2 =	seq.s32 @!p0 s5, $0x0  }
0x1f: {  	s9 =	smul.u32 $0xF7A, s1;
	s8 =	simm.s32 @!p0 $0x1BF5;
	p2 =	por !p2, p0  }
0x20: {  	[sflag:s8] =	ssyncset.s32 @!p0 $0xFFFFF086;
	s6 =	sadd.s32 @!p0 s3, s7;
	s7 =	simm.s32 @!p0 $0x108  }
0x21: {  	s3 =	sadd.s32 s3, s9;
	s6 =	sadd.s32 @!p0 $0x88, s6;
	s7 =	simm.s32 @p2 $0x1082  }
0x22: {  	[simem:s7], [sflag:s8] =	dma.local @!p0 [hbm:s6], $0xF7A  }
0x23: {  	s9 =	sor.u32 $0xD0000000, s2;
	s6 =	simm.s32 $0x108;
	_ =	swait.ge @!p0 [sflag:s8], $0x0  }
0x24: {  	s3 =	sadd.s32 $0x88, s3;
	s6 =	simm.s32 @!p1 $0x1082;
	[sflag:s4] =	ssyncset.s32 $0xFFFFF086  }
0x25: {  	[simem:s6], [sflag:s4] =	dma.local [hbm:s3], $0xF7A  }
0x26: {  	[smem:$0x3F99] =	sst s1;
	(tag) =	ssettag s2;
	_ =	strace s9  }
0x27: {  	s1 =	sld [smem:$0x3FA9]  }
0x28: {  	s2 =	sld [smem:$0x3FAA]  }
0x29: {  	s4 =	sld [smem:$0x3FAC]  }
0x2a: {  	p0 =	seq.s32 s5, $0x0;
	s5 =	sld [smem:$0x3FAD]  }
0x2b: {  	s6 =	sld [smem:$0x3FAE]  }
0x2c: {  	s7 =	sld [smem:$0x3FAF]  }
0x2d: {  	s3 =	simm.s32 $0x108;
	s8 =	sld [smem:$0x3FB0]  }
0x2e: {  	s3 =	simm.s32 @!p0 $0x1082;
	s9 =	sld [smem:$0x3FB1]  }
0x2f: {  	lr =	sadd.s32 s0, s3;
	s0 =	sld [smem:$0x3FA8]  }
0x30: {  	s3 =	sld [smem:$0x3FAB]  }
0x31: {  	[smem:$0x3FB4] =	sst s10  }
0x32: {  	s10 =	sld [smem:$0x3FB2];
	_ =	sdelay $0x3  }
0x33: {  	p0 =	seq.s32 s10, $0x1;
	s10 =	sld [smem:$0x3FB4];
	_ =	sdelay $0x3  }
0x34: {  	[smem:$0x3FB4] =	sst s10  }
0x35: {  	s10 =	sld [smem:$0x3FB3];
	_ =	sdelay $0x3  }
0x36: {  	p1 =	seq.s32 s10, $0x1;
	s10 =	sld [smem:$0x3FB4];
	_ =	sdelay $0x3  }
0x37: {  	[smem:$0x3FB4] =	sst s10  }
0x38: {  	s10 =	sld [smem:$0x3FB5]  }
0x39: {  	_ = 	snop;
	(pc) =	sbr.ind lr, $3  }
0x3a: {  	_ = 	snop  }
0x3b: {  	_ = 	snop  }
0x3c: {  	p2 =	seq.s32 s10, $0x1;
	s10 =	sld [smem:$0x3FB4]  }
0x3d: {  	_ =	shalt  }
0x3e: {  	_ =	shalt  }
0x3f: {  	_ =	shalt  }
0x40: {  	_ =	shalt  }
0x41: {  	_ =	shalt  }
0x42: {  	_ =	shalt  }
0x43: {  	_ =	shalt  }
0x44: {  	_ =	shalt  }
0x45: {  	_ =	shalt  }
0x46: {  	_ =	shalt  }
0x47: {  	_ =	shalt  }
0x48: {  	_ =	shalt  }
0x49: {  	_ =	shalt  }
0x4a: {  	_ =	shalt  }
0x4b: {  	_ =	shalt  }
0x4c: {  	_ =	shalt  }
0x4d: {  	_ =	shalt  }
0x4e: {  	_ =	shalt  }
0x4f: {  	_ =	shalt  }
0x50: {  	_ =	shalt  }
0x51: {  	_ =	shalt  }
0x52: {  	_ =	shalt  }
0x53: {  	_ =	shalt  }
0x54: {  	_ =	shalt  }
0x55: {  	_ =	shalt  }
0x56: {  	_ =	shalt  }
0x57: {  	_ =	shalt  }
0x58: {  	_ =	shalt  }
0x59: {  	_ =	shalt  }
0x5a: {  	_ =	shalt  }
0x5b: {  	_ =	shalt  }
0x5c: {  	_ =	shalt  }
0x5d: {  	_ =	shalt  }
0x5e: {  	_ =	shalt  }
0x5f: {  	_ =	shalt  }
0x60: {  	_ =	shalt  }
0x61: {  	_ =	shalt  }
0x62: {  	_ =	shalt  }
0x63: {  	_ =	shalt  }
0x64: {  	_ =	shalt  }
0x65: {  	_ =	shalt  }
0x66: {  	_ =	shalt  }
0x67: {  	_ =	shalt  }
0x68: {  	_ =	shalt  }
0x69: {  	_ =	shalt  }
0x6a: {  	_ =	shalt  }
0x6b: {  	_ =	shalt  }
0x6c: {  	_ =	shalt  }
0x6d: {  	_ =	shalt  }
0x6e: {  	_ =	shalt  }
0x6f: {  	_ =	shalt  }
0x70: {  	_ =	shalt  }
0x71: {  	_ =	shalt  }
0x72: {  	_ =	shalt  }
0x73: {  	_ =	shalt  }
0x74: {  	_ =	shalt  }
0x75: {  	_ =	shalt  }
0x76: {  	_ =	shalt  }
0x77: {  	_ =	shalt  }
0x78: {  	_ =	shalt  }
0x79: {  	_ =	shalt  }
0x7a: {  	_ =	shalt  }
0x7b: {  	_ =	shalt  }
0x7c: {  	_ =	shalt  }
0x7d: {  	_ =	shalt  }
0x7e: {  	_ =	shalt  }
0x7f: {  	_ =	shalt  }
0x80: {  	_ =	shalt  }
0x81: {  	_ =	shalt  }
0x82: {  	_ =	shalt  }
0x83: {  	_ =	shalt  }
0x84: {  	_ =	shalt  }
0x85: {  	_ =	shalt  }
0x86: {  	_ =	shalt  }
0x87: {  	_ =	shalt  }
.Lfunc_end0:
.L_simem_size_0:
called_computation.2_lowered:
.L_overlay_start_0:
0x88: {  	s2 =	sld [smem:$0x3FD9]  }
0x89: {  	s3 =	sld [smem:$0x3FFE];
	_ =	sdelay $0x1  }
0x8a: {  	s1 =	srdreg.scid  }
0x8b: {  	s0 =	sand.u32 $0x1, s1  }
0x8c: {  	s16 =	sshll.u32 s0, $0xA;
	s2 =	sadd.s32 s3, s2  }
0x8d: {  	s2 =	sadd.s32 s2, s16  }
0x8e: {  	[smem:$0x3FC0] =	sst s2  }
0x8f: {  	_ = 	snop  }
0x90: {  	(tm) =	ssettm $0x1  }
0x91: {  	s17 =	sld [smem:$0x3FFB];
	_ =	sdelay $0x3  }
0x92: {  	_ =	strace s17  }
0x93: {  	s2 =	sld [smem:$0x3FFC];
	_ =	sdelay $0x3  }
0x94: {  	_ =	strace s2  }
0x95: {  	s2 =	sld [smem:$0x3FFD];
	_ =	sdelay $0x3  }
0x96: {  	_ =	strace s2  }
0x97: {  	_ =	strace $0x8FFFFFFF  }
0x98: {  	s18 =	sld [smem:$0x3FDB];
	_ =	sdelay $0x1  }
0x99: {  	s19 =	simm.s32 $_scs_section_size  }
0x9a: {  	s4 =	simm.s32 $_size__tile_overlayer_lowered;
	s5 =	simm.s32 $_tile_overlayer_lowered  }
0x9b: {  	s22 =	simm.s32 $0x1BFF;
	s21 =	sshll.u32 s5, $0x1;
	s2 =	sadd.s32 s19, s18  }
0x9c: {  	s6 =	simm.s32 $0x0;
	s20 =	sshll.u32 s4, $0x1;
	s4 =	sadd.s32 s21, s2  }
0x9d: {  	[timem:s6], [sflag:s22] =	dma.local [hbm:s4], s20  }
0x9e: {  	_ =	swait.ge [sflag:s22], s20  }
0x9f: {  	s3 =	ssub.s32 $0x0, s20;
	[sflag:s22] =	ssyncset.done $0x0  }
0xa0: {  	[sflag:s22] =	ssyncadd.s32 s3;
	_ =	sdelay $0x1  }
0xa1: {  	s23 =	simm.s32 $0x1B8B  }
0xa2: {  	_ =	swait.ge [sflag:s23], $0x1  }
0xa3: {  	[sflag:s23] =	ssyncset.done $0x0  }
0xa4: {  	s25 =	simm.s32 $0x1B8E;
	s24 =	sld [smem:$0x3FFE];
	[sflag:s23] =	ssyncadd.s32 $0xFFFFFFFF  }
0xa5: {  	s26 =	simm.s32 $execute0_lowered;
	[smem:$0x3FD2] =	sst s25  }
0xa6: {  	s4 =	sshll.u32 s26, $0x1;
	_ =	strace $0x8000004C;
	[dreg:$0x1] =	wrdreg $0xFFFFFFFF  }
0xa7: {  	s28 =	simm.s32 $_size_execute0_lowered;
	s2 =	sadd.s32 s2, s4;
	[dreg:$0x0] =	wrdreg $0x0  }
0xa8: {  	s4 =	sshll.u32 s28, $0x1;
	[dreg:$0x2] =	wrdreg s2  }
0xa9: {  	[dreg:$0x3] =	wrdreg s4  }
0xaa: {  	[dreg:$0x4] =	wrdreg $0xC0  }
0xab: {  	_ =	task [dreg:s6], $0x5FFFF  }
0xac: {  	[dreg:$0x1] =	wrdreg $0xFFFFFFFF  }
0xad: {  	[dreg:$0x0] =	wrdreg $0x60  }
0xae: {  	[dreg:$0x2] =	wrdreg s24  }
0xaf: {  	[dreg:$0x3] =	wrdreg $0x1D6200  }
0xb0: {  	[dreg:$0x4] =	wrdreg $0x9  }
0xb1: {  	_ =	task.clear_ibuf [dreg:s6], $0x5FFFF;
	_ =	strace $0x9000004C  }
0xb2: {  	s29 =	simm.s32 $0x9;
	_ =	strace $0x8000004E  }
0xb3: {  	_ =	swait.ge [sflag:s29], $0x1  }
0xb4: {  	[sflag:s29] =	ssyncadd.s32 $0xFFFFFFFF  }
0xb5: {  	_ =	strace $0x9000004E  }
0xb6: {  	_ =	sfence  }
0xb7: {  	s30 =	sld [smem:$0x0];
	_ =	sdelay $0x2  }
0xb8: {  	s31 =	sshll.u32 s1, $0xD;
	s1 =	sshrl.u32 s1, $0x2  }
0xb9: {  	s3 =	sand.u32 $0x4000, s31;
	s1 =	sadd.s32 s1, s30  }
0xba: {  	s0 =	sor.u32 s3, s0;
	s1 =	sshll.u32 s1, $0x11  }
0xbb: {  	s0 =	sor.u32 s1, s0  }
0xbc: {  	s0 =	sadd.s32 $0x8F2B, s0  }
0xbd: {  	[sflag:s0] =	ssyncadd.remote.s32 $0x1  }
0xbe: {  	_ =	sfence.sel $0xFFFF  }
0xbf: {  	[dreg:$0x0] =	wrdreg $0xFFFFFFFF;
	(pc) =	sbr.abs _section_cstart, $3  }
0xc0: {  	[dreg:$0x1] =	wrdreg $0xFFFFFFFF  }
0xc1: {  	_ =	task.clear_ibuf [dreg:s6], $0x2FFFF;
	_ =	strace $0x9FFFFFFF  }
0xc2: {  	(tm) =	ssettm $0x7FFFFFFF  }
0xc3: {  	_ =	shalt  }
tec
execute0_lowered:
.L_overlay_start_1:
0x0: {  	(tag) =	ssettag $0x1  }
0x1: {  	s0 =	rddreg [dreg:$0x0]  }
0x2: {  	s1 =	rddreg [dreg:$0x1]  }
0x3: {  	s3 =	simm.s32 $0x0;
	s2 =	srdreg.scid;
	s13 =	stileid.u32  }
0x4: {  	s15 =	simm.s32 $0x4E20;
	s16 =	simm.s32 $0x7;
	s19 =	simm.s32 $0xFA0  }
0x5: {  	s20 =	simm.s32 $0x7D0;
	s21 =	simm.s32 $0x1770;
	s22 =	simm.s32 $0x1  }
0x6: {  	s28 =	simm.s32 $0x2710;
	s29 =	simm.s32 $0x3E80;
	s30 =	simm.s32 $0x3  }
0x7: {  	s31 =	simm.s32 $0x4650;
	[smem:$0x7FF] =	sst s3;
	s2 =	sand.u32 $0x1, s2  }
0x8: {  	s5 =	smul.u32 $0x1880, s13;
	s4 =	sadd.s32 $0x1A00, s0;
	s8 =	sadd.s32 $0x18B600, s0  }
0x9: {  	s26 =	sshll.u32 s13, $0x6;
	_ =	strace $0x8000004D;
	s6 =	sshll.u32 s2, $0x4  }
0xa: {  	s7 =	smul.u32 $0x18800, s2;
	[dreg:$0x3] =	wrdreg s8;
	s2 =	ssub.s32 $0x2, s2  }
0xb: {  	s6 =	sor.u32 s13, s6;
	s23 =	sshrl.u32 s5, $0x3;
	s9 =	sshrl.u32 s2, $0x1  }
0xc: {  	s6 =	smul.u32 $0x30D40, s6;
	s8 =	sadd.s32 s23, s0;
	s7 =	sadd.s32 s5, s7  }
0xd: {  	s2 =	ssub.s32 s2, s9;
	s5 =	sadd.s32 s5, s1;
	s23 =	simm.s32 $0x2EE0  }
0xe: {  	s7 =	sshrl.u32 s7, $0x3;
	s8 =	sadd.s32 $0x188400, s8;
	s25 =	smax.u32 s2, $0x1  }
0xf: {  	s2 =	sor.u32 $0x1C07, s26;
	s5 =	sshrl.u32 s5, $0x3;
	s26 =	simm.s32 $0x36B0  }
0x10: {  	s10 =	sshrl.u32 s6, $0x3;
	s0 =	sadd.s32 s7, s0;
	[dreg:$0x5] =	wrdreg s8  }
0x11: {  	s9 =	sadd.s32 $0x7D0, s6;
	s11 =	sadd.s32 $0x1770, s6;
	[dreg:$0x8] =	wrdreg s25  }
0x12: {  	s12 =	sadd.s32 $0x1F40, s6;
	[dreg:$0x9] =	wrdreg s5;
	s24 =	sadd.s32 s4, s10  }
0x13: {  	s25 =	simm.s32 $0x2;
	s0 =	sadd.s32 $0x18E800, s0;
	[dreg:$0x4] =	wrdreg s24  }
0x14: {  	s10 =	sadd.s32 $0xFA0, s6;
	s7 =	sadd.s32 $0xC3500, s24;
	[dreg:$0x7] =	wrdreg s0  }
0x15: {  	s24 =	simm.s32 $0x1F40;
	[dreg:$0x6] =	wrdreg s7;
	s7 =	simm.s32 $0x0  }
.LBB2_1:
0x16: {  	s0 =	rddreg [dreg:$0x3]  }
0x17: {  	[tilespmem:s15], [sflag:$0x7] =	stream.linear.gather [hbm4b:s0+s3], $0x18800, $0x38;
	[tilespmem:$0x1EEA0] =	vst v63  }
0x18: {  	_ =	swait.ge [sflag:s16], $0x18800  }
0x19: {  	[sflag:s16] =	ssyncset.done $0x0  }
0x1a: {  	s13 =	rddreg [dreg:$0x5];
	[sflag:s16] =	ssyncadd.s32 $0xFFFE7800  }
0x1b: {  	[spmem:s5], [sflag:s2] =	dma.local [hbm:s13], $0x310  }
0x1c: {  	_ =	swait.ge [sflag:s16], $0x310  }
0x1d: {  	[sflag:s16] =	ssyncset.done $0x0  }
0x1e: {  	[sflag:s16] =	ssyncadd.s32 $0xFFFFFCF0  }
0x1f: {  	[bflag:$0x0] =	sbarrier.arrive $0xFFFF  }
0x20: {  	s14 =	rddreg [dreg:$0x4]  }
0x21: {  	[tilespmem:s3], [sflag:$0x1] =	stream.linear.gather [hbm4b:s14+s3], $0x7D0, $0x38;
	[tilespmem:$0x1EEA0] =	vst v63  }
0x22: {  	s18 =	smov.u32 s2;
	s8 =	simm.s32 $0x0;
	s17 =	rddreg [dreg:$0x6]  }
0x23: {  	[tilespmem:s19], [sflag:$0x1] =	stream.linear.gather [hbm4b:s17+s3], $0x7D0, $0x38;
	[tilespmem:$0x1EEA0] =	vst v63  }
.LBB2_2:
0x24: {  	p0 =	seq.s32 s8, $0x0;
	s13 =	smul.u32 $0x1F40, s8  }
0x25: {  	s0 =	simm.s32 @!p0 $0x4  }
0x26: {  	_ =	swait.ge @!p0 [sflag:s0], $0x7D0;
	s2 =	sadd.s32 s13, s9  }
0x27: {  	[sflag:s0] =	ssyncset.done @!p0 $0x0;
	s2 =	sshrl.u32 s2, $0x3  }
0x28: {  	[sflag:s0] =	ssyncadd.s32 @!p0 $0xFFFFF830;
	s14 =	sadd.s32 s4, s2  }
0x29: {  	[tilespmem:s20], [sflag:$0x2] =	stream.linear.gather [hbm4b:s14+s3], $0x7D0, $0x38;
	[tilespmem:$0x1EEA0] =	vst v63  }
0x2a: {  	s0 =	sadd.s32 $0xC3500, s14  }
0x2b: {  	[tilespmem:s21], [sflag:$0x2] =	stream.linear.gather [hbm4b:s0+s3], $0x7D0, $0x38;
	[tilespmem:$0x1EEA0] =	vst v63  }
0x2c: {  	_ =	swait.ge [sflag:s22], $0x7D0  }
0x2d: {  	[sflag:s22] =	ssyncset.done $0x0  }
0x2e: {  	[sflag:s22] =	ssyncadd.s32 $0xFFFFF830  }
0x2f: {  	_ =	swait.ge [sflag:s22], $0x7D0  }
0x30: {  	[sflag:s22] =	ssyncset.done $0x0  }
0x31: {  	s17 =	simm.s32 $0x80;
	[sflag:s22] =	ssyncadd.s32 $0xFFFFF830  }
0x32: {  	v0 =	vld [tilespmem:s17+$0x70]  }
0x33: {  	v1 =	vld [tilespmem:s17+$0xFFFFFF90]  }
0x34: {  	v2 =	vld [tilespmem:s17+$0xFFFFFFA0]  }
0x35: {  	v3 =	vld [tilespmem:s17+$0xFFFFFFB0]  }
0x36: {  	v4 =	vld [tilespmem:s17+$0xFFFFFFC0]  }
0x37: {  	v5 =	vld [tilespmem:s17+$0xFFFFFFD0]  }
0x38: {  	v6 =	vld [tilespmem:s17+$0xFFFFFFE0]  }
0x39: {  	v7 =	vld [tilespmem:s17+$0xFFFFFFF0]  }
0x3a: {  	v8 =	vld [tilespmem:s17+$0x0]  }
0x3b: {  	v9 =	vld [tilespmem:s17+$0x10]  }
0x3c: {  	v10 =	vld [tilespmem:s17+$0x20]  }
0x3d: {  	v11 =	vld [tilespmem:s17+$0x30]  }
0x3e: {  	v12 =	vld [tilespmem:s17+$0x40]  }
0x3f: {  	v13 =	vld [tilespmem:s17+$0x50]  }
0x40: {  	v14 =	vld [tilespmem:s17+$0x60]  }
0x41: {  	v15 =	vld [tilespmem:s17+$0xFFFFFF80]  }
0x42: {  	v0 =	vld.idx.msk [tilespmem:v0+s15+$0x0], $0xffff  }
0x43: {  	v1 =	vld.idx.msk [tilespmem:v1+s15+$0x0], $0xffff  }
0x44: {  	v2 =	vld.idx.msk [tilespmem:v2+s15+$0x0], $0xffff  }
0x45: {  	v3 =	vld.idx.msk [tilespmem:v3+s15+$0x0], $0xffff  }
0x46: {  	v4 =	vld.idx.msk [tilespmem:v4+s15+$0x0], $0xffff  }
0x47: {  	s14 =	simm.s32 $0x2F60;
	v5 =	vld.idx.msk [tilespmem:v5+s15+$0x0], $0xffff  }
0x48: {  	v6 =	vld.idx.msk [tilespmem:v6+s15+$0x0], $0xffff;
	[tilespmem:s14+$0x70] =	vst v0  }
0x49: {  	v7 =	vld.idx.msk [tilespmem:v7+s15+$0x0], $0xffff;
	[tilespmem:s14+$0xFFFFFF90] =	vst v1  }
0x4a: {  	v15 =	vld.idx.msk [tilespmem:v15+s15+$0x0], $0xffff;
	[tilespmem:s14+$0xFFFFFFA0] =	vst v2  }
0x4b: {  	v8 =	vld.idx.msk [tilespmem:v8+s15+$0x0], $0xffff;
	[tilespmem:s14+$0xFFFFFFB0] =	vst v3  }
0x4c: {  	[tilespmem:s14+$0xFFFFFFC0] =	vst v4;
	v0 =	vld.idx.msk [tilespmem:v9+s15+$0x0], $0xffff  }
0x4d: {  	[tilespmem:s14+$0xFFFFFFD0] =	vst v5;
	v1 =	vld.idx.msk [tilespmem:v10+s15+$0x0], $0xffff  }
0x4e: {  	[tilespmem:s14+$0xFFFFFFE0] =	vst v6;
	v2 =	vld.idx.msk [tilespmem:v11+s15+$0x0], $0xffff  }
0x4f: {  	[tilespmem:s14+$0xFFFFFFF0] =	vst v7;
	v3 =	vld.idx.msk [tilespmem:v12+s15+$0x0], $0xffff  }
0x50: {  	s5 =	simm.s32 $0x0;
	s6 =	simm.s32 $0x6F0;
	[tilespmem:s14+$0xFFFFFF80] =	vst v15;
	v4 =	vld.idx.msk [tilespmem:v13+s15+$0x0], $0xffff  }
0x51: {  	s2 =	simm.s32 $0x700;
	s0 =	simm.s32 $0x35E0;
	s17 =	simm.s32 $0x180;
	[tilespmem:s14+$0x0] =	vst v8;
	v5 =	vld.idx.msk [tilespmem:v14+s15+$0x0], $0xffff  }
.LBB2_3:
0x52: {  	v6 =	vld [tilespmem:s17+$0x70];
	s5 =	sadd.s32 $0x100, s5;
	[tilespmem:s14+$0x10] =	vst v0  }
0x53: {  	v0 =	vld [tilespmem:s17+$0xFFFFFF90];
	p1 =	slt.u32 s5, $0x600;
	[tilespmem:s14+$0x20] =	vst v1  }
0x54: {  	v1 =	vld [tilespmem:s17+$0xFFFFFFA0];
	[tilespmem:s14+$0x30] =	vst v2  }
0x55: {  	v2 =	vld [tilespmem:s17+$0xFFFFFFB0];
	[tilespmem:s14+$0x40] =	vst v3  }
0x56: {  	v3 =	vld [tilespmem:s17+$0xFFFFFFC0];
	[tilespmem:s14+$0x50] =	vst v4  }
0x57: {  	v4 =	vld [tilespmem:s17+$0xFFFFFFD0];
	[tilespmem:s14+$0x60] =	vst v5  }
0x58: {  	v5 =	vld [tilespmem:s17+$0xFFFFFFE0]  }
0x59: {  	v7 =	vld [tilespmem:s17+$0xFFFFFFF0]  }
0x5a: {  	v6 =	vld.idx.msk [tilespmem:v6+s15+$0x0], $0xffff  }
0x5b: {  	v8 =	vld [tilespmem:s17+$0x0]  }
0x5c: {  	v9 =	vld [tilespmem:s17+$0x10]  }
0x5d: {  	v10 =	vld [tilespmem:s17+$0x20]  }
0x5e: {  	v11 =	vld [tilespmem:s17+$0x30]  }
0x5f: {  	s14 =	sadd.s32 $0x100, s14;
	v12 =	vld [tilespmem:s17+$0x40]  }
0x60: {  	v13 =	vld [tilespmem:s17+$0x50];
	[tilespmem:s14+$0x70] =	vst v6  }
0x61: {  	v6 =	vld [tilespmem:s17+$0x60]  }
0x62: {  	v14 =	vld [tilespmem:s17+$0xFFFFFF80]  }
0x63: {  	v0 =	vld.idx.msk [tilespmem:v0+s15+$0x0], $0xffff  }
0x64: {  	v1 =	vld.idx.msk [tilespmem:v1+s15+$0x0], $0xffff  }
0x65: {  	v2 =	vld.idx.msk [tilespmem:v2+s15+$0x0], $0xffff  }
0x66: {  	v3 =	vld.idx.msk [tilespmem:v3+s15+$0x0], $0xffff  }
0x67: {  	v4 =	vld.idx.msk [tilespmem:v4+s15+$0x0], $0xffff  }
0x68: {  	v5 =	vld.idx.msk [tilespmem:v5+s15+$0x0], $0xffff  }
0x69: {  	[tilespmem:s14+$0xFFFFFF90] =	vst v0;
	v7 =	vld.idx.msk [tilespmem:v7+s15+$0x0], $0xffff  }
0x6a: {  	v14 =	vld.idx.msk [tilespmem:v14+s15+$0x0], $0xffff;
	[tilespmem:s14+$0xFFFFFFA0] =	vst v1  }
0x6b: {  	[tilespmem:s14+$0xFFFFFFB0] =	vst v2;
	v8 =	vld.idx.msk [tilespmem:v8+s15+$0x0], $0xffff  }
0x6c: {  	[tilespmem:s14+$0xFFFFFFC0] =	vst v3;
	v0 =	vld.idx.msk [tilespmem:v9+s15+$0x0], $0xffff  }
.Ltmp0:
0x6d: {  	[tilespmem:s14+$0xFFFFFFD0] =	vst v4;
	v1 =	vld.idx.msk [tilespmem:v10+s15+$0x0], $0xffff;
	(pc) =	sbr.rel @p1 .LBB2_3-.Ltmp0, $4  }
0x6e: {  	[tilespmem:s14+$0xFFFFFFE0] =	vst v5;
	v2 =	vld.idx.msk [tilespmem:v11+s15+$0x0], $0xffff  }
0x6f: {  	[tilespmem:s14+$0xFFFFFFF0] =	vst v7;
	v3 =	vld.idx.msk [tilespmem:v12+s15+$0x0], $0xffff  }
0x70: {  	[tilespmem:s14+$0xFFFFFF80] =	vst v14;
	v4 =	vld.idx.msk [tilespmem:v13+s15+$0x0], $0xffff  }
0x71: {  	s17 =	sadd.s32 $0x100, s17;
	[tilespmem:s14+$0x0] =	vst v8;
	v5 =	vld.idx.msk [tilespmem:v6+s15+$0x0], $0xffff  }
0x72: {  	[tilespmem:s14+$0x10] =	vst v0  }
0x73: {  	[tilespmem:s14+$0x20] =	vst v1  }
0x74: {  	[tilespmem:s14+$0x30] =	vst v2  }
0x75: {  	[tilespmem:s14+$0x40] =	vst v3  }
0x76: {  	[tilespmem:s14+$0x50] =	vst v4  }
0x77: {  	[tilespmem:s14+$0x60] =	vst v5  }
.LBB2_5:
0x78: {  	v0 =	vld [tilespmem:s2+$0x0];
	_ =	sdelay $0x6  }
0x79: {  	s6 =	sadd.s32 $0x10, s6  }
0x7a: {  	p1 =	slt.u32 s6, $0x7C0;
	v0 =	vld.idx.msk [tilespmem:v0+s15+$0x0], $0xffff  }
.Ltmp1:
0x7b: {  	_ = 	snop;
	(pc) =	sbr.rel @p1 .LBB2_5-.Ltmp1, $2  }
0x7c: {  	_ =	sdelay $0x2  }
0x7d: {  	s2 =	sadd.s32 $0x10, s2;
	[tilespmem:s0+$0x0] =	vst v0;
	s0 =	sadd.s32 $0x10, s0  }
0x7e: {  	[spmem:s1] =	stream.indirect.scatter.add.f32 [tilespmem:s23], [sflag:$0x3], $0x1, s19, s20, $0xb8;
	[tilespmem:$0x1EEA0] =	vst v63  }
0x7f: {  	s0 =	simm.s32 @!p0 $0x5  }
0x80: {  	s2 =	sadd.s32 s13, s10;
	_ =	swait.ge @!p0 [sflag:s0], $0x7D0  }
0x81: {  	s2 =	sshrl.u32 s2, $0x3;
	[sflag:s0] =	ssyncset.done @!p0 $0x0  }
0x82: {  	s14 =	sadd.s32 s4, s2;
	[sflag:s0] =	ssyncadd.s32 @!p0 $0xFFFFF830  }
0x83: {  	[tilespmem:s3], [sflag:$0x1] =	stream.linear.gather [hbm4b:s14+s3], $0x7D0, $0x38;
	[tilespmem:$0x1EEA0] =	vst v63  }
0x84: {  	s0 =	sadd.s32 $0xC3500, s14  }
0x85: {  	[tilespmem:s24], [sflag:$0x1] =	stream.linear.gather [hbm4b:s0+s3], $0x7D0, $0x38;
	[tilespmem:$0x1EEA0] =	vst v63  }
0x86: {  	_ =	swait.ge [sflag:s25], $0x7D0  }
0x87: {  	[sflag:s25] =	ssyncset.done $0x0  }
0x88: {  	[sflag:s25] =	ssyncadd.s32 $0xFFFFF830  }
0x89: {  	_ =	swait.ge [sflag:s25], $0x7D0  }
0x8a: {  	[sflag:s25] =	ssyncset.done $0x0  }
0x8b: {  	s17 =	simm.s32 $0x850;
	[sflag:s25] =	ssyncadd.s32 $0xFFFFF830  }
0x8c: {  	v0 =	vld [tilespmem:s17+$0x70]  }
0x8d: {  	v1 =	vld [tilespmem:s17+$0xFFFFFF90]  }
0x8e: {  	v2 =	vld [tilespmem:s17+$0xFFFFFFA0]  }
0x8f: {  	v3 =	vld [tilespmem:s17+$0xFFFFFFB0]  }
0x90: {  	v4 =	vld [tilespmem:s17+$0xFFFFFFC0]  }
0x91: {  	v5 =	vld [tilespmem:s17+$0xFFFFFFD0]  }
0x92: {  	v6 =	vld [tilespmem:s17+$0xFFFFFFE0]  }
0x93: {  	v7 =	vld [tilespmem:s17+$0xFFFFFFF0]  }
0x94: {  	v8 =	vld [tilespmem:s17+$0x0]  }
0x95: {  	v9 =	vld [tilespmem:s17+$0x10]  }
0x96: {  	v10 =	vld [tilespmem:s17+$0x20]  }
0x97: {  	v11 =	vld [tilespmem:s17+$0x30]  }
0x98: {  	v12 =	vld [tilespmem:s17+$0x40]  }
0x99: {  	v13 =	vld [tilespmem:s17+$0x50]  }
0x9a: {  	v14 =	vld [tilespmem:s17+$0x60]  }
0x9b: {  	v15 =	vld [tilespmem:s17+$0xFFFFFF80]  }
0x9c: {  	v0 =	vld.idx.msk [tilespmem:v0+s15+$0x0], $0xffff  }
0x9d: {  	v1 =	vld.idx.msk [tilespmem:v1+s15+$0x0], $0xffff  }
0x9e: {  	v2 =	vld.idx.msk [tilespmem:v2+s15+$0x0], $0xffff  }
0x9f: {  	v3 =	vld.idx.msk [tilespmem:v3+s15+$0x0], $0xffff  }
0xa0: {  	v4 =	vld.idx.msk [tilespmem:v4+s15+$0x0], $0xffff  }
0xa1: {  	s14 =	simm.s32 $0x3730;
	v5 =	vld.idx.msk [tilespmem:v5+s15+$0x0], $0xffff  }
0xa2: {  	v6 =	vld.idx.msk [tilespmem:v6+s15+$0x0], $0xffff;
	[tilespmem:s14+$0x70] =	vst v0  }
0xa3: {  	v7 =	vld.idx.msk [tilespmem:v7+s15+$0x0], $0xffff;
	[tilespmem:s14+$0xFFFFFF90] =	vst v1  }
0xa4: {  	v15 =	vld.idx.msk [tilespmem:v15+s15+$0x0], $0xffff;
	[tilespmem:s14+$0xFFFFFFA0] =	vst v2  }
0xa5: {  	v8 =	vld.idx.msk [tilespmem:v8+s15+$0x0], $0xffff;
	[tilespmem:s14+$0xFFFFFFB0] =	vst v3  }
0xa6: {  	[tilespmem:s14+$0xFFFFFFC0] =	vst v4;
	v0 =	vld.idx.msk [tilespmem:v9+s15+$0x0], $0xffff  }
0xa7: {  	[tilespmem:s14+$0xFFFFFFD0] =	vst v5;
	v1 =	vld.idx.msk [tilespmem:v10+s15+$0x0], $0xffff  }
0xa8: {  	[tilespmem:s14+$0xFFFFFFE0] =	vst v6;
	v2 =	vld.idx.msk [tilespmem:v11+s15+$0x0], $0xffff  }
0xa9: {  	[tilespmem:s14+$0xFFFFFFF0] =	vst v7;
	v3 =	vld.idx.msk [tilespmem:v12+s15+$0x0], $0xffff  }
0xaa: {  	s6 =	simm.s32 $0x3DB0;
	[tilespmem:s14+$0xFFFFFF80] =	vst v15;
	v4 =	vld.idx.msk [tilespmem:v13+s15+$0x0], $0xffff  }
0xab: {  	s5 =	simm.s32 $0x950;
	s2 =	simm.s32 $0x0;
	s0 =	simm.s32 $0xED0;
	[tilespmem:s14+$0x0] =	vst v8;
	v5 =	vld.idx.msk [tilespmem:v14+s15+$0x0], $0xffff  }
.LBB2_7:
0xac: {  	v6 =	vld [tilespmem:s5+$0x70];
	s2 =	sadd.s32 $0x100, s2;
	[tilespmem:s14+$0x10] =	vst v0  }
0xad: {  	v0 =	vld [tilespmem:s5+$0xFFFFFF90];
	p1 =	slt.u32 s2, $0x600;
	[tilespmem:s14+$0x20] =	vst v1  }
0xae: {  	v1 =	vld [tilespmem:s5+$0xFFFFFFA0];
	[tilespmem:s14+$0x30] =	vst v2  }
0xaf: {  	v2 =	vld [tilespmem:s5+$0xFFFFFFB0];
	[tilespmem:s14+$0x40] =	vst v3  }
0xb0: {  	v3 =	vld [tilespmem:s5+$0xFFFFFFC0];
	[tilespmem:s14+$0x50] =	vst v4  }
0xb1: {  	v4 =	vld [tilespmem:s5+$0xFFFFFFD0];
	[tilespmem:s14+$0x60] =	vst v5  }
0xb2: {  	v5 =	vld [tilespmem:s5+$0xFFFFFFE0]  }
0xb3: {  	v7 =	vld [tilespmem:s5+$0xFFFFFFF0]  }
0xb4: {  	v6 =	vld.idx.msk [tilespmem:v6+s15+$0x0], $0xffff  }
0xb5: {  	v8 =	vld [tilespmem:s5+$0x0]  }
0xb6: {  	v9 =	vld [tilespmem:s5+$0x10]  }
0xb7: {  	v10 =	vld [tilespmem:s5+$0x20]  }
0xb8: {  	v11 =	vld [tilespmem:s5+$0x30]  }
0xb9: {  	s14 =	sadd.s32 $0x100, s14;
	v12 =	vld [tilespmem:s5+$0x40]  }
0xba: {  	s17 =	simm.s32 $0x6F0;
	v13 =	vld [tilespmem:s5+$0x50];
	[tilespmem:s14+$0x70] =	vst v6  }
0xbb: {  	v6 =	vld [tilespmem:s5+$0x60]  }
0xbc: {  	v14 =	vld [tilespmem:s5+$0xFFFFFF80]  }
0xbd: {  	v0 =	vld.idx.msk [tilespmem:v0+s15+$0x0], $0xffff  }
0xbe: {  	v1 =	vld.idx.msk [tilespmem:v1+s15+$0x0], $0xffff  }
0xbf: {  	v2 =	vld.idx.msk [tilespmem:v2+s15+$0x0], $0xffff  }
0xc0: {  	v3 =	vld.idx.msk [tilespmem:v3+s15+$0x0], $0xffff  }
0xc1: {  	v4 =	vld.idx.msk [tilespmem:v4+s15+$0x0], $0xffff  }
0xc2: {  	v5 =	vld.idx.msk [tilespmem:v5+s15+$0x0], $0xffff  }
0xc3: {  	[tilespmem:s14+$0xFFFFFF90] =	vst v0;
	v7 =	vld.idx.msk [tilespmem:v7+s15+$0x0], $0xffff  }
0xc4: {  	v14 =	vld.idx.msk [tilespmem:v14+s15+$0x0], $0xffff;
	[tilespmem:s14+$0xFFFFFFA0] =	vst v1  }
0xc5: {  	[tilespmem:s14+$0xFFFFFFB0] =	vst v2;
	v8 =	vld.idx.msk [tilespmem:v8+s15+$0x0], $0xffff  }
0xc6: {  	[tilespmem:s14+$0xFFFFFFC0] =	vst v3;
	v0 =	vld.idx.msk [tilespmem:v9+s15+$0x0], $0xffff  }
.Ltmp2:
0xc7: {  	[tilespmem:s14+$0xFFFFFFD0] =	vst v4;
	v1 =	vld.idx.msk [tilespmem:v10+s15+$0x0], $0xffff;
	(pc) =	sbr.rel @p1 .LBB2_7-.Ltmp2, $4  }
0xc8: {  	[tilespmem:s14+$0xFFFFFFE0] =	vst v5;
	v2 =	vld.idx.msk [tilespmem:v11+s15+$0x0], $0xffff  }
0xc9: {  	[tilespmem:s14+$0xFFFFFFF0] =	vst v7;
	v3 =	vld.idx.msk [tilespmem:v12+s15+$0x0], $0xffff  }
0xca: {  	[tilespmem:s14+$0xFFFFFF80] =	vst v14;
	v4 =	vld.idx.msk [tilespmem:v13+s15+$0x0], $0xffff  }
0xcb: {  	s5 =	sadd.s32 $0x100, s5;
	[tilespmem:s14+$0x0] =	vst v8;
	v5 =	vld.idx.msk [tilespmem:v6+s15+$0x0], $0xffff  }
0xcc: {  	[tilespmem:s14+$0x10] =	vst v0  }
0xcd: {  	[tilespmem:s14+$0x20] =	vst v1  }
0xce: {  	[tilespmem:s14+$0x30] =	vst v2  }
0xcf: {  	[tilespmem:s14+$0x40] =	vst v3  }
0xd0: {  	[tilespmem:s14+$0x50] =	vst v4  }
0xd1: {  	[tilespmem:s14+$0x60] =	vst v5  }
.LBB2_9:
0xd2: {  	v0 =	vld [tilespmem:s0+$0x0];
	_ =	sdelay $0x6  }
0xd3: {  	s17 =	sadd.s32 $0x10, s17  }
0xd4: {  	p1 =	slt.u32 s17, $0x7C0;
	v0 =	vld.idx.msk [tilespmem:v0+s15+$0x0], $0xffff  }
.Ltmp3:
0xd5: {  	_ = 	snop;
	(pc) =	sbr.rel @p1 .LBB2_9-.Ltmp3, $2  }
0xd6: {  	_ =	sdelay $0x2  }
0xd7: {  	s0 =	sadd.s32 $0x10, s0;
	[tilespmem:s6+$0x0] =	vst v0;
	s6 =	sadd.s32 $0x10, s6  }
0xd8: {  	[spmem:s1] =	stream.indirect.scatter.add.f32 [tilespmem:s26], [sflag:$0x4], $0x1, s21, s20, $0xb8;
	[tilespmem:$0x1EEA0] =	vst v63  }
0xd9: {  	s0 =	simm.s32 @!p0 $0x6  }
0xda: {  	s2 =	sadd.s32 s13, s11;
	_ =	swait.ge @!p0 [sflag:s0], $0x7D0  }
0xdb: {  	s2 =	sshrl.u32 s2, $0x3;
	[sflag:s0] =	ssyncset.done @!p0 $0x0  }
0xdc: {  	s14 =	sadd.s32 s4, s2;
	[sflag:s0] =	ssyncadd.s32 @!p0 $0xFFFFF830  }
0xdd: {  	[tilespmem:s20], [sflag:$0x2] =	stream.linear.gather [hbm4b:s14+s3], $0x7D0, $0x38;
	[tilespmem:$0x1EEA0] =	vst v63  }
0xde: {  	s0 =	sadd.s32 $0xC3500, s14  }
0xdf: {  	[tilespmem:s28], [sflag:$0x2] =	stream.linear.gather [hbm4b:s0+s3], $0x7D0, $0x38;
	[tilespmem:$0x1EEA0] =	vst v63  }
0xe0: {  	_ =	swait.ge [sflag:s22], $0x7D0  }
0xe1: {  	[sflag:s22] =	ssyncset.done $0x0  }
0xe2: {  	[sflag:s22] =	ssyncadd.s32 $0xFFFFF830  }
0xe3: {  	_ =	swait.ge [sflag:s22], $0x7D0  }
0xe4: {  	[sflag:s22] =	ssyncset.done $0x0  }
0xe5: {  	s17 =	simm.s32 $0x80;
	[sflag:s22] =	ssyncadd.s32 $0xFFFFF830  }
0xe6: {  	v0 =	vld [tilespmem:s17+$0x70]  }
0xe7: {  	v1 =	vld [tilespmem:s17+$0xFFFFFF90]  }
0xe8: {  	v2 =	vld [tilespmem:s17+$0xFFFFFFA0]  }
0xe9: {  	v3 =	vld [tilespmem:s17+$0xFFFFFFB0]  }
0xea: {  	v4 =	vld [tilespmem:s17+$0xFFFFFFC0]  }
0xeb: {  	v5 =	vld [tilespmem:s17+$0xFFFFFFD0]  }
0xec: {  	v6 =	vld [tilespmem:s17+$0xFFFFFFE0]  }
0xed: {  	v7 =	vld [tilespmem:s17+$0xFFFFFFF0]  }
0xee: {  	v8 =	vld [tilespmem:s17+$0x0]  }
0xef: {  	v9 =	vld [tilespmem:s17+$0x10]  }
0xf0: {  	v10 =	vld [tilespmem:s17+$0x20]  }
0xf1: {  	v11 =	vld [tilespmem:s17+$0x30]  }
0xf2: {  	v12 =	vld [tilespmem:s17+$0x40]  }
0xf3: {  	v13 =	vld [tilespmem:s17+$0x50]  }
0xf4: {  	v14 =	vld [tilespmem:s17+$0x60]  }
0xf5: {  	v15 =	vld [tilespmem:s17+$0xFFFFFF80]  }
0xf6: {  	v0 =	vld.idx.msk [tilespmem:v0+s15+$0x0], $0xffff  }
0xf7: {  	v1 =	vld.idx.msk [tilespmem:v1+s15+$0x0], $0xffff  }
0xf8: {  	v2 =	vld.idx.msk [tilespmem:v2+s15+$0x0], $0xffff  }
0xf9: {  	v3 =	vld.idx.msk [tilespmem:v3+s15+$0x0], $0xffff  }
0xfa: {  	v4 =	vld.idx.msk [tilespmem:v4+s15+$0x0], $0xffff  }
0xfb: {  	s14 =	simm.s32 $0x3F00;
	v5 =	vld.idx.msk [tilespmem:v5+s15+$0x0], $0xffff  }
0xfc: {  	v6 =	vld.idx.msk [tilespmem:v6+s15+$0x0], $0xffff;
	[tilespmem:s14+$0x70] =	vst v0  }
0xfd: {  	v7 =	vld.idx.msk [tilespmem:v7+s15+$0x0], $0xffff;
	[tilespmem:s14+$0xFFFFFF90] =	vst v1  }
0xfe: {  	v15 =	vld.idx.msk [tilespmem:v15+s15+$0x0], $0xffff;
	[tilespmem:s14+$0xFFFFFFA0] =	vst v2  }
0xff: {  	v8 =	vld.idx.msk [tilespmem:v8+s15+$0x0], $0xffff;
	[tilespmem:s14+$0xFFFFFFB0] =	vst v3  }
0x100: {  	[tilespmem:s14+$0xFFFFFFC0] =	vst v4;
	v0 =	vld.idx.msk [tilespmem:v9+s15+$0x0], $0xffff  }
0x101: {  	[tilespmem:s14+$0xFFFFFFD0] =	vst v5;
	v1 =	vld.idx.msk [tilespmem:v10+s15+$0x0], $0xffff  }
0x102: {  	[tilespmem:s14+$0xFFFFFFE0] =	vst v6;
	v2 =	vld.idx.msk [tilespmem:v11+s15+$0x0], $0xffff  }
0x103: {  	[tilespmem:s14+$0xFFFFFFF0] =	vst v7;
	v3 =	vld.idx.msk [tilespmem:v12+s15+$0x0], $0xffff  }
0x104: {  	[tilespmem:s14+$0xFFFFFF80] =	vst v15;
	v4 =	vld.idx.msk [tilespmem:v13+s15+$0x0], $0xffff  }
0x105: {  	s6 =	simm.s32 $0x4580;
	s2 =	simm.s32 $0x180;
	s0 =	simm.s32 $0x0;
	[tilespmem:s14+$0x0] =	vst v8;
	v5 =	vld.idx.msk [tilespmem:v14+s15+$0x0], $0xffff  }
.LBB2_11:
0x106: {  	v6 =	vld [tilespmem:s2+$0x70];
	s0 =	sadd.s32 $0x100, s0;
	[tilespmem:s14+$0x10] =	vst v0  }
0x107: {  	v0 =	vld [tilespmem:s2+$0xFFFFFF90];
	p0 =	slt.u32 s0, $0x600;
	[tilespmem:s14+$0x20] =	vst v1  }
0x108: {  	v1 =	vld [tilespmem:s2+$0xFFFFFFA0];
	[tilespmem:s14+$0x30] =	vst v2  }
0x109: {  	v2 =	vld [tilespmem:s2+$0xFFFFFFB0];
	[tilespmem:s14+$0x40] =	vst v3  }
0x10a: {  	v3 =	vld [tilespmem:s2+$0xFFFFFFC0];
	[tilespmem:s14+$0x50] =	vst v4  }
0x10b: {  	v4 =	vld [tilespmem:s2+$0xFFFFFFD0];
	[tilespmem:s14+$0x60] =	vst v5  }
0x10c: {  	v5 =	vld [tilespmem:s2+$0xFFFFFFE0]  }
0x10d: {  	v7 =	vld [tilespmem:s2+$0xFFFFFFF0]  }
0x10e: {  	v6 =	vld.idx.msk [tilespmem:v6+s15+$0x0], $0xffff  }
0x10f: {  	v8 =	vld [tilespmem:s2+$0x0]  }
0x110: {  	v9 =	vld [tilespmem:s2+$0x10]  }
0x111: {  	v10 =	vld [tilespmem:s2+$0x20]  }
0x112: {  	v11 =	vld [tilespmem:s2+$0x30]  }
0x113: {  	s14 =	sadd.s32 $0x100, s14;
	v12 =	vld [tilespmem:s2+$0x40]  }
0x114: {  	s5 =	simm.s32 $0x6F0;
	s17 =	simm.s32 $0x700;
	v13 =	vld [tilespmem:s2+$0x50];
	[tilespmem:s14+$0x70] =	vst v6  }
0x115: {  	v6 =	vld [tilespmem:s2+$0x60]  }
0x116: {  	v14 =	vld [tilespmem:s2+$0xFFFFFF80]  }
0x117: {  	v0 =	vld.idx.msk [tilespmem:v0+s15+$0x0], $0xffff  }
0x118: {  	v1 =	vld.idx.msk [tilespmem:v1+s15+$0x0], $0xffff  }
0x119: {  	v2 =	vld.idx.msk [tilespmem:v2+s15+$0x0], $0xffff  }
0x11a: {  	v3 =	vld.idx.msk [tilespmem:v3+s15+$0x0], $0xffff  }
0x11b: {  	v4 =	vld.idx.msk [tilespmem:v4+s15+$0x0], $0xffff  }
0x11c: {  	v5 =	vld.idx.msk [tilespmem:v5+s15+$0x0], $0xffff  }
0x11d: {  	[tilespmem:s14+$0xFFFFFF90] =	vst v0;
	v7 =	vld.idx.msk [tilespmem:v7+s15+$0x0], $0xffff  }
0x11e: {  	v14 =	vld.idx.msk [tilespmem:v14+s15+$0x0], $0xffff;
	[tilespmem:s14+$0xFFFFFFA0] =	vst v1  }
0x11f: {  	[tilespmem:s14+$0xFFFFFFB0] =	vst v2;
	v8 =	vld.idx.msk [tilespmem:v8+s15+$0x0], $0xffff  }
0x120: {  	[tilespmem:s14+$0xFFFFFFC0] =	vst v3;
	v0 =	vld.idx.msk [tilespmem:v9+s15+$0x0], $0xffff  }
.Ltmp4:
0x121: {  	[tilespmem:s14+$0xFFFFFFD0] =	vst v4;
	v1 =	vld.idx.msk [tilespmem:v10+s15+$0x0], $0xffff;
	(pc) =	sbr.rel @p0 .LBB2_11-.Ltmp4, $4  }
0x122: {  	[tilespmem:s14+$0xFFFFFFE0] =	vst v5;
	v2 =	vld.idx.msk [tilespmem:v11+s15+$0x0], $0xffff  }
0x123: {  	[tilespmem:s14+$0xFFFFFFF0] =	vst v7;
	v3 =	vld.idx.msk [tilespmem:v12+s15+$0x0], $0xffff  }
0x124: {  	[tilespmem:s14+$0xFFFFFF80] =	vst v14;
	v4 =	vld.idx.msk [tilespmem:v13+s15+$0x0], $0xffff  }
0x125: {  	s2 =	sadd.s32 $0x100, s2;
	[tilespmem:s14+$0x0] =	vst v8;
	v5 =	vld.idx.msk [tilespmem:v6+s15+$0x0], $0xffff  }
0x126: {  	[tilespmem:s14+$0x10] =	vst v0  }
0x127: {  	[tilespmem:s14+$0x20] =	vst v1  }
0x128: {  	[tilespmem:s14+$0x30] =	vst v2  }
0x129: {  	[tilespmem:s14+$0x40] =	vst v3  }
0x12a: {  	[tilespmem:s14+$0x50] =	vst v4  }
0x12b: {  	[tilespmem:s14+$0x60] =	vst v5  }
.LBB2_13:
0x12c: {  	v0 =	vld [tilespmem:s17+$0x0];
	_ =	sdelay $0x6  }
0x12d: {  	s5 =	sadd.s32 $0x10, s5  }
0x12e: {  	p0 =	slt.u32 s5, $0x7C0;
	v0 =	vld.idx.msk [tilespmem:v0+s15+$0x0], $0xffff  }
.Ltmp5:
0x12f: {  	_ = 	snop;
	(pc) =	sbr.rel @p0 .LBB2_13-.Ltmp5, $2  }
0x130: {  	_ =	sdelay $0x2  }
0x131: {  	s17 =	sadd.s32 $0x10, s17;
	[tilespmem:s6+$0x0] =	vst v0;
	s6 =	sadd.s32 $0x10, s6  }
0x132: {  	[spmem:s1] =	stream.indirect.scatter.add.f32 [tilespmem:s29], [sflag:$0x5], $0x1, s24, s20, $0xb8;
	[tilespmem:$0x1EEA0] =	vst v63  }
0x133: {  	p0 =	seq.s32 s8, $0x18  }
0x134: {  	_ =	swait.ge [sflag:s30], $0x7D0;
	s0 =	sadd.s32 @!p0 s13, s12  }
0x135: {  	[sflag:s30] =	ssyncset.done $0x0;
	s0 =	sshrl.u32 @!p0 s0, $0x3  }
0x136: {  	s2 =	simm.s32 @!p0 $0x0;
	[sflag:s30] =	ssyncadd.s32 $0xFFFFF830;
	s0 =	sadd.s32 @!p0 s4, s0  }
0x137: {  	[tilespmem:s2], [sflag:$0x1] =	stream.linear.gather @!p0 [hbm4b:s0+s2], $0x7D0, $0x38;
	[tilespmem:$0x1EEA0] =	vst v63  }
0x138: {  	s5 =	simm.s32 @!p0 $0xFA0;
	s0 =	sadd.s32 @!p0 $0xC3500, s0  }
0x139: {  	[tilespmem:s5], [sflag:$0x1] =	stream.linear.gather @!p0 [hbm4b:s0+s2], $0x7D0, $0x38;
	[tilespmem:$0x1EEA0] =	vst v63  }
0x13a: {  	_ =	swait.ge [sflag:s25], $0x7D0  }
0x13b: {  	[sflag:s25] =	ssyncset.done $0x0  }
0x13c: {  	[sflag:s25] =	ssyncadd.s32 $0xFFFFF830  }
0x13d: {  	_ =	swait.ge [sflag:s25], $0x7D0  }
0x13e: {  	[sflag:s25] =	ssyncset.done $0x0  }
0x13f: {  	s17 =	simm.s32 $0x850;
	[sflag:s25] =	ssyncadd.s32 $0xFFFFF830  }
0x140: {  	v0 =	vld [tilespmem:s17+$0x70]  }
0x141: {  	v1 =	vld [tilespmem:s17+$0xFFFFFF90]  }
0x142: {  	v2 =	vld [tilespmem:s17+$0xFFFFFFA0]  }
0x143: {  	v3 =	vld [tilespmem:s17+$0xFFFFFFB0]  }
0x144: {  	v4 =	vld [tilespmem:s17+$0xFFFFFFC0]  }
0x145: {  	v5 =	vld [tilespmem:s17+$0xFFFFFFD0]  }
0x146: {  	v6 =	vld [tilespmem:s17+$0xFFFFFFE0]  }
0x147: {  	v7 =	vld [tilespmem:s17+$0xFFFFFFF0]  }
0x148: {  	v8 =	vld [tilespmem:s17+$0x0]  }
0x149: {  	v9 =	vld [tilespmem:s17+$0x10]  }
0x14a: {  	v10 =	vld [tilespmem:s17+$0x20]  }
0x14b: {  	v11 =	vld [tilespmem:s17+$0x30]  }
0x14c: {  	v12 =	vld [tilespmem:s17+$0x40]  }
0x14d: {  	v13 =	vld [tilespmem:s17+$0x50]  }
0x14e: {  	v14 =	vld [tilespmem:s17+$0x60]  }
0x14f: {  	v15 =	vld [tilespmem:s17+$0xFFFFFF80]  }
0x150: {  	v0 =	vld.idx.msk [tilespmem:v0+s15+$0x0], $0xffff  }
0x151: {  	v1 =	vld.idx.msk [tilespmem:v1+s15+$0x0], $0xffff  }
0x152: {  	v2 =	vld.idx.msk [tilespmem:v2+s15+$0x0], $0xffff  }
0x153: {  	v3 =	vld.idx.msk [tilespmem:v3+s15+$0x0], $0xffff  }
0x154: {  	v4 =	vld.idx.msk [tilespmem:v4+s15+$0x0], $0xffff  }
0x155: {  	s13 =	simm.s32 $0x46D0;
	v5 =	vld.idx.msk [tilespmem:v5+s15+$0x0], $0xffff  }
0x156: {  	v6 =	vld.idx.msk [tilespmem:v6+s15+$0x0], $0xffff;
	[tilespmem:s13+$0x70] =	vst v0  }
0x157: {  	v7 =	vld.idx.msk [tilespmem:v7+s15+$0x0], $0xffff;
	[tilespmem:s13+$0xFFFFFF90] =	vst v1  }
0x158: {  	v15 =	vld.idx.msk [tilespmem:v15+s15+$0x0], $0xffff;
	[tilespmem:s13+$0xFFFFFFA0] =	vst v2  }
0x159: {  	v8 =	vld.idx.msk [tilespmem:v8+s15+$0x0], $0xffff;
	[tilespmem:s13+$0xFFFFFFB0] =	vst v3  }
0x15a: {  	[tilespmem:s13+$0xFFFFFFC0] =	vst v4;
	v0 =	vld.idx.msk [tilespmem:v9+s15+$0x0], $0xffff  }
0x15b: {  	[tilespmem:s13+$0xFFFFFFD0] =	vst v5;
	v1 =	vld.idx.msk [tilespmem:v10+s15+$0x0], $0xffff  }
0x15c: {  	[tilespmem:s13+$0xFFFFFFE0] =	vst v6;
	v2 =	vld.idx.msk [tilespmem:v11+s15+$0x0], $0xffff  }
0x15d: {  	[tilespmem:s13+$0xFFFFFFF0] =	vst v7;
	v3 =	vld.idx.msk [tilespmem:v12+s15+$0x0], $0xffff  }
0x15e: {  	[tilespmem:s13+$0xFFFFFF80] =	vst v15;
	v4 =	vld.idx.msk [tilespmem:v13+s15+$0x0], $0xffff  }
0x15f: {  	s6 =	simm.s32 $0x4D50;
	s0 =	simm.s32 $0x0;
	s2 =	simm.s32 $0x950;
	[tilespmem:s13+$0x0] =	vst v8;
	v5 =	vld.idx.msk [tilespmem:v14+s15+$0x0], $0xffff  }
.LBB2_15:
0x160: {  	v6 =	vld [tilespmem:s2+$0x70];
	s0 =	sadd.s32 $0x100, s0;
	[tilespmem:s13+$0x10] =	vst v0  }
0x161: {  	v0 =	vld [tilespmem:s2+$0xFFFFFF90];
	p0 =	slt.u32 s0, $0x600;
	[tilespmem:s13+$0x20] =	vst v1  }
0x162: {  	v1 =	vld [tilespmem:s2+$0xFFFFFFA0];
	[tilespmem:s13+$0x30] =	vst v2  }
0x163: {  	v2 =	vld [tilespmem:s2+$0xFFFFFFB0];
	[tilespmem:s13+$0x40] =	vst v3  }
0x164: {  	v3 =	vld [tilespmem:s2+$0xFFFFFFC0];
	[tilespmem:s13+$0x50] =	vst v4  }
0x165: {  	v4 =	vld [tilespmem:s2+$0xFFFFFFD0];
	[tilespmem:s13+$0x60] =	vst v5  }
0x166: {  	v5 =	vld [tilespmem:s2+$0xFFFFFFE0]  }
0x167: {  	v7 =	vld [tilespmem:s2+$0xFFFFFFF0]  }
0x168: {  	v6 =	vld.idx.msk [tilespmem:v6+s15+$0x0], $0xffff  }
0x169: {  	v8 =	vld [tilespmem:s2+$0x0]  }
0x16a: {  	v9 =	vld [tilespmem:s2+$0x10]  }
0x16b: {  	v10 =	vld [tilespmem:s2+$0x20]  }
0x16c: {  	v11 =	vld [tilespmem:s2+$0x30]  }
0x16d: {  	s13 =	sadd.s32 $0x100, s13;
	v12 =	vld [tilespmem:s2+$0x40]  }
0x16e: {  	s5 =	simm.s32 $0x6F0;
	s14 =	simm.s32 $0xED0;
	v13 =	vld [tilespmem:s2+$0x50];
	[tilespmem:s13+$0x70] =	vst v6  }
0x16f: {  	v6 =	vld [tilespmem:s2+$0x60]  }
0x170: {  	v14 =	vld [tilespmem:s2+$0xFFFFFF80]  }
0x171: {  	v0 =	vld.idx.msk [tilespmem:v0+s15+$0x0], $0xffff  }
0x172: {  	v1 =	vld.idx.msk [tilespmem:v1+s15+$0x0], $0xffff  }
0x173: {  	v2 =	vld.idx.msk [tilespmem:v2+s15+$0x0], $0xffff  }
0x174: {  	v3 =	vld.idx.msk [tilespmem:v3+s15+$0x0], $0xffff  }
0x175: {  	v4 =	vld.idx.msk [tilespmem:v4+s15+$0x0], $0xffff  }
0x176: {  	v5 =	vld.idx.msk [tilespmem:v5+s15+$0x0], $0xffff  }
0x177: {  	[tilespmem:s13+$0xFFFFFF90] =	vst v0;
	v7 =	vld.idx.msk [tilespmem:v7+s15+$0x0], $0xffff  }
0x178: {  	v14 =	vld.idx.msk [tilespmem:v14+s15+$0x0], $0xffff;
	[tilespmem:s13+$0xFFFFFFA0] =	vst v1  }
0x179: {  	[tilespmem:s13+$0xFFFFFFB0] =	vst v2;
	v8 =	vld.idx.msk [tilespmem:v8+s15+$0x0], $0xffff  }
0x17a: {  	[tilespmem:s13+$0xFFFFFFC0] =	vst v3;
	v0 =	vld.idx.msk [tilespmem:v9+s15+$0x0], $0xffff  }
.Ltmp6:
0x17b: {  	[tilespmem:s13+$0xFFFFFFD0] =	vst v4;
	v1 =	vld.idx.msk [tilespmem:v10+s15+$0x0], $0xffff;
	(pc) =	sbr.rel @p0 .LBB2_15-.Ltmp6, $4  }
0x17c: {  	[tilespmem:s13+$0xFFFFFFE0] =	vst v5;
	v2 =	vld.idx.msk [tilespmem:v11+s15+$0x0], $0xffff  }
0x17d: {  	[tilespmem:s13+$0xFFFFFFF0] =	vst v7;
	v3 =	vld.idx.msk [tilespmem:v12+s15+$0x0], $0xffff  }
0x17e: {  	[tilespmem:s13+$0xFFFFFF80] =	vst v14;
	v4 =	vld.idx.msk [tilespmem:v13+s15+$0x0], $0xffff  }
0x17f: {  	s2 =	sadd.s32 $0x100, s2;
	[tilespmem:s13+$0x0] =	vst v8;
	v5 =	vld.idx.msk [tilespmem:v6+s15+$0x0], $0xffff  }
0x180: {  	[tilespmem:s13+$0x10] =	vst v0  }
0x181: {  	[tilespmem:s13+$0x20] =	vst v1  }
0x182: {  	[tilespmem:s13+$0x30] =	vst v2  }
0x183: {  	[tilespmem:s13+$0x40] =	vst v3  }
0x184: {  	[tilespmem:s13+$0x50] =	vst v4  }
0x185: {  	[tilespmem:s13+$0x60] =	vst v5  }
.LBB2_17:
0x186: {  	v0 =	vld [tilespmem:s14+$0x0];
	_ =	sdelay $0x6  }
0x187: {  	s5 =	sadd.s32 $0x10, s5  }
0x188: {  	p0 =	slt.u32 s5, $0x7C0;
	v0 =	vld.idx.msk [tilespmem:v0+s15+$0x0], $0xffff  }
.Ltmp7:
0x189: {  	_ = 	snop;
	(pc) =	sbr.rel @p0 .LBB2_17-.Ltmp7, $2  }
0x18a: {  	_ =	sdelay $0x2  }
0x18b: {  	s14 =	sadd.s32 $0x10, s14;
	[tilespmem:s6+$0x0] =	vst v0;
	s6 =	sadd.s32 $0x10, s6  }
0x18c: {  	s8 =	sadd.s32 $0x1, s8  }
0x18d: {  	p0 =	sne.s32 s8, $0x19  }
.Ltmp8:
0x18e: {  	_ = 	snop;
	(pc) =	sbr.rel @p0 .LBB2_2-.Ltmp8, $2  }
0x18f: {  	_ =	sdelay $0x2  }
0x190: {  	[spmem:s1] =	stream.indirect.scatter.add.f32 [tilespmem:s31], [sflag:$0x6], $0x1, s28, s20, $0xb8;
	[tilespmem:$0x1EEA0] =	vst v63  }
0x191: {  	s0 =	simm.s32 $0x4  }
0x192: {  	_ =	swait.ge [sflag:s0], $0x7D0  }
0x193: {  	[sflag:s0] =	ssyncset.done $0x0  }
0x194: {  	s13 =	simm.s32 $0x5;
	[sflag:s0] =	ssyncadd.s32 $0xFFFFF830  }
0x195: {  	_ =	swait.ge [sflag:s13], $0x7D0  }
0x196: {  	[sflag:s13] =	ssyncset.done $0x0  }
0x197: {  	s14 =	simm.s32 $0x6;
	[sflag:s13] =	ssyncadd.s32 $0xFFFFF830  }
0x198: {  	_ =	swait.ge [sflag:s14], $0x7D0  }
0x199: {  	[sflag:s14] =	ssyncset.done $0x0  }
0x19a: {  	[sflag:s14] =	ssyncadd.s32 $0xFFFFF830  }
0x19b: {  	[bflag:$0x0] =	sbarrier.arrive $0xFFFF  }
0x19c: {  	s17 =	rddreg [dreg:$0x7]  }
0x19d: {  	s5 =	rddreg [dreg:$0x9]  }
0x19e: {  	[hbm:s17], [sflag:s18] =	dma.local [spmem:s5], $0x310  }
0x19f: {  	_ =	swait.ge [sflag:s16], $0x310  }
0x1a0: {  	s2 =	smov.u32 s18;
	s7 =	sadd.s32 $0x1, s7;
	s18 =	rddreg [dreg:$0x8]  }
0x1a1: {  	p0 =	sne.s32 s7, s18  }
.Ltmp9:
0x1a2: {  	_ = 	snop;
	(pc) =	sbr.rel @p0 .LBB2_1-.Ltmp9, $3  }
0x1a3: {  	_ =	sdelay $0x1  }
0x1a4: {  	[sflag:s16] =	ssyncset.done $0x0  }
0x1a5: {  	[sflag:s16] =	ssyncadd.s32 $0xFFFFFCF0  }
0x1a6: {  	_ =	sfence.sel $0x180000  }
0x1a7: {  	[bflag:$0x0] =	sbarrier.arrive $0xFFFF  }
0x1a8: {  	_ =	strace $0x9000004D  }
0x1a9: {  	s0 =	stileid.u32;
	[bflag:$0x2] =	sbarrier.arrive $0xFFFF  }
0x1aa: {  	p0 =	sne.s32 s0, $0x0;
	s0 =	rddreg [dreg:$0x2]  }
0x1ab: {  	s0 =	sadd.s32 @!p0 $0x100000, s0  }
0x1ac: {  	[sflag:s0] =	ssyncadd.tile.s32 @!p0 $0x1;
	_ =	shalt  }
.Lfunc_end2:
_tile_overlayer_lowered:
.L_overlay_start_2:
0x1ad: {  	(tag) =	ssettag $0x2  }
0x1ae: {  	s0 =	rddreg [dreg:$0x0];
	s2 =	stileid.u32  }
0x1af: {  	s1 =	rddreg [dreg:$0x1];
	p0 =	sne.s32 s2, $0x0  }
0x1b0: {  	s3 =	rddreg [dreg:$0x2];
	[bflag:$0x3] =	sbarrier.arrive $0xFFFF;
	s2 =	simm.s32 @!p0 $0x1C07  }
0x1b1: {  	[timem:s3], [sflag:s2] =	dma.local @!p0 [hbm:s0], s1  }
0x1b2: {  	s0 =	simm.s32 @!p0 $0x7  }
0x1b3: {  	_ =	swait.ge @!p0 [sflag:s0], s1  }
0x1b4: {  	s1 =	ssub.s32 @!p0 $0x0, s1;
	[sflag:s0] =	ssyncset.done @!p0 $0x0  }
0x1b5: {  	[sflag:s0] =	ssyncadd.s32 @!p0 s1  }
0x1b6: {  	[bflag:$0x3] =	sbarrier.arrive $0xFFFF  }
0x1b7: {  	_ =	shalt  }

// kernel: kernel.14.cloned.1.call-start
scs
__scs_entry_jumppad:
0x0: {  	(pc) =	sbr.rel $0x88, $3  }
0x1: {  	(tag) =	ssettag $0x0;
	lr =	simm.s32 $0x1  }
0x2: {  	[smem:$0x3F99] =	sst lr;
	_ =	strace $0xD0000000  }
0x3: {  	_ = 	snop  }
0x4: {  	_ = 	snop  }
0x5: {  	_ = 	snop  }
0x6: {  	_ = 	snop  }
0x7: {  	_ = 	snop  }
__scs_overlays_trampoline_lowered:
0x8: {  	[smem:$0x3FA8] =	sst s0  }
0x9: {  	[smem:$0x3FA9] =	sst s1  }
0xa: {  	[smem:$0x3FAA] =	sst s2  }
0xb: {  	[smem:$0x3FAB] =	sst s3  }
0xc: {  	[smem:$0x3FAC] =	sst s4  }
0xd: {  	[smem:$0x3FAD] =	sst s5  }
0xe: {  	[smem:$0x3FAE] =	sst s6  }
0xf: {  	[smem:$0x3FAF] =	sst s7  }
0x10: {  	[smem:$0x3FB0] =	sst s8  }
0x11: {  	[smem:$0x3FB1] =	sst s9;
	s0 =	simm.s32 @!p0 $0x0  }
0x12: {  	s1 =	sld [smem:$0x3F97];
	s0 =	simm.s32 @p0 $0x1  }
0x13: {  	[smem:$0x3FB2] =	sst s0;
	s0 =	simm.s32 @!p1 $0x0  }
0x14: {  	s2 =	sld [smem:$0x3F96];
	s0 =	simm.s32 @p1 $0x1  }
0x15: {  	[smem:$0x3FB3] =	sst s0;
	s0 =	simm.s32 @!p2 $0x0  }
0x16: {  	s3 =	sld [smem:$0x3FDB];
	s0 =	simm.s32 @p2 $0x1  }
0x17: {  	s4 =	simm.s32 $0x1BF5;
	[smem:$0x3FB5] =	sst s0  }
0x18: {  	s0 =	sld [smem:$0x3F98];
	_ =	swait.ge [sflag:s4], $0x0  }
0x19: {  	s7 =	sld [smem:$0x3F99]  }
0x1a: {  	s8 =	sadd.s32 $0xFFFFE003, lr  }
0x1b: {  	s9 =	sadd.s32 $0xFFFFFEF7, lr;
	s5 =	simm.s32 $0xFFFFFFFF;
	p2 =	slt.u32 s8, $0xFFFFF086  }
0x1c: {  	p1 =	slt.u32 s9, $0xF7A;
	s5 =	simm.s32 @!p2 $0x0  }
0x1d: {  	s5 =	simm.s32 @p1 $0x1;
	p0 =	seq.s32 s7, s2  }
0x1e: {  	s7 =	smul.u32 @!p0 $0xF7A, s2;
	p2 =	seq.s32 @!p0 s5, $0x0  }
0x1f: {  	s9 =	smul.u32 $0xF7A, s1;
	s8 =	simm.s32 @!p0 $0x1BF5;
	p2 =	por !p2, p0  }
0x20: {  	[sflag:s8] =	ssyncset.s32 @!p0 $0xFFFFF086;
	s6 =	sadd.s32 @!p0 s3, s7;
	s7 =	simm.s32 @!p0 $0x108  }
0x21: {  	s3 =	sadd.s32 s3, s9;
	s6 =	sadd.s32 @!p0 $0x88, s6;
	s7 =	simm.s32 @p2 $0x1082  }
0x22: {  	[simem:s7], [sflag:s8] =	dma.local @!p0 [hbm:s6], $0xF7A  }
0x23: {  	s9 =	sor.u32 $0xD0000000, s2;
	s6 =	simm.s32 $0x108;
	_ =	swait.ge @!p0 [sflag:s8], $0x0  }
0x24: {  	s3 =	sadd.s32 $0x88, s3;
	s6 =	simm.s32 @!p1 $0x1082;
	[sflag:s4] =	ssyncset.s32 $0xFFFFF086  }
0x25: {  	[simem:s6], [sflag:s4] =	dma.local [hbm:s3], $0xF7A  }
0x26: {  	[smem:$0x3F99] =	sst s1;
	(tag) =	ssettag s2;
	_ =	strace s9  }
0x27: {  	s1 =	sld [smem:$0x3FA9]  }
0x28: {  	s2 =	sld [smem:$0x3FAA]  }
0x29: {  	s4 =	sld [smem:$0x3FAC]  }
0x2a: {  	p0 =	seq.s32 s5, $0x0;
	s5 =	sld [smem:$0x3FAD]  }
0x2b: {  	s6 =	sld [smem:$0x3FAE]  }
0x2c: {  	s7 =	sld [smem:$0x3FAF]  }
0x2d: {  	s3 =	simm.s32 $0x108;
	s8 =	sld [smem:$0x3FB0]  }
0x2e: {  	s3 =	simm.s32 @!p0 $0x1082;
	s9 =	sld [smem:$0x3FB1]  }
0x2f: {  	lr =	sadd.s32 s0, s3;
	s0 =	sld [smem:$0x3FA8]  }
0x30: {  	s3 =	sld [smem:$0x3FAB]  }
0x31: {  	[smem:$0x3FB4] =	sst s10  }
0x32: {  	s10 =	sld [smem:$0x3FB2];
	_ =	sdelay $0x3  }
0x33: {  	p0 =	seq.s32 s10, $0x1;
	s10 =	sld [smem:$0x3FB4];
	_ =	sdelay $0x3  }
0x34: {  	[smem:$0x3FB4] =	sst s10  }
0x35: {  	s10 =	sld [smem:$0x3FB3];
	_ =	sdelay $0x3  }
0x36: {  	p1 =	seq.s32 s10, $0x1;
	s10 =	sld [smem:$0x3FB4];
	_ =	sdelay $0x3  }
0x37: {  	[smem:$0x3FB4] =	sst s10  }
0x38: {  	s10 =	sld [smem:$0x3FB5]  }
0x39: {  	_ = 	snop;
	(pc) =	sbr.ind lr, $3  }
0x3a: {  	_ = 	snop  }
0x3b: {  	_ = 	snop  }
0x3c: {  	p2 =	seq.s32 s10, $0x1;
	s10 =	sld [smem:$0x3FB4]  }
0x3d: {  	_ =	shalt  }
0x3e: {  	_ =	shalt  }
0x3f: {  	_ =	shalt  }
0x40: {  	_ =	shalt  }
0x41: {  	_ =	shalt  }
0x42: {  	_ =	shalt  }
0x43: {  	_ =	shalt  }
0x44: {  	_ =	shalt  }
0x45: {  	_ =	shalt  }
0x46: {  	_ =	shalt  }
0x47: {  	_ =	shalt  }
0x48: {  	_ =	shalt  }
0x49: {  	_ =	shalt  }
0x4a: {  	_ =	shalt  }
0x4b: {  	_ =	shalt  }
0x4c: {  	_ =	shalt  }
0x4d: {  	_ =	shalt  }
0x4e: {  	_ =	shalt  }
0x4f: {  	_ =	shalt  }
0x50: {  	_ =	shalt  }
0x51: {  	_ =	shalt  }
0x52: {  	_ =	shalt  }
0x53: {  	_ =	shalt  }
0x54: {  	_ =	shalt  }
0x55: {  	_ =	shalt  }
0x56: {  	_ =	shalt  }
0x57: {  	_ =	shalt  }
0x58: {  	_ =	shalt  }
0x59: {  	_ =	shalt  }
0x5a: {  	_ =	shalt  }
0x5b: {  	_ =	shalt  }
0x5c: {  	_ =	shalt  }
0x5d: {  	_ =	shalt  }
0x5e: {  	_ =	shalt  }
0x5f: {  	_ =	shalt  }
0x60: {  	_ =	shalt  }
0x61: {  	_ =	shalt  }
0x62: {  	_ =	shalt  }
0x63: {  	_ =	shalt  }
0x64: {  	_ =	shalt  }
0x65: {  	_ =	shalt  }
0x66: {  	_ =	shalt  }
0x67: {  	_ =	shalt  }
0x68: {  	_ =	shalt  }
0x69: {  	_ =	shalt  }
0x6a: {  	_ =	shalt  }
0x6b: {  	_ =	shalt  }
0x6c: {  	_ =	shalt  }
0x6d: {  	_ =	shalt  }
0x6e: {  	_ =	shalt  }
0x6f: {  	_ =	shalt  }
0x70: {  	_ =	shalt  }
0x71: {  	_ =	shalt  }
0x72: {  	_ =	shalt  }
0x73: {  	_ =	shalt  }
0x74: {  	_ =	shalt  }
0x75: {  	_ =	shalt  }
0x76: {  	_ =	shalt  }
0x77: {  	_ =	shalt  }
0x78: {  	_ =	shalt  }
0x79: {  	_ =	shalt  }
0x7a: {  	_ =	shalt  }
0x7b: {  	_ =	shalt  }
0x7c: {  	_ =	shalt  }
0x7d: {  	_ =	shalt  }
0x7e: {  	_ =	shalt  }
0x7f: {  	_ =	shalt  }
0x80: {  	_ =	shalt  }
0x81: {  	_ =	shalt  }
0x82: {  	_ =	shalt  }
0x83: {  	_ =	shalt  }
0x84: {  	_ =	shalt  }
0x85: {  	_ =	shalt  }
0x86: {  	_ =	shalt  }
0x87: {  	_ =	shalt  }
.Lfunc_end0:
.L_simem_size_0:
called_computation.3_lowered:
.L_overlay_start_0:
0x88: {  	s2 =	sld [smem:$0x3FD9]  }
0x89: {  	s3 =	sld [smem:$0x3FFE];
	_ =	sdelay $0x1  }
0x8a: {  	s1 =	srdreg.scid  }
0x8b: {  	s0 =	sand.u32 $0x1, s1  }
0x8c: {  	s16 =	sshll.u32 s0, $0xA;
	s2 =	sadd.s32 s3, s2  }
0x8d: {  	s2 =	sadd.s32 s2, s16  }
0x8e: {  	[smem:$0x3FC0] =	sst s2  }
0x8f: {  	_ = 	snop  }
0x90: {  	(tm) =	ssettm $0x1  }
0x91: {  	s17 =	sld [smem:$0x3FFB];
	_ =	sdelay $0x3  }
0x92: {  	_ =	strace s17  }
0x93: {  	s2 =	sld [smem:$0x3FFC];
	_ =	sdelay $0x3  }
0x94: {  	_ =	strace s2  }
0x95: {  	s2 =	sld [smem:$0x3FFD];
	_ =	sdelay $0x3  }
0x96: {  	_ =	strace s2  }
0x97: {  	_ =	strace $0x8FFFFFFF  }
0x98: {  	s18 =	sld [smem:$0x3FDB];
	_ =	sdelay $0x1  }
0x99: {  	s19 =	simm.s32 $_scs_section_size  }
0x9a: {  	s4 =	simm.s32 $_size__tile_overlayer_lowered;
	s5 =	simm.s32 $_tile_overlayer_lowered  }
0x9b: {  	s22 =	simm.s32 $0x1BFF;
	s21 =	sshll.u32 s5, $0x1;
	s2 =	sadd.s32 s19, s18  }
0x9c: {  	s6 =	simm.s32 $0x0;
	s20 =	sshll.u32 s4, $0x1;
	s4 =	sadd.s32 s21, s2  }
0x9d: {  	[timem:s6], [sflag:s22] =	dma.local [hbm:s4], s20  }
0x9e: {  	_ =	swait.ge [sflag:s22], s20  }
0x9f: {  	s3 =	ssub.s32 $0x0, s20;
	[sflag:s22] =	ssyncset.done $0x0  }
0xa0: {  	[sflag:s22] =	ssyncadd.s32 s3;
	_ =	sdelay $0x1  }
0xa1: {  	s23 =	simm.s32 $0x1B8B  }
0xa2: {  	_ =	swait.ge [sflag:s23], $0x1  }
0xa3: {  	[sflag:s23] =	ssyncset.done $0x0  }
0xa4: {  	s25 =	simm.s32 $0x1B8E;
	s24 =	sld [smem:$0x3FFE];
	[sflag:s23] =	ssyncadd.s32 $0xFFFFFFFF  }
0xa5: {  	s26 =	simm.s32 $execute0_lowered;
	[smem:$0x3FD2] =	sst s25  }
0xa6: {  	s4 =	sshll.u32 s26, $0x1;
	_ =	strace $0x8000004F;
	[dreg:$0x1] =	wrdreg $0xFFFFFFFF  }
0xa7: {  	s28 =	simm.s32 $_size_execute0_lowered;
	s2 =	sadd.s32 s2, s4;
	[dreg:$0x0] =	wrdreg $0x0  }
0xa8: {  	s4 =	sshll.u32 s28, $0x1;
	[dreg:$0x2] =	wrdreg s2  }
0xa9: {  	[dreg:$0x3] =	wrdreg s4  }
0xaa: {  	[dreg:$0x4] =	wrdreg $0xC0  }
0xab: {  	_ =	task [dreg:s6], $0x5FFFF  }
0xac: {  	[dreg:$0x1] =	wrdreg $0xFFFFFFFF  }
0xad: {  	[dreg:$0x0] =	wrdreg $0x60  }
0xae: {  	[dreg:$0x2] =	wrdreg s24  }
0xaf: {  	[dreg:$0x3] =	wrdreg $0x1D6200  }
0xb0: {  	[dreg:$0x4] =	wrdreg $0x9  }
0xb1: {  	_ =	task.clear_ibuf [dreg:s6], $0x5FFFF;
	_ =	strace $0x9000004F  }
0xb2: {  	s29 =	simm.s32 $0x9;
	_ =	strace $0x80000051  }
0xb3: {  	_ =	swait.ge [sflag:s29], $0x1  }
0xb4: {  	[sflag:s29] =	ssyncadd.s32 $0xFFFFFFFF  }
0xb5: {  	_ =	strace $0x90000051  }
0xb6: {  	_ =	sfence  }
0xb7: {  	s30 =	sld [smem:$0x0];
	_ =	sdelay $0x2  }
0xb8: {  	s31 =	sshll.u32 s1, $0xD;
	s1 =	sshrl.u32 s1, $0x2  }
0xb9: {  	s3 =	sand.u32 $0x4000, s31;
	s1 =	sadd.s32 s1, s30  }
0xba: {  	s0 =	sor.u32 s3, s0;
	s1 =	sshll.u32 s1, $0x11  }
0xbb: {  	s0 =	sor.u32 s1, s0  }
0xbc: {  	s0 =	sadd.s32 $0x8F2B, s0  }
0xbd: {  	[sflag:s0] =	ssyncadd.remote.s32 $0x1  }
0xbe: {  	_ =	sfence.sel $0xFFFF  }
0xbf: {  	[dreg:$0x0] =	wrdreg $0xFFFFFFFF;
	(pc) =	sbr.abs _section_cstart, $3  }
0xc0: {  	[dreg:$0x1] =	wrdreg $0xFFFFFFFF  }
0xc1: {  	_ =	task.clear_ibuf [dreg:s6], $0x2FFFF;
	_ =	strace $0x9FFFFFFF  }
0xc2: {  	(tm) =	ssettm $0x7FFFFFFF  }
0xc3: {  	_ =	shalt  }
tec
execute0_lowered:
.L_overlay_start_1:
0x0: {  	(tag) =	ssettag $0x1  }
0x1: {  	s0 =	rddreg [dreg:$0x0]  }
0x2: {  	s1 =	rddreg [dreg:$0x1]  }
0x3: {  	s3 =	simm.s32 $0x0;
	s2 =	srdreg.scid;
	s13 =	stileid.u32  }
0x4: {  	s15 =	simm.s32 $0x4E20;
	s16 =	simm.s32 $0x7;
	s19 =	simm.s32 $0xFA0  }
0x5: {  	s20 =	simm.s32 $0x7D0;
	s21 =	simm.s32 $0x1770;
	s22 =	simm.s32 $0x1  }
0x6: {  	s28 =	simm.s32 $0x2710;
	s29 =	simm.s32 $0x3E80;
	s30 =	simm.s32 $0x3  }
0x7: {  	s31 =	simm.s32 $0x4650;
	[smem:$0x7FF] =	sst s3;
	s2 =	sand.u32 $0x1, s2  }
0x8: {  	s5 =	smul.u32 $0x1880, s13;
	s4 =	sadd.s32 $0x1A00, s0;
	s8 =	sadd.s32 $0x18B600, s0  }
0x9: {  	s26 =	sshll.u32 s13, $0x6;
	_ =	strace $0x80000050;
	s6 =	sshll.u32 s2, $0x4  }
0xa: {  	s7 =	smul.u32 $0x18800, s2;
	[dreg:$0x3] =	wrdreg s8;
	s2 =	ssub.s32 $0x2, s2  }
0xb: {  	s6 =	sor.u32 s13, s6;
	s23 =	sshrl.u32 s5, $0x3;
	s9 =	sshrl.u32 s2, $0x1  }
0xc: {  	s6 =	smul.u32 $0x30D40, s6;
	s8 =	sadd.s32 s23, s0;
	s7 =	sadd.s32 s5, s7  }
0xd: {  	s2 =	ssub.s32 s2, s9;
	s5 =	sadd.s32 s5, s1;
	s23 =	simm.s32 $0x2EE0  }
0xe: {  	s7 =	sshrl.u32 s7, $0x3;
	s8 =	sadd.s32 $0x188400, s8;
	s25 =	smax.u32 s2, $0x1  }
0xf: {  	s2 =	sor.u32 $0x1C07, s26;
	s5 =	sshrl.u32 s5, $0x3;
	s26 =	simm.s32 $0x36B0  }
0x10: {  	s10 =	sshrl.u32 s6, $0x3;
	s0 =	sadd.s32 s7, s0;
	[dreg:$0x5] =	wrdreg s8  }
0x11: {  	s9 =	sadd.s32 $0x7D0, s6;
	s11 =	sadd.s32 $0x1770, s6;
	[dreg:$0x8] =	wrdreg s25  }
0x12: {  	s12 =	sadd.s32 $0x1F40, s6;
	[dreg:$0x9] =	wrdreg s5;
	s24 =	sadd.s32 s4, s10  }
0x13: {  	s25 =	simm.s32 $0x2;
	s0 =	sadd.s32 $0x18E800, s0;
	[dreg:$0x4] =	wrdreg s24  }
0x14: {  	s10 =	sadd.s32 $0xFA0, s6;
	s7 =	sadd.s32 $0xC3500, s24;
	[dreg:$0x7] =	wrdreg s0  }
0x15: {  	s24 =	simm.s32 $0x1F40;
	[dreg:$0x6] =	wrdreg s7;
	s7 =	simm.s32 $0x0  }
.LBB2_1:
0x16: {  	s0 =	rddreg [dreg:$0x3]  }
0x17: {  	[tilespmem:s15], [sflag:$0x7] =	stream.linear.gather [hbm4b:s0+s3], $0x18800, $0x38;
	[tilespmem:$0x1EEA0] =	vst v63  }
0x18: {  	_ =	swait.ge [sflag:s16], $0x18800  }
0x19: {  	[sflag:s16] =	ssyncset.done $0x0  }
0x1a: {  	s13 =	rddreg [dreg:$0x5];
	[sflag:s16] =	ssyncadd.s32 $0xFFFE7800  }
0x1b: {  	[spmem:s5], [sflag:s2] =	dma.local [hbm:s13], $0x310  }
0x1c: {  	_ =	swait.ge [sflag:s16], $0x310  }
0x1d: {  	[sflag:s16] =	ssyncset.done $0x0  }
0x1e: {  	[sflag:s16] =	ssyncadd.s32 $0xFFFFFCF0  }
0x1f: {  	[bflag:$0x0] =	sbarrier.arrive $0xFFFF  }
0x20: {  	s14 =	rddreg [dreg:$0x4]  }
0x21: {  	[tilespmem:s3], [sflag:$0x1] =	stream.linear.gather [hbm4b:s14+s3], $0x7D0, $0x38;
	[tilespmem:$0x1EEA0] =	vst v63  }
0x22: {  	s18 =	smov.u32 s2;
	s8 =	simm.s32 $0x0;
	s17 =	rddreg [dreg:$0x6]  }
0x23: {  	[tilespmem:s19], [sflag:$0x1] =	stream.linear.gather [hbm4b:s17+s3], $0x7D0, $0x38;
	[tilespmem:$0x1EEA0] =	vst v63  }
.LBB2_2:
0x24: {  	p0 =	seq.s32 s8, $0x0;
	s13 =	smul.u32 $0x1F40, s8  }
0x25: {  	s0 =	simm.s32 @!p0 $0x4  }
0x26: {  	_ =	swait.ge @!p0 [sflag:s0], $0x7D0;
	s2 =	sadd.s32 s13, s9  }
0x27: {  	[sflag:s0] =	ssyncset.done @!p0 $0x0;
	s2 =	sshrl.u32 s2, $0x3  }
0x28: {  	[sflag:s0] =	ssyncadd.s32 @!p0 $0xFFFFF830;
	s14 =	sadd.s32 s4, s2  }
0x29: {  	[tilespmem:s20], [sflag:$0x2] =	stream.linear.gather [hbm4b:s14+s3], $0x7D0, $0x38;
	[tilespmem:$0x1EEA0] =	vst v63  }
0x2a: {  	s0 =	sadd.s32 $0xC3500, s14  }
0x2b: {  	[tilespmem:s21], [sflag:$0x2] =	stream.linear.gather [hbm4b:s0+s3], $0x7D0, $0x38;
	[tilespmem:$0x1EEA0] =	vst v63  }
0x2c: {  	_ =	swait.ge [sflag:s22], $0x7D0  }
0x2d: {  	[sflag:s22] =	ssyncset.done $0x0  }
0x2e: {  	[sflag:s22] =	ssyncadd.s32 $0xFFFFF830  }
0x2f: {  	_ =	swait.ge [sflag:s22], $0x7D0  }
0x30: {  	[sflag:s22] =	ssyncset.done $0x0  }
0x31: {  	s17 =	simm.s32 $0x80;
	[sflag:s22] =	ssyncadd.s32 $0xFFFFF830  }
0x32: {  	v0 =	vld [tilespmem:s17+$0x70]  }
0x33: {  	v1 =	vld [tilespmem:s17+$0xFFFFFF90]  }
0x34: {  	v2 =	vld [tilespmem:s17+$0xFFFFFFA0]  }
0x35: {  	v3 =	vld [tilespmem:s17+$0xFFFFFFB0]  }
0x36: {  	v4 =	vld [tilespmem:s17+$0xFFFFFFC0]  }
0x37: {  	v5 =	vld [tilespmem:s17+$0xFFFFFFD0]  }
0x38: {  	v6 =	vld [tilespmem:s17+$0xFFFFFFE0]  }
0x39: {  	v7 =	vld [tilespmem:s17+$0xFFFFFFF0]  }
0x3a: {  	v8 =	vld [tilespmem:s17+$0x0]  }
0x3b: {  	v9 =	vld [tilespmem:s17+$0x10]  }
0x3c: {  	v10 =	vld [tilespmem:s17+$0x20]  }
0x3d: {  	v11 =	vld [tilespmem:s17+$0x30]  }
0x3e: {  	v12 =	vld [tilespmem:s17+$0x40]  }
0x3f: {  	v13 =	vld [tilespmem:s17+$0x50]  }
0x40: {  	v14 =	vld [tilespmem:s17+$0x60]  }
0x41: {  	v15 =	vld [tilespmem:s17+$0xFFFFFF80]  }
0x42: {  	v0 =	vld.idx.msk [tilespmem:v0+s15+$0x0], $0xffff  }
0x43: {  	v1 =	vld.idx.msk [tilespmem:v1+s15+$0x0], $0xffff  }
0x44: {  	v2 =	vld.idx.msk [tilespmem:v2+s15+$0x0], $0xffff  }
0x45: {  	v3 =	vld.idx.msk [tilespmem:v3+s15+$0x0], $0xffff  }
0x46: {  	v4 =	vld.idx.msk [tilespmem:v4+s15+$0x0], $0xffff  }
0x47: {  	s14 =	simm.s32 $0x2F60;
	v5 =	vld.idx.msk [tilespmem:v5+s15+$0x0], $0xffff  }
0x48: {  	v6 =	vld.idx.msk [tilespmem:v6+s15+$0x0], $0xffff;
	[tilespmem:s14+$0x70] =	vst v0  }
0x49: {  	v7 =	vld.idx.msk [tilespmem:v7+s15+$0x0], $0xffff;
	[tilespmem:s14+$0xFFFFFF90] =	vst v1  }
0x4a: {  	v15 =	vld.idx.msk [tilespmem:v15+s15+$0x0], $0xffff;
	[tilespmem:s14+$0xFFFFFFA0] =	vst v2  }
0x4b: {  	v8 =	vld.idx.msk [tilespmem:v8+s15+$0x0], $0xffff;
	[tilespmem:s14+$0xFFFFFFB0] =	vst v3  }
0x4c: {  	[tilespmem:s14+$0xFFFFFFC0] =	vst v4;
	v0 =	vld.idx.msk [tilespmem:v9+s15+$0x0], $0xffff  }
0x4d: {  	[tilespmem:s14+$0xFFFFFFD0] =	vst v5;
	v1 =	vld.idx.msk [tilespmem:v10+s15+$0x0], $0xffff  }
0x4e: {  	[tilespmem:s14+$0xFFFFFFE0] =	vst v6;
	v2 =	vld.idx.msk [tilespmem:v11+s15+$0x0], $0xffff  }
0x4f: {  	[tilespmem:s14+$0xFFFFFFF0] =	vst v7;
	v3 =	vld.idx.msk [tilespmem:v12+s15+$0x0], $0xffff  }
0x50: {  	s5 =	simm.s32 $0x0;
	s6 =	simm.s32 $0x6F0;
	[tilespmem:s14+$0xFFFFFF80] =	vst v15;
	v4 =	vld.idx.msk [tilespmem:v13+s15+$0x0], $0xffff  }
0x51: {  	s2 =	simm.s32 $0x700;
	s0 =	simm.s32 $0x35E0;
	s17 =	simm.s32 $0x180;
	[tilespmem:s14+$0x0] =	vst v8;
	v5 =	vld.idx.msk [tilespmem:v14+s15+$0x0], $0xffff  }
.LBB2_3:
0x52: {  	v6 =	vld [tilespmem:s17+$0x70];
	s5 =	sadd.s32 $0x100, s5;
	[tilespmem:s14+$0x10] =	vst v0  }
0x53: {  	v0 =	vld [tilespmem:s17+$0xFFFFFF90];
	p1 =	slt.u32 s5, $0x600;
	[tilespmem:s14+$0x20] =	vst v1  }
0x54: {  	v1 =	vld [tilespmem:s17+$0xFFFFFFA0];
	[tilespmem:s14+$0x30] =	vst v2  }
0x55: {  	v2 =	vld [tilespmem:s17+$0xFFFFFFB0];
	[tilespmem:s14+$0x40] =	vst v3  }
0x56: {  	v3 =	vld [tilespmem:s17+$0xFFFFFFC0];
	[tilespmem:s14+$0x50] =	vst v4  }
0x57: {  	v4 =	vld [tilespmem:s17+$0xFFFFFFD0];
	[tilespmem:s14+$0x60] =	vst v5  }
0x58: {  	v5 =	vld [tilespmem:s17+$0xFFFFFFE0]  }
0x59: {  	v7 =	vld [tilespmem:s17+$0xFFFFFFF0]  }
0x5a: {  	v6 =	vld.idx.msk [tilespmem:v6+s15+$0x0], $0xffff  }
0x5b: {  	v8 =	vld [tilespmem:s17+$0x0]  }
0x5c: {  	v9 =	vld [tilespmem:s17+$0x10]  }
0x5d: {  	v10 =	vld [tilespmem:s17+$0x20]  }
0x5e: {  	v11 =	vld [tilespmem:s17+$0x30]  }
0x5f: {  	s14 =	sadd.s32 $0x100, s14;
	v12 =	vld [tilespmem:s17+$0x40]  }
0x60: {  	v13 =	vld [tilespmem:s17+$0x50];
	[tilespmem:s14+$0x70] =	vst v6  }
0x61: {  	v6 =	vld [tilespmem:s17+$0x60]  }
0x62: {  	v14 =	vld [tilespmem:s17+$0xFFFFFF80]  }
0x63: {  	v0 =	vld.idx.msk [tilespmem:v0+s15+$0x0], $0xffff  }
0x64: {  	v1 =	vld.idx.msk [tilespmem:v1+s15+$0x0], $0xffff  }
0x65: {  	v2 =	vld.idx.msk [tilespmem:v2+s15+$0x0], $0xffff  }
0x66: {  	v3 =	vld.idx.msk [tilespmem:v3+s15+$0x0], $0xffff  }
0x67: {  	v4 =	vld.idx.msk [tilespmem:v4+s15+$0x0], $0xffff  }
0x68: {  	v5 =	vld.idx.msk [tilespmem:v5+s15+$0x0], $0xffff  }
0x69: {  	[tilespmem:s14+$0xFFFFFF90] =	vst v0;
	v7 =	vld.idx.msk [tilespmem:v7+s15+$0x0], $0xffff  }
0x6a: {  	v14 =	vld.idx.msk [tilespmem:v14+s15+$0x0], $0xffff;
	[tilespmem:s14+$0xFFFFFFA0] =	vst v1  }
0x6b: {  	[tilespmem:s14+$0xFFFFFFB0] =	vst v2;
	v8 =	vld.idx.msk [tilespmem:v8+s15+$0x0], $0xffff  }
0x6c: {  	[tilespmem:s14+$0xFFFFFFC0] =	vst v3;
	v0 =	vld.idx.msk [tilespmem:v9+s15+$0x0], $0xffff  }
.Ltmp0:
0x6d: {  	[tilespmem:s14+$0xFFFFFFD0] =	vst v4;
	v1 =	vld.idx.msk [tilespmem:v10+s15+$0x0], $0xffff;
	(pc) =	sbr.rel @p1 .LBB2_3-.Ltmp0, $4  }
0x6e: {  	[tilespmem:s14+$0xFFFFFFE0] =	vst v5;
	v2 =	vld.idx.msk [tilespmem:v11+s15+$0x0], $0xffff  }
0x6f: {  	[tilespmem:s14+$0xFFFFFFF0] =	vst v7;
	v3 =	vld.idx.msk [tilespmem:v12+s15+$0x0], $0xffff  }
0x70: {  	[tilespmem:s14+$0xFFFFFF80] =	vst v14;
	v4 =	vld.idx.msk [tilespmem:v13+s15+$0x0], $0xffff  }
0x71: {  	s17 =	sadd.s32 $0x100, s17;
	[tilespmem:s14+$0x0] =	vst v8;
	v5 =	vld.idx.msk [tilespmem:v6+s15+$0x0], $0xffff  }
0x72: {  	[tilespmem:s14+$0x10] =	vst v0  }
0x73: {  	[tilespmem:s14+$0x20] =	vst v1  }
0x74: {  	[tilespmem:s14+$0x30] =	vst v2  }
0x75: {  	[tilespmem:s14+$0x40] =	vst v3  }
0x76: {  	[tilespmem:s14+$0x50] =	vst v4  }
0x77: {  	[tilespmem:s14+$0x60] =	vst v5  }
.LBB2_5:
0x78: {  	v0 =	vld [tilespmem:s2+$0x0];
	_ =	sdelay $0x6  }
0x79: {  	s6 =	sadd.s32 $0x10, s6  }
0x7a: {  	p1 =	slt.u32 s6, $0x7C0;
	v0 =	vld.idx.msk [tilespmem:v0+s15+$0x0], $0xffff  }
.Ltmp1:
0x7b: {  	_ = 	snop;
	(pc) =	sbr.rel @p1 .LBB2_5-.Ltmp1, $2  }
0x7c: {  	_ =	sdelay $0x2  }
0x7d: {  	s2 =	sadd.s32 $0x10, s2;
	[tilespmem:s0+$0x0] =	vst v0;
	s0 =	sadd.s32 $0x10, s0  }
0x7e: {  	[spmem:s1] =	stream.indirect.scatter.add.f32 [tilespmem:s23], [sflag:$0x3], $0x1, s19, s20, $0xb8;
	[tilespmem:$0x1EEA0] =	vst v63  }
0x7f: {  	s0 =	simm.s32 @!p0 $0x5  }
0x80: {  	s2 =	sadd.s32 s13, s10;
	_ =	swait.ge @!p0 [sflag:s0], $0x7D0  }
0x81: {  	s2 =	sshrl.u32 s2, $0x3;
	[sflag:s0] =	ssyncset.done @!p0 $0x0  }
0x82: {  	s14 =	sadd.s32 s4, s2;
	[sflag:s0] =	ssyncadd.s32 @!p0 $0xFFFFF830  }
0x83: {  	[tilespmem:s3], [sflag:$0x1] =	stream.linear.gather [hbm4b:s14+s3], $0x7D0, $0x38;
	[tilespmem:$0x1EEA0] =	vst v63  }
0x84: {  	s0 =	sadd.s32 $0xC3500, s14  }
0x85: {  	[tilespmem:s24], [sflag:$0x1] =	stream.linear.gather [hbm4b:s0+s3], $0x7D0, $0x38;
	[tilespmem:$0x1EEA0] =	vst v63  }
0x86: {  	_ =	swait.ge [sflag:s25], $0x7D0  }
0x87: {  	[sflag:s25] =	ssyncset.done $0x0  }
0x88: {  	[sflag:s25] =	ssyncadd.s32 $0xFFFFF830  }
0x89: {  	_ =	swait.ge [sflag:s25], $0x7D0  }
0x8a: {  	[sflag:s25] =	ssyncset.done $0x0  }
0x8b: {  	s17 =	simm.s32 $0x850;
	[sflag:s25] =	ssyncadd.s32 $0xFFFFF830  }
0x8c: {  	v0 =	vld [tilespmem:s17+$0x70]  }
0x8d: {  	v1 =	vld [tilespmem:s17+$0xFFFFFF90]  }
0x8e: {  	v2 =	vld [tilespmem:s17+$0xFFFFFFA0]  }
0x8f: {  	v3 =	vld [tilespmem:s17+$0xFFFFFFB0]  }
0x90: {  	v4 =	vld [tilespmem:s17+$0xFFFFFFC0]  }
0x91: {  	v5 =	vld [tilespmem:s17+$0xFFFFFFD0]  }
0x92: {  	v6 =	vld [tilespmem:s17+$0xFFFFFFE0]  }
0x93: {  	v7 =	vld [tilespmem:s17+$0xFFFFFFF0]  }
0x94: {  	v8 =	vld [tilespmem:s17+$0x0]  }
0x95: {  	v9 =	vld [tilespmem:s17+$0x10]  }
0x96: {  	v10 =	vld [tilespmem:s17+$0x20]  }
0x97: {  	v11 =	vld [tilespmem:s17+$0x30]  }
0x98: {  	v12 =	vld [tilespmem:s17+$0x40]  }
0x99: {  	v13 =	vld [tilespmem:s17+$0x50]  }
0x9a: {  	v14 =	vld [tilespmem:s17+$0x60]  }
0x9b: {  	v15 =	vld [tilespmem:s17+$0xFFFFFF80]  }
0x9c: {  	v0 =	vld.idx.msk [tilespmem:v0+s15+$0x0], $0xffff  }
0x9d: {  	v1 =	vld.idx.msk [tilespmem:v1+s15+$0x0], $0xffff  }
0x9e: {  	v2 =	vld.idx.msk [tilespmem:v2+s15+$0x0], $0xffff  }
0x9f: {  	v3 =	vld.idx.msk [tilespmem:v3+s15+$0x0], $0xffff  }
0xa0: {  	v4 =	vld.idx.msk [tilespmem:v4+s15+$0x0], $0xffff  }
0xa1: {  	s14 =	simm.s32 $0x3730;
	v5 =	vld.idx.msk [tilespmem:v5+s15+$0x0], $0xffff  }
0xa2: {  	v6 =	vld.idx.msk [tilespmem:v6+s15+$0x0], $0xffff;
	[tilespmem:s14+$0x70] =	vst v0  }
0xa3: {  	v7 =	vld.idx.msk [tilespmem:v7+s15+$0x0], $0xffff;
	[tilespmem:s14+$0xFFFFFF90] =	vst v1  }
0xa4: {  	v15 =	vld.idx.msk [tilespmem:v15+s15+$0x0], $0xffff;
	[tilespmem:s14+$0xFFFFFFA0] =	vst v2  }
0xa5: {  	v8 =	vld.idx.msk [tilespmem:v8+s15+$0x0], $0xffff;
	[tilespmem:s14+$0xFFFFFFB0] =	vst v3  }
0xa6: {  	[tilespmem:s14+$0xFFFFFFC0] =	vst v4;
	v0 =	vld.idx.msk [tilespmem:v9+s15+$0x0], $0xffff  }
0xa7: {  	[tilespmem:s14+$0xFFFFFFD0] =	vst v5;
	v1 =	vld.idx.msk [tilespmem:v10+s15+$0x0], $0xffff  }
0xa8: {  	[tilespmem:s14+$0xFFFFFFE0] =	vst v6;
	v2 =	vld.idx.msk [tilespmem:v11+s15+$0x0], $0xffff  }
0xa9: {  	[tilespmem:s14+$0xFFFFFFF0] =	vst v7;
	v3 =	vld.idx.msk [tilespmem:v12+s15+$0x0], $0xffff  }
0xaa: {  	s6 =	simm.s32 $0x3DB0;
	[tilespmem:s14+$0xFFFFFF80] =	vst v15;
	v4 =	vld.idx.msk [tilespmem:v13+s15+$0x0], $0xffff  }
0xab: {  	s5 =	simm.s32 $0x950;
	s2 =	simm.s32 $0x0;
	s0 =	simm.s32 $0xED0;
	[tilespmem:s14+$0x0] =	vst v8;
	v5 =	vld.idx.msk [tilespmem:v14+s15+$0x0], $0xffff  }
.LBB2_7:
0xac: {  	v6 =	vld [tilespmem:s5+$0x70];
	s2 =	sadd.s32 $0x100, s2;
	[tilespmem:s14+$0x10] =	vst v0  }
0xad: {  	v0 =	vld [tilespmem:s5+$0xFFFFFF90];
	p1 =	slt.u32 s2, $0x600;
	[tilespmem:s14+$0x20] =	vst v1  }
0xae: {  	v1 =	vld [tilespmem:s5+$0xFFFFFFA0];
	[tilespmem:s14+$0x30] =	vst v2  }
0xaf: {  	v2 =	vld [tilespmem:s5+$0xFFFFFFB0];
	[tilespmem:s14+$0x40] =	vst v3  }
0xb0: {  	v3 =	vld [tilespmem:s5+$0xFFFFFFC0];
	[tilespmem:s14+$0x50] =	vst v4  }
0xb1: {  	v4 =	vld [tilespmem:s5+$0xFFFFFFD0];
	[tilespmem:s14+$0x60] =	vst v5  }
0xb2: {  	v5 =	vld [tilespmem:s5+$0xFFFFFFE0]  }
0xb3: {  	v7 =	vld [tilespmem:s5+$0xFFFFFFF0]  }
0xb4: {  	v6 =	vld.idx.msk [tilespmem:v6+s15+$0x0], $0xffff  }
0xb5: {  	v8 =	vld [tilespmem:s5+$0x0]  }
0xb6: {  	v9 =	vld [tilespmem:s5+$0x10]  }
0xb7: {  	v10 =	vld [tilespmem:s5+$0x20]  }
0xb8: {  	v11 =	vld [tilespmem:s5+$0x30]  }
0xb9: {  	s14 =	sadd.s32 $0x100, s14;
	v12 =	vld [tilespmem:s5+$0x40]  }
0xba: {  	s17 =	simm.s32 $0x6F0;
	v13 =	vld [tilespmem:s5+$0x50];
	[tilespmem:s14+$0x70] =	vst v6  }
0xbb: {  	v6 =	vld [tilespmem:s5+$0x60]  }
0xbc: {  	v14 =	vld [tilespmem:s5+$0xFFFFFF80]  }
0xbd: {  	v0 =	vld.idx.msk [tilespmem:v0+s15+$0x0], $0xffff  }
0xbe: {  	v1 =	vld.idx.msk [tilespmem:v1+s15+$0x0], $0xffff  }
0xbf: {  	v2 =	vld.idx.msk [tilespmem:v2+s15+$0x0], $0xffff  }
0xc0: {  	v3 =	vld.idx.msk [tilespmem:v3+s15+$0x0], $0xffff  }
0xc1: {  	v4 =	vld.idx.msk [tilespmem:v4+s15+$0x0], $0xffff  }
0xc2: {  	v5 =	vld.idx.msk [tilespmem:v5+s15+$0x0], $0xffff  }
0xc3: {  	[tilespmem:s14+$0xFFFFFF90] =	vst v0;
	v7 =	vld.idx.msk [tilespmem:v7+s15+$0x0], $0xffff  }
0xc4: {  	v14 =	vld.idx.msk [tilespmem:v14+s15+$0x0], $0xffff;
	[tilespmem:s14+$0xFFFFFFA0] =	vst v1  }
0xc5: {  	[tilespmem:s14+$0xFFFFFFB0] =	vst v2;
	v8 =	vld.idx.msk [tilespmem:v8+s15+$0x0], $0xffff  }
0xc6: {  	[tilespmem:s14+$0xFFFFFFC0] =	vst v3;
	v0 =	vld.idx.msk [tilespmem:v9+s15+$0x0], $0xffff  }
.Ltmp2:
0xc7: {  	[tilespmem:s14+$0xFFFFFFD0] =	vst v4;
	v1 =	vld.idx.msk [tilespmem:v10+s15+$0x0], $0xffff;
	(pc) =	sbr.rel @p1 .LBB2_7-.Ltmp2, $4  }
0xc8: {  	[tilespmem:s14+$0xFFFFFFE0] =	vst v5;
	v2 =	vld.idx.msk [tilespmem:v11+s15+$0x0], $0xffff  }
0xc9: {  	[tilespmem:s14+$0xFFFFFFF0] =	vst v7;
	v3 =	vld.idx.msk [tilespmem:v12+s15+$0x0], $0xffff  }
0xca: {  	[tilespmem:s14+$0xFFFFFF80] =	vst v14;
	v4 =	vld.idx.msk [tilespmem:v13+s15+$0x0], $0xffff  }
0xcb: {  	s5 =	sadd.s32 $0x100, s5;
	[tilespmem:s14+$0x0] =	vst v8;
	v5 =	vld.idx.msk [tilespmem:v6+s15+$0x0], $0xffff  }
0xcc: {  	[tilespmem:s14+$0x10] =	vst v0  }
0xcd: {  	[tilespmem:s14+$0x20] =	vst v1  }
0xce: {  	[tilespmem:s14+$0x30] =	vst v2  }
0xcf: {  	[tilespmem:s14+$0x40] =	vst v3  }
0xd0: {  	[tilespmem:s14+$0x50] =	vst v4  }
0xd1: {  	[tilespmem:s14+$0x60] =	vst v5  }
.LBB2_9:
0xd2: {  	v0 =	vld [tilespmem:s0+$0x0];
	_ =	sdelay $0x6  }
0xd3: {  	s17 =	sadd.s32 $0x10, s17  }
0xd4: {  	p1 =	slt.u32 s17, $0x7C0;
	v0 =	vld.idx.msk [tilespmem:v0+s15+$0x0], $0xffff  }
.Ltmp3:
0xd5: {  	_ = 	snop;
	(pc) =	sbr.rel @p1 .LBB2_9-.Ltmp3, $2  }
0xd6: {  	_ =	sdelay $0x2  }
0xd7: {  	s0 =	sadd.s32 $0x10, s0;
	[tilespmem:s6+$0x0] =	vst v0;
	s6 =	sadd.s32 $0x10, s6  }
0xd8: {  	[spmem:s1] =	stream.indirect.scatter.add.f32 [tilespmem:s26], [sflag:$0x4], $0x1, s21, s20, $0xb8;
	[tilespmem:$0x1EEA0] =	vst v63  }
0xd9: {  	s0 =	simm.s32 @!p0 $0x6  }
0xda: {  	s2 =	sadd.s32 s13, s11;
	_ =	swait.ge @!p0 [sflag:s0], $0x7D0  }
0xdb: {  	s2 =	sshrl.u32 s2, $0x3;
	[sflag:s0] =	ssyncset.done @!p0 $0x0  }
0xdc: {  	s14 =	sadd.s32 s4, s2;
	[sflag:s0] =	ssyncadd.s32 @!p0 $0xFFFFF830  }
0xdd: {  	[tilespmem:s20], [sflag:$0x2] =	stream.linear.gather [hbm4b:s14+s3], $0x7D0, $0x38;
	[tilespmem:$0x1EEA0] =	vst v63  }
0xde: {  	s0 =	sadd.s32 $0xC3500, s14  }
0xdf: {  	[tilespmem:s28], [sflag:$0x2] =	stream.linear.gather [hbm4b:s0+s3], $0x7D0, $0x38;
	[tilespmem:$0x1EEA0] =	vst v63  }
0xe0: {  	_ =	swait.ge [sflag:s22], $0x7D0  }
0xe1: {  	[sflag:s22] =	ssyncset.done $0x0  }
0xe2: {  	[sflag:s22] =	ssyncadd.s32 $0xFFFFF830  }
0xe3: {  	_ =	swait.ge [sflag:s22], $0x7D0  }
0xe4: {  	[sflag:s22] =	ssyncset.done $0x0  }
0xe5: {  	s17 =	simm.s32 $0x80;
	[sflag:s22] =	ssyncadd.s32 $0xFFFFF830  }
0xe6: {  	v0 =	vld [tilespmem:s17+$0x70]  }
0xe7: {  	v1 =	vld [tilespmem:s17+$0xFFFFFF90]  }
0xe8: {  	v2 =	vld [tilespmem:s17+$0xFFFFFFA0]  }
0xe9: {  	v3 =	vld [tilespmem:s17+$0xFFFFFFB0]  }
0xea: {  	v4 =	vld [tilespmem:s17+$0xFFFFFFC0]  }
0xeb: {  	v5 =	vld [tilespmem:s17+$0xFFFFFFD0]  }
0xec: {  	v6 =	vld [tilespmem:s17+$0xFFFFFFE0]  }
0xed: {  	v7 =	vld [tilespmem:s17+$0xFFFFFFF0]  }
0xee: {  	v8 =	vld [tilespmem:s17+$0x0]  }
0xef: {  	v9 =	vld [tilespmem:s17+$0x10]  }
0xf0: {  	v10 =	vld [tilespmem:s17+$0x20]  }
0xf1: {  	v11 =	vld [tilespmem:s17+$0x30]  }
0xf2: {  	v12 =	vld [tilespmem:s17+$0x40]  }
0xf3: {  	v13 =	vld [tilespmem:s17+$0x50]  }
0xf4: {  	v14 =	vld [tilespmem:s17+$0x60]  }
0xf5: {  	v15 =	vld [tilespmem:s17+$0xFFFFFF80]  }
0xf6: {  	v0 =	vld.idx.msk [tilespmem:v0+s15+$0x0], $0xffff  }
0xf7: {  	v1 =	vld.idx.msk [tilespmem:v1+s15+$0x0], $0xffff  }
0xf8: {  	v2 =	vld.idx.msk [tilespmem:v2+s15+$0x0], $0xffff  }
0xf9: {  	v3 =	vld.idx.msk [tilespmem:v3+s15+$0x0], $0xffff  }
0xfa: {  	v4 =	vld.idx.msk [tilespmem:v4+s15+$0x0], $0xffff  }
0xfb: {  	s14 =	simm.s32 $0x3F00;
	v5 =	vld.idx.msk [tilespmem:v5+s15+$0x0], $0xffff  }
0xfc: {  	v6 =	vld.idx.msk [tilespmem:v6+s15+$0x0], $0xffff;
	[tilespmem:s14+$0x70] =	vst v0  }
0xfd: {  	v7 =	vld.idx.msk [tilespmem:v7+s15+$0x0], $0xffff;
	[tilespmem:s14+$0xFFFFFF90] =	vst v1  }
0xfe: {  	v15 =	vld.idx.msk [tilespmem:v15+s15+$0x0], $0xffff;
	[tilespmem:s14+$0xFFFFFFA0] =	vst v2  }
0xff: {  	v8 =	vld.idx.msk [tilespmem:v8+s15+$0x0], $0xffff;
	[tilespmem:s14+$0xFFFFFFB0] =	vst v3  }
0x100: {  	[tilespmem:s14+$0xFFFFFFC0] =	vst v4;
	v0 =	vld.idx.msk [tilespmem:v9+s15+$0x0], $0xffff  }
0x101: {  	[tilespmem:s14+$0xFFFFFFD0] =	vst v5;
	v1 =	vld.idx.msk [tilespmem:v10+s15+$0x0], $0xffff  }
0x102: {  	[tilespmem:s14+$0xFFFFFFE0] =	vst v6;
	v2 =	vld.idx.msk [tilespmem:v11+s15+$0x0], $0xffff  }
0x103: {  	[tilespmem:s14+$0xFFFFFFF0] =	vst v7;
	v3 =	vld.idx.msk [tilespmem:v12+s15+$0x0], $0xffff  }
0x104: {  	[tilespmem:s14+$0xFFFFFF80] =	vst v15;
	v4 =	vld.idx.msk [tilespmem:v13+s15+$0x0], $0xffff  }
0x105: {  	s6 =	simm.s32 $0x4580;
	s2 =	simm.s32 $0x180;
	s0 =	simm.s32 $0x0;
	[tilespmem:s14+$0x0] =	vst v8;
	v5 =	vld.idx.msk [tilespmem:v14+s15+$0x0], $0xffff  }
.LBB2_11:
0x106: {  	v6 =	vld [tilespmem:s2+$0x70];
	s0 =	sadd.s32 $0x100, s0;
	[tilespmem:s14+$0x10] =	vst v0  }
0x107: {  	v0 =	vld [tilespmem:s2+$0xFFFFFF90];
	p0 =	slt.u32 s0, $0x600;
	[tilespmem:s14+$0x20] =	vst v1  }
0x108: {  	v1 =	vld [tilespmem:s2+$0xFFFFFFA0];
	[tilespmem:s14+$0x30] =	vst v2  }
0x109: {  	v2 =	vld [tilespmem:s2+$0xFFFFFFB0];
	[tilespmem:s14+$0x40] =	vst v3  }
0x10a: {  	v3 =	vld [tilespmem:s2+$0xFFFFFFC0];
	[tilespmem:s14+$0x50] =	vst v4  }
0x10b: {  	v4 =	vld [tilespmem:s2+$0xFFFFFFD0];
	[tilespmem:s14+$0x60] =	vst v5  }
0x10c: {  	v5 =	vld [tilespmem:s2+$0xFFFFFFE0]  }
0x10d: {  	v7 =	vld [tilespmem:s2+$0xFFFFFFF0]  }
0x10e: {  	v6 =	vld.idx.msk [tilespmem:v6+s15+$0x0], $0xffff  }
0x10f: {  	v8 =	vld [tilespmem:s2+$0x0]  }
0x110: {  	v9 =	vld [tilespmem:s2+$0x10]  }
0x111: {  	v10 =	vld [tilespmem:s2+$0x20]  }
0x112: {  	v11 =	vld [tilespmem:s2+$0x30]  }
0x113: {  	s14 =	sadd.s32 $0x100, s14;
	v12 =	vld [tilespmem:s2+$0x40]  }
0x114: {  	s5 =	simm.s32 $0x6F0;
	s17 =	simm.s32 $0x700;
	v13 =	vld [tilespmem:s2+$0x50];
	[tilespmem:s14+$0x70] =	vst v6  }
0x115: {  	v6 =	vld [tilespmem:s2+$0x60]  }
0x116: {  	v14 =	vld [tilespmem:s2+$0xFFFFFF80]  }
0x117: {  	v0 =	vld.idx.msk [tilespmem:v0+s15+$0x0], $0xffff  }
0x118: {  	v1 =	vld.idx.msk [tilespmem:v1+s15+$0x0], $0xffff  }
0x119: {  	v2 =	vld.idx.msk [tilespmem:v2+s15+$0x0], $0xffff  }
0x11a: {  	v3 =	vld.idx.msk [tilespmem:v3+s15+$0x0], $0xffff  }
0x11b: {  	v4 =	vld.idx.msk [tilespmem:v4+s15+$0x0], $0xffff  }
0x11c: {  	v5 =	vld.idx.msk [tilespmem:v5+s15+$0x0], $0xffff  }
0x11d: {  	[tilespmem:s14+$0xFFFFFF90] =	vst v0;
	v7 =	vld.idx.msk [tilespmem:v7+s15+$0x0], $0xffff  }
0x11e: {  	v14 =	vld.idx.msk [tilespmem:v14+s15+$0x0], $0xffff;
	[tilespmem:s14+$0xFFFFFFA0] =	vst v1  }
0x11f: {  	[tilespmem:s14+$0xFFFFFFB0] =	vst v2;
	v8 =	vld.idx.msk [tilespmem:v8+s15+$0x0], $0xffff  }
0x120: {  	[tilespmem:s14+$0xFFFFFFC0] =	vst v3;
	v0 =	vld.idx.msk [tilespmem:v9+s15+$0x0], $0xffff  }
.Ltmp4:
0x121: {  	[tilespmem:s14+$0xFFFFFFD0] =	vst v4;
	v1 =	vld.idx.msk [tilespmem:v10+s15+$0x0], $0xffff;
	(pc) =	sbr.rel @p0 .LBB2_11-.Ltmp4, $4  }
0x122: {  	[tilespmem:s14+$0xFFFFFFE0] =	vst v5;
	v2 =	vld.idx.msk [tilespmem:v11+s15+$0x0], $0xffff  }
0x123: {  	[tilespmem:s14+$0xFFFFFFF0] =	vst v7;
	v3 =	vld.idx.msk [tilespmem:v12+s15+$0x0], $0xffff  }
0x124: {  	[tilespmem:s14+$0xFFFFFF80] =	vst v14;
	v4 =	vld.idx.msk [tilespmem:v13+s15+$0x0], $0xffff  }
0x125: {  	s2 =	sadd.s32 $0x100, s2;
	[tilespmem:s14+$0x0] =	vst v8;
	v5 =	vld.idx.msk [tilespmem:v6+s15+$0x0], $0xffff  }
0x126: {  	[tilespmem:s14+$0x10] =	vst v0  }
0x127: {  	[tilespmem:s14+$0x20] =	vst v1  }
0x128: {  	[tilespmem:s14+$0x30] =	vst v2  }
0x129: {  	[tilespmem:s14+$0x40] =	vst v3  }
0x12a: {  	[tilespmem:s14+$0x50] =	vst v4  }
0x12b: {  	[tilespmem:s14+$0x60] =	vst v5  }
.LBB2_13:
0x12c: {  	v0 =	vld [tilespmem:s17+$0x0];
	_ =	sdelay $0x6  }
0x12d: {  	s5 =	sadd.s32 $0x10, s5  }
0x12e: {  	p0 =	slt.u32 s5, $0x7C0;
	v0 =	vld.idx.msk [tilespmem:v0+s15+$0x0], $0xffff  }
.Ltmp5:
0x12f: {  	_ = 	snop;
	(pc) =	sbr.rel @p0 .LBB2_13-.Ltmp5, $2  }
0x130: {  	_ =	sdelay $0x2  }
0x131: {  	s17 =	sadd.s32 $0x10, s17;
	[tilespmem:s6+$0x0] =	vst v0;
	s6 =	sadd.s32 $0x10, s6  }
0x132: {  	[spmem:s1] =	stream.indirect.scatter.add.f32 [tilespmem:s29], [sflag:$0x5], $0x1, s24, s20, $0xb8;
	[tilespmem:$0x1EEA0] =	vst v63  }
0x133: {  	p0 =	seq.s32 s8, $0x18  }
0x134: {  	_ =	swait.ge [sflag:s30], $0x7D0;
	s0 =	sadd.s32 @!p0 s13, s12  }
0x135: {  	[sflag:s30] =	ssyncset.done $0x0;
	s0 =	sshrl.u32 @!p0 s0, $0x3  }
0x136: {  	s2 =	simm.s32 @!p0 $0x0;
	[sflag:s30] =	ssyncadd.s32 $0xFFFFF830;
	s0 =	sadd.s32 @!p0 s4, s0  }
0x137: {  	[tilespmem:s2], [sflag:$0x1] =	stream.linear.gather @!p0 [hbm4b:s0+s2], $0x7D0, $0x38;
	[tilespmem:$0x1EEA0] =	vst v63  }
0x138: {  	s5 =	simm.s32 @!p0 $0xFA0;
	s0 =	sadd.s32 @!p0 $0xC3500, s0  }
0x139: {  	[tilespmem:s5], [sflag:$0x1] =	stream.linear.gather @!p0 [hbm4b:s0+s2], $0x7D0, $0x38;
	[tilespmem:$0x1EEA0] =	vst v63  }
0x13a: {  	_ =	swait.ge [sflag:s25], $0x7D0  }
0x13b: {  	[sflag:s25] =	ssyncset.done $0x0  }
0x13c: {  	[sflag:s25] =	ssyncadd.s32 $0xFFFFF830  }
0x13d: {  	_ =	swait.ge [sflag:s25], $0x7D0  }
0x13e: {  	[sflag:s25] =	ssyncset.done $0x0  }
0x13f: {  	s17 =	simm.s32 $0x850;
	[sflag:s25] =	ssyncadd.s32 $0xFFFFF830  }
0x140: {  	v0 =	vld [tilespmem:s17+$0x70]  }
0x141: {  	v1 =	vld [tilespmem:s17+$0xFFFFFF90]  }
0x142: {  	v2 =	vld [tilespmem:s17+$0xFFFFFFA0]  }
0x143: {  	v3 =	vld [tilespmem:s17+$0xFFFFFFB0]  }
0x144: {  	v4 =	vld [tilespmem:s17+$0xFFFFFFC0]  }
0x145: {  	v5 =	vld [tilespmem:s17+$0xFFFFFFD0]  }
0x146: {  	v6 =	vld [tilespmem:s17+$0xFFFFFFE0]  }
0x147: {  	v7 =	vld [tilespmem:s17+$0xFFFFFFF0]  }
0x148: {  	v8 =	vld [tilespmem:s17+$0x0]  }
0x149: {  	v9 =	vld [tilespmem:s17+$0x10]  }
0x14a: {  	v10 =	vld [tilespmem:s17+$0x20]  }
0x14b: {  	v11 =	vld [tilespmem:s17+$0x30]  }
0x14c: {  	v12 =	vld [tilespmem:s17+$0x40]  }
0x14d: {  	v13 =	vld [tilespmem:s17+$0x50]  }
0x14e: {  	v14 =	vld [tilespmem:s17+$0x60]  }
0x14f: {  	v15 =	vld [tilespmem:s17+$0xFFFFFF80]  }
0x150: {  	v0 =	vld.idx.msk [tilespmem:v0+s15+$0x0], $0xffff  }
0x151: {  	v1 =	vld.idx.msk [tilespmem:v1+s15+$0x0], $0xffff  }
0x152: {  	v2 =	vld.idx.msk [tilespmem:v2+s15+$0x0], $0xffff  }
0x153: {  	v3 =	vld.idx.msk [tilespmem:v3+s15+$0x0], $0xffff  }
0x154: {  	v4 =	vld.idx.msk [tilespmem:v4+s15+$0x0], $0xffff  }
0x155: {  	s13 =	simm.s32 $0x46D0;
	v5 =	vld.idx.msk [tilespmem:v5+s15+$0x0], $0xffff  }
0x156: {  	v6 =	vld.idx.msk [tilespmem:v6+s15+$0x0], $0xffff;
	[tilespmem:s13+$0x70] =	vst v0  }
0x157: {  	v7 =	vld.idx.msk [tilespmem:v7+s15+$0x0], $0xffff;
	[tilespmem:s13+$0xFFFFFF90] =	vst v1  }
0x158: {  	v15 =	vld.idx.msk [tilespmem:v15+s15+$0x0], $0xffff;
	[tilespmem:s13+$0xFFFFFFA0] =	vst v2  }
0x159: {  	v8 =	vld.idx.msk [tilespmem:v8+s15+$0x0], $0xffff;
	[tilespmem:s13+$0xFFFFFFB0] =	vst v3  }
0x15a: {  	[tilespmem:s13+$0xFFFFFFC0] =	vst v4;
	v0 =	vld.idx.msk [tilespmem:v9+s15+$0x0], $0xffff  }
0x15b: {  	[tilespmem:s13+$0xFFFFFFD0] =	vst v5;
	v1 =	vld.idx.msk [tilespmem:v10+s15+$0x0], $0xffff  }
0x15c: {  	[tilespmem:s13+$0xFFFFFFE0] =	vst v6;
	v2 =	vld.idx.msk [tilespmem:v11+s15+$0x0], $0xffff  }
0x15d: {  	[tilespmem:s13+$0xFFFFFFF0] =	vst v7;
	v3 =	vld.idx.msk [tilespmem:v12+s15+$0x0], $0xffff  }
0x15e: {  	[tilespmem:s13+$0xFFFFFF80] =	vst v15;
	v4 =	vld.idx.msk [tilespmem:v13+s15+$0x0], $0xffff  }
0x15f: {  	s6 =	simm.s32 $0x4D50;
	s0 =	simm.s32 $0x0;
	s2 =	simm.s32 $0x950;
	[tilespmem:s13+$0x0] =	vst v8;
	v5 =	vld.idx.msk [tilespmem:v14+s15+$0x0], $0xffff  }
.LBB2_15:
0x160: {  	v6 =	vld [tilespmem:s2+$0x70];
	s0 =	sadd.s32 $0x100, s0;
	[tilespmem:s13+$0x10] =	vst v0  }
0x161: {  	v0 =	vld [tilespmem:s2+$0xFFFFFF90];
	p0 =	slt.u32 s0, $0x600;
	[tilespmem:s13+$0x20] =	vst v1  }
0x162: {  	v1 =	vld [tilespmem:s2+$0xFFFFFFA0];
	[tilespmem:s13+$0x30] =	vst v2  }
0x163: {  	v2 =	vld [tilespmem:s2+$0xFFFFFFB0];
	[tilespmem:s13+$0x40] =	vst v3  }
0x164: {  	v3 =	vld [tilespmem:s2+$0xFFFFFFC0];
	[tilespmem:s13+$0x50] =	vst v4  }
0x165: {  	v4 =	vld [tilespmem:s2+$0xFFFFFFD0];
	[tilespmem:s13+$0x60] =	vst v5  }
0x166: {  	v5 =	vld [tilespmem:s2+$0xFFFFFFE0]  }
0x167: {  	v7 =	vld [tilespmem:s2+$0xFFFFFFF0]  }
0x168: {  	v6 =	vld.idx.msk [tilespmem:v6+s15+$0x0], $0xffff  }
0x169: {  	v8 =	vld [tilespmem:s2+$0x0]  }
0x16a: {  	v9 =	vld [tilespmem:s2+$0x10]  }
0x16b: {  	v10 =	vld [tilespmem:s2+$0x20]  }
0x16c: {  	v11 =	vld [tilespmem:s2+$0x30]  }
0x16d: {  	s13 =	sadd.s32 $0x100, s13;
	v12 =	vld [tilespmem:s2+$0x40]  }
0x16e: {  	s5 =	simm.s32 $0x6F0;
	s14 =	simm.s32 $0xED0;
	v13 =	vld [tilespmem:s2+$0x50];
	[tilespmem:s13+$0x70] =	vst v6  }
0x16f: {  	v6 =	vld [tilespmem:s2+$0x60]  }
0x170: {  	v14 =	vld [tilespmem:s2+$0xFFFFFF80]  }
0x171: {  	v0 =	vld.idx.msk [tilespmem:v0+s15+$0x0], $0xffff  }
0x172: {  	v1 =	vld.idx.msk [tilespmem:v1+s15+$0x0], $0xffff  }
0x173: {  	v2 =	vld.idx.msk [tilespmem:v2+s15+$0x0], $0xffff  }
0x174: {  	v3 =	vld.idx.msk [tilespmem:v3+s15+$0x0], $0xffff  }
0x175: {  	v4 =	vld.idx.msk [tilespmem:v4+s15+$0x0], $0xffff  }
0x176: {  	v5 =	vld.idx.msk [tilespmem:v5+s15+$0x0], $0xffff  }
0x177: {  	[tilespmem:s13+$0xFFFFFF90] =	vst v0;
	v7 =	vld.idx.msk [tilespmem:v7+s15+$0x0], $0xffff  }
0x178: {  	v14 =	vld.idx.msk [tilespmem:v14+s15+$0x0], $0xffff;
	[tilespmem:s13+$0xFFFFFFA0] =	vst v1  }
0x179: {  	[tilespmem:s13+$0xFFFFFFB0] =	vst v2;
	v8 =	vld.idx.msk [tilespmem:v8+s15+$0x0], $0xffff  }
0x17a: {  	[tilespmem:s13+$0xFFFFFFC0] =	vst v3;
	v0 =	vld.idx.msk [tilespmem:v9+s15+$0x0], $0xffff  }
.Ltmp6:
0x17b: {  	[tilespmem:s13+$0xFFFFFFD0] =	vst v4;
	v1 =	vld.idx.msk [tilespmem:v10+s15+$0x0], $0xffff;
	(pc) =	sbr.rel @p0 .LBB2_15-.Ltmp6, $4  }
0x17c: {  	[tilespmem:s13+$0xFFFFFFE0] =	vst v5;
	v2 =	vld.idx.msk [tilespmem:v11+s15+$0x0], $0xffff  }
0x17d: {  	[tilespmem:s13+$0xFFFFFFF0] =	vst v7;
	v3 =	vld.idx.msk [tilespmem:v12+s15+$0x0], $0xffff  }
0x17e: {  	[tilespmem:s13+$0xFFFFFF80] =	vst v14;
	v4 =	vld.idx.msk [tilespmem:v13+s15+$0x0], $0xffff  }
0x17f: {  	s2 =	sadd.s32 $0x100, s2;
	[tilespmem:s13+$0x0] =	vst v8;
	v5 =	vld.idx.msk [tilespmem:v6+s15+$0x0], $0xffff  }
0x180: {  	[tilespmem:s13+$0x10] =	vst v0  }
0x181: {  	[tilespmem:s13+$0x20] =	vst v1  }
0x182: {  	[tilespmem:s13+$0x30] =	vst v2  }
0x183: {  	[tilespmem:s13+$0x40] =	vst v3  }
0x184: {  	[tilespmem:s13+$0x50] =	vst v4  }
0x185: {  	[tilespmem:s13+$0x60] =	vst v5  }
.LBB2_17:
0x186: {  	v0 =	vld [tilespmem:s14+$0x0];
	_ =	sdelay $0x6  }
0x187: {  	s5 =	sadd.s32 $0x10, s5  }
0x188: {  	p0 =	slt.u32 s5, $0x7C0;
	v0 =	vld.idx.msk [tilespmem:v0+s15+$0x0], $0xffff  }
.Ltmp7:
0x189: {  	_ = 	snop;
	(pc) =	sbr.rel @p0 .LBB2_17-.Ltmp7, $2  }
0x18a: {  	_ =	sdelay $0x2  }
0x18b: {  	s14 =	sadd.s32 $0x10, s14;
	[tilespmem:s6+$0x0] =	vst v0;
	s6 =	sadd.s32 $0x10, s6  }
0x18c: {  	s8 =	sadd.s32 $0x1, s8  }
0x18d: {  	p0 =	sne.s32 s8, $0x19  }
.Ltmp8:
0x18e: {  	_ = 	snop;
	(pc) =	sbr.rel @p0 .LBB2_2-.Ltmp8, $2  }
0x18f: {  	_ =	sdelay $0x2  }
0x190: {  	[spmem:s1] =	stream.indirect.scatter.add.f32 [tilespmem:s31], [sflag:$0x6], $0x1, s28, s20, $0xb8;
	[tilespmem:$0x1EEA0] =	vst v63  }
0x191: {  	s0 =	simm.s32 $0x4  }
0x192: {  	_ =	swait.ge [sflag:s0], $0x7D0  }
0x193: {  	[sflag:s0] =	ssyncset.done $0x0  }
0x194: {  	s13 =	simm.s32 $0x5;
	[sflag:s0] =	ssyncadd.s32 $0xFFFFF830  }
0x195: {  	_ =	swait.ge [sflag:s13], $0x7D0  }
0x196: {  	[sflag:s13] =	ssyncset.done $0x0  }
0x197: {  	s14 =	simm.s32 $0x6;
	[sflag:s13] =	ssyncadd.s32 $0xFFFFF830  }
0x198: {  	_ =	swait.ge [sflag:s14], $0x7D0  }
0x199: {  	[sflag:s14] =	ssyncset.done $0x0  }
0x19a: {  	[sflag:s14] =	ssyncadd.s32 $0xFFFFF830  }
0x19b: {  	[bflag:$0x0] =	sbarrier.arrive $0xFFFF  }
0x19c: {  	s17 =	rddreg [dreg:$0x7]  }
0x19d: {  	s5 =	rddreg [dreg:$0x9]  }
0x19e: {  	[hbm:s17], [sflag:s18] =	dma.local [spmem:s5], $0x310  }
0x19f: {  	_ =	swait.ge [sflag:s16], $0x310  }
0x1a0: {  	s2 =	smov.u32 s18;
	s7 =	sadd.s32 $0x1, s7;
	s18 =	rddreg [dreg:$0x8]  }
0x1a1: {  	p0 =	sne.s32 s7, s18  }
.Ltmp9:
0x1a2: {  	_ = 	snop;
	(pc) =	sbr.rel @p0 .LBB2_1-.Ltmp9, $3  }
0x1a3: {  	_ =	sdelay $0x1  }
0x1a4: {  	[sflag:s16] =	ssyncset.done $0x0  }
0x1a5: {  	[sflag:s16] =	ssyncadd.s32 $0xFFFFFCF0  }
0x1a6: {  	_ =	sfence.sel $0x180000  }
0x1a7: {  	[bflag:$0x0] =	sbarrier.arrive $0xFFFF  }
0x1a8: {  	_ =	strace $0x90000050  }
0x1a9: {  	s0 =	stileid.u32;
	[bflag:$0x2] =	sbarrier.arrive $0xFFFF  }
0x1aa: {  	p0 =	sne.s32 s0, $0x0;
	s0 =	rddreg [dreg:$0x2]  }
0x1ab: {  	s0 =	sadd.s32 @!p0 $0x100000, s0  }
0x1ac: {  	[sflag:s0] =	ssyncadd.tile.s32 @!p0 $0x1;
	_ =	shalt  }
.Lfunc_end2:
_tile_overlayer_lowered:
.L_overlay_start_2:
0x1ad: {  	(tag) =	ssettag $0x2  }
0x1ae: {  	s0 =	rddreg [dreg:$0x0];
	s2 =	stileid.u32  }
0x1af: {  	s1 =	rddreg [dreg:$0x1];
	p0 =	sne.s32 s2, $0x0  }
0x1b0: {  	s3 =	rddreg [dreg:$0x2];
	[bflag:$0x3] =	sbarrier.arrive $0xFFFF;
	s2 =	simm.s32 @!p0 $0x1C07  }
0x1b1: {  	[timem:s3], [sflag:s2] =	dma.local @!p0 [hbm:s0], s1  }
0x1b2: {  	s0 =	simm.s32 @!p0 $0x7  }
0x1b3: {  	_ =	swait.ge @!p0 [sflag:s0], s1  }
0x1b4: {  	s1 =	ssub.s32 @!p0 $0x0, s1;
	[sflag:s0] =	ssyncset.done @!p0 $0x0  }
0x1b5: {  	[sflag:s0] =	ssyncadd.s32 @!p0 s1  }
0x1b6: {  	[bflag:$0x3] =	sbarrier.arrive $0xFFFF  }
0x1b7: {  	_ =	shalt  }

// kernel: kernel.8.cloned.1.call-start
scs
__scs_entry_jumppad:
0x0: {  	(pc) =	sbr.rel $0x88, $3  }
0x1: {  	(tag) =	ssettag $0x0;
	lr =	simm.s32 $0x1  }
0x2: {  	[smem:$0x3F99] =	sst lr;
	_ =	strace $0xD0000000  }
0x3: {  	_ = 	snop  }
0x4: {  	_ = 	snop  }
0x5: {  	_ = 	snop  }
0x6: {  	_ = 	snop  }
0x7: {  	_ = 	snop  }
__scs_overlays_trampoline_lowered:
0x8: {  	[smem:$0x3FA8] =	sst s0  }
0x9: {  	[smem:$0x3FA9] =	sst s1  }
0xa: {  	[smem:$0x3FAA] =	sst s2  }
0xb: {  	[smem:$0x3FAB] =	sst s3  }
0xc: {  	[smem:$0x3FAC] =	sst s4  }
0xd: {  	[smem:$0x3FAD] =	sst s5  }
0xe: {  	[smem:$0x3FAE] =	sst s6  }
0xf: {  	[smem:$0x3FAF] =	sst s7  }
0x10: {  	[smem:$0x3FB0] =	sst s8  }
0x11: {  	[smem:$0x3FB1] =	sst s9;
	s0 =	simm.s32 @!p0 $0x0  }
0x12: {  	s1 =	sld [smem:$0x3F97];
	s0 =	simm.s32 @p0 $0x1  }
0x13: {  	[smem:$0x3FB2] =	sst s0;
	s0 =	simm.s32 @!p1 $0x0  }
0x14: {  	s2 =	sld [smem:$0x3F96];
	s0 =	simm.s32 @p1 $0x1  }
0x15: {  	[smem:$0x3FB3] =	sst s0;
	s0 =	simm.s32 @!p2 $0x0  }
0x16: {  	s3 =	sld [smem:$0x3FDB];
	s0 =	simm.s32 @p2 $0x1  }
0x17: {  	s4 =	simm.s32 $0x1BF5;
	[smem:$0x3FB5] =	sst s0  }
0x18: {  	s0 =	sld [smem:$0x3F98];
	_ =	swait.ge [sflag:s4], $0x0  }
0x19: {  	s7 =	sld [smem:$0x3F99]  }
0x1a: {  	s8 =	sadd.s32 $0xFFFFE003, lr  }
0x1b: {  	s9 =	sadd.s32 $0xFFFFFEF7, lr;
	s5 =	simm.s32 $0xFFFFFFFF;
	p2 =	slt.u32 s8, $0xFFFFF086  }
0x1c: {  	p1 =	slt.u32 s9, $0xF7A;
	s5 =	simm.s32 @!p2 $0x0  }
0x1d: {  	s5 =	simm.s32 @p1 $0x1;
	p0 =	seq.s32 s7, s2  }
0x1e: {  	s7 =	smul.u32 @!p0 $0xF7A, s2;
	p2 =	seq.s32 @!p0 s5, $0x0  }
0x1f: {  	s9 =	smul.u32 $0xF7A, s1;
	s8 =	simm.s32 @!p0 $0x1BF5;
	p2 =	por !p2, p0  }
0x20: {  	[sflag:s8] =	ssyncset.s32 @!p0 $0xFFFFF086;
	s6 =	sadd.s32 @!p0 s3, s7;
	s7 =	simm.s32 @!p0 $0x108  }
0x21: {  	s3 =	sadd.s32 s3, s9;
	s6 =	sadd.s32 @!p0 $0x88, s6;
	s7 =	simm.s32 @p2 $0x1082  }
0x22: {  	[simem:s7], [sflag:s8] =	dma.local @!p0 [hbm:s6], $0xF7A  }
0x23: {  	s9 =	sor.u32 $0xD0000000, s2;
	s6 =	simm.s32 $0x108;
	_ =	swait.ge @!p0 [sflag:s8], $0x0  }
0x24: {  	s3 =	sadd.s32 $0x88, s3;
	s6 =	simm.s32 @!p1 $0x1082;
	[sflag:s4] =	ssyncset.s32 $0xFFFFF086  }
0x25: {  	[simem:s6], [sflag:s4] =	dma.local [hbm:s3], $0xF7A  }
0x26: {  	[smem:$0x3F99] =	sst s1;
	(tag) =	ssettag s2;
	_ =	strace s9  }
0x27: {  	s1 =	sld [smem:$0x3FA9]  }
0x28: {  	s2 =	sld [smem:$0x3FAA]  }
0x29: {  	s4 =	sld [smem:$0x3FAC]  }
0x2a: {  	p0 =	seq.s32 s5, $0x0;
	s5 =	sld [smem:$0x3FAD]  }
0x2b: {  	s6 =	sld [smem:$0x3FAE]  }
0x2c: {  	s7 =	sld [smem:$0x3FAF]  }
0x2d: {  	s3 =	simm.s32 $0x108;
	s8 =	sld [smem:$0x3FB0]  }
0x2e: {  	s3 =	simm.s32 @!p0 $0x1082;
	s9 =	sld [smem:$0x3FB1]  }
0x2f: {  	lr =	sadd.s32 s0, s3;
	s0 =	sld [smem:$0x3FA8]  }
0x30: {  	s3 =	sld [smem:$0x3FAB]  }
0x31: {  	[smem:$0x3FB4] =	sst s10  }
0x32: {  	s10 =	sld [smem:$0x3FB2];
	_ =	sdelay $0x3  }
0x33: {  	p0 =	seq.s32 s10, $0x1;
	s10 =	sld [smem:$0x3FB4];
	_ =	sdelay $0x3  }
0x34: {  	[smem:$0x3FB4] =	sst s10  }
0x35: {  	s10 =	sld [smem:$0x3FB3];
	_ =	sdelay $0x3  }
0x36: {  	p1 =	seq.s32 s10, $0x1;
	s10 =	sld [smem:$0x3FB4];
	_ =	sdelay $0x3  }
0x37: {  	[smem:$0x3FB4] =	sst s10  }
0x38: {  	s10 =	sld [smem:$0x3FB5]  }
0x39: {  	_ = 	snop;
	(pc) =	sbr.ind lr, $3  }
0x3a: {  	_ = 	snop  }
0x3b: {  	_ = 	snop  }
0x3c: {  	p2 =	seq.s32 s10, $0x1;
	s10 =	sld [smem:$0x3FB4]  }
0x3d: {  	_ =	shalt  }
0x3e: {  	_ =	shalt  }
0x3f: {  	_ =	shalt  }
0x40: {  	_ =	shalt  }
0x41: {  	_ =	shalt  }
0x42: {  	_ =	shalt  }
0x43: {  	_ =	shalt  }
0x44: {  	_ =	shalt  }
0x45: {  	_ =	shalt  }
0x46: {  	_ =	shalt  }
0x47: {  	_ =	shalt  }
0x48: {  	_ =	shalt  }
0x49: {  	_ =	shalt  }
0x4a: {  	_ =	shalt  }
0x4b: {  	_ =	shalt  }
0x4c: {  	_ =	shalt  }
0x4d: {  	_ =	shalt  }
0x4e: {  	_ =	shalt  }
0x4f: {  	_ =	shalt  }
0x50: {  	_ =	shalt  }
0x51: {  	_ =	shalt  }
0x52: {  	_ =	shalt  }
0x53: {  	_ =	shalt  }
0x54: {  	_ =	shalt  }
0x55: {  	_ =	shalt  }
0x56: {  	_ =	shalt  }
0x57: {  	_ =	shalt  }
0x58: {  	_ =	shalt  }
0x59: {  	_ =	shalt  }
0x5a: {  	_ =	shalt  }
0x5b: {  	_ =	shalt  }
0x5c: {  	_ =	shalt  }
0x5d: {  	_ =	shalt  }
0x5e: {  	_ =	shalt  }
0x5f: {  	_ =	shalt  }
0x60: {  	_ =	shalt  }
0x61: {  	_ =	shalt  }
0x62: {  	_ =	shalt  }
0x63: {  	_ =	shalt  }
0x64: {  	_ =	shalt  }
0x65: {  	_ =	shalt  }
0x66: {  	_ =	shalt  }
0x67: {  	_ =	shalt  }
0x68: {  	_ =	shalt  }
0x69: {  	_ =	shalt  }
0x6a: {  	_ =	shalt  }
0x6b: {  	_ =	shalt  }
0x6c: {  	_ =	shalt  }
0x6d: {  	_ =	shalt  }
0x6e: {  	_ =	shalt  }
0x6f: {  	_ =	shalt  }
0x70: {  	_ =	shalt  }
0x71: {  	_ =	shalt  }
0x72: {  	_ =	shalt  }
0x73: {  	_ =	shalt  }
0x74: {  	_ =	shalt  }
0x75: {  	_ =	shalt  }
0x76: {  	_ =	shalt  }
0x77: {  	_ =	shalt  }
0x78: {  	_ =	shalt  }
0x79: {  	_ =	shalt  }
0x7a: {  	_ =	shalt  }
0x7b: {  	_ =	shalt  }
0x7c: {  	_ =	shalt  }
0x7d: {  	_ =	shalt  }
0x7e: {  	_ =	shalt  }
0x7f: {  	_ =	shalt  }
0x80: {  	_ =	shalt  }
0x81: {  	_ =	shalt  }
0x82: {  	_ =	shalt  }
0x83: {  	_ =	shalt  }
0x84: {  	_ =	shalt  }
0x85: {  	_ =	shalt  }
0x86: {  	_ =	shalt  }
0x87: {  	_ =	shalt  }
.Lfunc_end0:
.L_simem_size_0:
called_computation.1_lowered:
.L_overlay_start_0:
0x88: {  	s2 =	sld [smem:$0x3FD9]  }
0x89: {  	s3 =	sld [smem:$0x3FFE];
	_ =	sdelay $0x1  }
0x8a: {  	s1 =	srdreg.scid  }
0x8b: {  	s0 =	sand.u32 $0x1, s1  }
0x8c: {  	s16 =	sshll.u32 s0, $0xA;
	s2 =	sadd.s32 s3, s2  }
0x8d: {  	s2 =	sadd.s32 s2, s16  }
0x8e: {  	[smem:$0x3FC0] =	sst s2  }
0x8f: {  	_ = 	snop  }
0x90: {  	(tm) =	ssettm $0x1  }
0x91: {  	s17 =	sld [smem:$0x3FFB];
	_ =	sdelay $0x3  }
0x92: {  	_ =	strace s17  }
0x93: {  	s2 =	sld [smem:$0x3FFC];
	_ =	sdelay $0x3  }
0x94: {  	_ =	strace s2  }
0x95: {  	s2 =	sld [smem:$0x3FFD];
	_ =	sdelay $0x3  }
0x96: {  	_ =	strace s2  }
0x97: {  	_ =	strace $0x8FFFFFFF  }
0x98: {  	s18 =	sld [smem:$0x3FDB];
	_ =	sdelay $0x1  }
0x99: {  	s19 =	simm.s32 $_scs_section_size  }
0x9a: {  	s4 =	simm.s32 $_size__tile_overlayer_lowered;
	s5 =	simm.s32 $_tile_overlayer_lowered  }
0x9b: {  	s22 =	simm.s32 $0x1BFF;
	s21 =	sshll.u32 s5, $0x1;
	s2 =	sadd.s32 s19, s18  }
0x9c: {  	s6 =	simm.s32 $0x0;
	s20 =	sshll.u32 s4, $0x1;
	s4 =	sadd.s32 s21, s2  }
0x9d: {  	[timem:s6], [sflag:s22] =	dma.local [hbm:s4], s20  }
0x9e: {  	_ =	swait.ge [sflag:s22], s20  }
0x9f: {  	s3 =	ssub.s32 $0x0, s20;
	[sflag:s22] =	ssyncset.done $0x0  }
0xa0: {  	[sflag:s22] =	ssyncadd.s32 s3;
	_ =	sdelay $0x1  }
0xa1: {  	s23 =	simm.s32 $0x1B8B  }
0xa2: {  	_ =	swait.ge [sflag:s23], $0x1  }
0xa3: {  	[sflag:s23] =	ssyncset.done $0x0  }
0xa4: {  	s25 =	simm.s32 $0x1B8E;
	s24 =	sld [smem:$0x3FFE];
	[sflag:s23] =	ssyncadd.s32 $0xFFFFFFFF  }
0xa5: {  	s26 =	simm.s32 $execute0_lowered;
	[smem:$0x3FD2] =	sst s25  }
0xa6: {  	s4 =	sshll.u32 s26, $0x1;
	_ =	strace $0x80000049;
	[dreg:$0x1] =	wrdreg $0xFFFFFFFF  }
0xa7: {  	s28 =	simm.s32 $_size_execute0_lowered;
	s2 =	sadd.s32 s2, s4;
	[dreg:$0x0] =	wrdreg $0x0  }
0xa8: {  	s4 =	sshll.u32 s28, $0x1;
	[dreg:$0x2] =	wrdreg s2  }
0xa9: {  	[dreg:$0x3] =	wrdreg s4  }
0xaa: {  	[dreg:$0x4] =	wrdreg $0xC0  }
0xab: {  	_ =	task [dreg:s6], $0x5FFFF  }
0xac: {  	[dreg:$0x1] =	wrdreg $0xFFFFFFFF  }
0xad: {  	[dreg:$0x0] =	wrdreg $0x60  }
0xae: {  	[dreg:$0x2] =	wrdreg s24  }
0xaf: {  	[dreg:$0x3] =	wrdreg $0x27100  }
0xb0: {  	[dreg:$0x4] =	wrdreg $0x9  }
0xb1: {  	_ =	task.clear_ibuf [dreg:s6], $0x5FFFF;
	_ =	strace $0x90000049  }
0xb2: {  	s29 =	simm.s32 $0x9;
	_ =	strace $0x8000004B  }
0xb3: {  	_ =	swait.ge [sflag:s29], $0x1  }
0xb4: {  	[sflag:s29] =	ssyncadd.s32 $0xFFFFFFFF  }
0xb5: {  	_ =	strace $0x9000004B  }
0xb6: {  	_ =	sfence  }
0xb7: {  	s30 =	sld [smem:$0x0];
	_ =	sdelay $0x2  }
0xb8: {  	s31 =	sshll.u32 s1, $0xD;
	s1 =	sshrl.u32 s1, $0x2  }
0xb9: {  	s3 =	sand.u32 $0x4000, s31;
	s1 =	sadd.s32 s1, s30  }
0xba: {  	s0 =	sor.u32 s3, s0;
	s1 =	sshll.u32 s1, $0x11  }
0xbb: {  	s0 =	sor.u32 s1, s0  }
0xbc: {  	s0 =	sadd.s32 $0x8F2B, s0  }
0xbd: {  	[sflag:s0] =	ssyncadd.remote.s32 $0x1  }
0xbe: {  	_ =	sfence.sel $0xFFFF  }
0xbf: {  	[dreg:$0x0] =	wrdreg $0xFFFFFFFF;
	(pc) =	sbr.abs _section_cstart, $3  }
0xc0: {  	[dreg:$0x1] =	wrdreg $0xFFFFFFFF  }
0xc1: {  	_ =	task.clear_ibuf [dreg:s6], $0x2FFFF;
	_ =	strace $0x9FFFFFFF  }
0xc2: {  	(tm) =	ssettm $0x7FFFFFFF  }
0xc3: {  	_ =	shalt  }
tec
execute0_lowered:
.L_overlay_start_1:
0x0: {  	(tag) =	ssettag $0x1  }
0x1: {  	s0 =	rddreg [dreg:$0x0]  }
0x2: {  	s2 =	rddreg [dreg:$0x1]  }
0x3: {  	s3 =	simm.s32 $0x0;
	s9 =	stileid.u32;
	s1 =	srdreg.scid  }
0x4: {  	s28 =	simm.s32 $0x2;
	s29 =	simm.s32 $0x1F40;
	s30 =	simm.s32 $0x3  }
0x5: {  	s31 =	simm.s32 $0x4;
	[smem:$0x7FF] =	sst s3;
	s4 =	smul.u32 $0x1880, s9  }
0x6: {  	s1 =	sand.u32 $0x1, s1;
	s20 =	sadd.s32 $0x1A00, s0;
	s6 =	sadd.s32 $0x18B600, s0  }
0x7: {  	s22 =	sshll.u32 s9, $0x6;
	s12 =	smul.u32 $0x30D40, s9;
	_ =	strace $0x8000004A  }
0x8: {  	s5 =	smul.u32 $0x18800, s1;
	[dreg:$0x3] =	wrdreg s6;
	s7 =	sshll.u32 s1, $0x4  }
0x9: {  	s8 =	ssub.s32 $0x2, s1;
	s1 =	smul.u32 $0x30D400, s1;
	s19 =	sshrl.u32 s4, $0x3  }
0xa: {  	s7 =	sor.u32 s9, s7;
	s21 =	sshrl.u32 s8, $0x1;
	s6 =	sadd.s32 s19, s0  }
0xb: {  	s5 =	sadd.s32 s4, s5;
	s7 =	smul.u32 $0x30D40, s7;
	s23 =	sadd.s32 s12, s1  }
0xc: {  	s4 =	sadd.s32 s4, s2;
	s6 =	sadd.s32 $0x188400, s6;
	s1 =	sadd.s32 $0x61E680, s23  }
0xd: {  	s5 =	sshrl.u32 s5, $0x3;
	s24 =	sadd.s32 $0x61DEB0, s23;
	s25 =	sadd.s32 $0x61D6E0, s23  }
0xe: {  	s0 =	sadd.s32 s5, s0;
	s5 =	ssub.s32 s8, s21;
	[dreg:$0x4] =	wrdreg s6  }
0xf: {  	s7 =	sshrl.u32 s7, $0x3;
	s6 =	sor.u32 $0x1C07, s22;
	s1 =	sshrl.u32 s1, $0x3  }
0x10: {  	s26 =	sshrl.u32 s25, $0x3;
	s21 =	sshrl.u32 s4, $0x3;
	s22 =	simm.s32 $0x7  }
0x11: {  	s25 =	simm.s32 $0x1;
	s4 =	simm.s32 $0x0;
	s16 =	sadd.s32 s20, s7  }
0x12: {  	s0 =	sadd.s32 $0x18B800, s0;
	s9 =	smax.u32 s5, $0x1;
	s17 =	sadd.s32 s1, s20  }
0x13: {  	s1 =	sshrl.u32 s24, $0x3;
	s19 =	sadd.s32 s26, s20;
	s24 =	simm.s32 $0xFA0  }
0x14: {  	s26 =	simm.s32 $0x1770;
	s7 =	sadd.s32 $0xC3500, s16;
	[dreg:$0x6] =	wrdreg s0  }
0x15: {  	s10 =	sadd.s32 $0xC35FA, s16;
	s11 =	sadd.s32 $0xC36F4, s16;
	s12 =	sadd.s32 $0xC37EE, s16  }
0x16: {  	s13 =	sadd.s32 $0xC38E8, s16;
	s14 =	sadd.s32 $0xC93BA, s16;
	s15 =	sadd.s32 $0xC94B4, s16  }
0x17: {  	s16 =	sadd.s32 $0xC95AE, s16;
	s0 =	sadd.s32 $0x61CF10, s23;
	s18 =	sadd.s32 s1, s20  }
0x18: {  	s23 =	simm.s32 $0x7D0;
	s1 =	simm.s32 $0x6;
	s0 =	sshrl.u32 s0, $0x3  }
0x19: {  	[dreg:$0x5] =	wrdreg s7;
	s20 =	sadd.s32 s0, s20;
	s0 =	simm.s32 $0x5  }
.LBB2_1:
0x1a: {  	s5 =	rddreg [dreg:$0x4]  }
0x1b: {  	[spmem:s21], [sflag:s6] =	dma.local [hbm:s5], $0x310  }
0x1c: {  	_ =	swait.ge [sflag:s22], $0x310  }
0x1d: {  	[sflag:s22] =	ssyncset.done $0x0  }
0x1e: {  	s7 =	rddreg [dreg:$0x3];
	[sflag:s22] =	ssyncadd.s32 $0xFFFFFCF0  }
0x1f: {  	[tilespmem:s3], [sflag:$0x7] =	stream.linear.gather [hbm4b:s7+s3], $0x7D0, $0x38;
	[tilespmem:$0x3F90] =	vst v63  }
0x20: {  	_ =	swait.ge [sflag:s22], $0x7D0  }
0x21: {  	[sflag:s22] =	ssyncset.done $0x0  }
0x22: {  	[sflag:s22] =	ssyncadd.s32 $0xFFFFF830  }
0x23: {  	[bflag:$0x0] =	sbarrier.arrive $0xFFFF  }
0x24: {  	s8 =	rddreg [dreg:$0x5]  }
0x25: {  	[tilespmem:s23], [sflag:$0x1] =	stream.linear.gather [hbm4b:s8+s3], $0x7D0, $0x38;
	[tilespmem:$0x3F90] =	vst v63  }
0x26: {  	_ = 	snop  }
0x27: {  	[tilespmem:s24], [sflag:$0x2] =	stream.linear.gather [hbm4b:s10+s3], $0x7D0, $0x38;
	[tilespmem:$0x3F90] =	vst v63  }
0x28: {  	_ =	swait.ge [sflag:s25], $0x7D0  }
0x29: {  	[sflag:s25] =	ssyncset.done $0x0  }
0x2a: {  	[sflag:s25] =	ssyncadd.s32 $0xFFFFF830  }
0x2b: {  	[spmem:s2] =	stream.indirect.scatter.add.f32 [tilespmem:s3], [sflag:$0x3], $0x1, s23, s23, $0xb8;
	[tilespmem:$0x3F90] =	vst v63  }
0x2c: {  	_ = 	snop  }
0x2d: {  	[tilespmem:s26], [sflag:$0x1] =	stream.linear.gather [hbm4b:s11+s3], $0x7D0, $0x38;
	[tilespmem:$0x3F90] =	vst v63  }
0x2e: {  	_ =	swait.ge [sflag:s28], $0x7D0  }
0x2f: {  	[sflag:s28] =	ssyncset.done $0x0  }
0x30: {  	[sflag:s28] =	ssyncadd.s32 $0xFFFFF830  }
0x31: {  	[spmem:s2] =	stream.indirect.scatter.add.f32 [tilespmem:s3], [sflag:$0x4], $0x1, s24, s23, $0xb8;
	[tilespmem:$0x3F90] =	vst v63  }
0x32: {  	_ = 	snop  }
0x33: {  	[tilespmem:s29], [sflag:$0x2] =	stream.linear.gather [hbm4b:s12+s3], $0x7D0, $0x38;
	[tilespmem:$0x3F90] =	vst v63  }
0x34: {  	_ =	swait.ge [sflag:s25], $0x7D0  }
0x35: {  	[sflag:s25] =	ssyncset.done $0x0  }
0x36: {  	[sflag:s25] =	ssyncadd.s32 $0xFFFFF830  }
0x37: {  	[spmem:s2] =	stream.indirect.scatter.add.f32 [tilespmem:s3], [sflag:$0x5], $0x1, s26, s23, $0xb8;
	[tilespmem:$0x3F90] =	vst v63  }
0x38: {  	_ =	swait.ge [sflag:s30], $0x7D0  }
0x39: {  	[sflag:s30] =	ssyncset.done $0x0  }
0x3a: {  	[sflag:s30] =	ssyncadd.s32 $0xFFFFF830  }
0x3b: {  	[tilespmem:s23], [sflag:$0x1] =	stream.linear.gather [hbm4b:s13+s3], $0x7D0, $0x38;
	[tilespmem:$0x3F90] =	vst v63  }
0x3c: {  	_ =	swait.ge [sflag:s28], $0x7D0  }
0x3d: {  	[sflag:s28] =	ssyncset.done $0x0  }
0x3e: {  	[sflag:s28] =	ssyncadd.s32 $0xFFFFF830  }
0x3f: {  	[spmem:s2] =	stream.indirect.scatter.add.f32 [tilespmem:s3], [sflag:$0x6], $0x1, s29, s23, $0xb8;
	[tilespmem:$0x3F90] =	vst v63  }
0x40: {  	_ =	swait.ge [sflag:s31], $0x7D0  }
0x41: {  	[sflag:s31] =	ssyncset.done $0x0  }
0x42: {  	s7 =	sadd.s32 $0x0, s20;
	[sflag:s31] =	ssyncadd.s32 $0xFFFFF830  }
0x43: {  	[tilespmem:s24], [sflag:$0x2] =	stream.linear.gather [hbm4b:s7+s3], $0x7D0, $0x38;
	[tilespmem:$0x3F90] =	vst v63  }
0x44: {  	_ =	swait.ge [sflag:s25], $0x7D0  }
0x45: {  	[sflag:s25] =	ssyncset.done $0x0  }
0x46: {  	[sflag:s25] =	ssyncadd.s32 $0xFFFFF830  }
0x47: {  	[spmem:s2] =	stream.indirect.scatter.add.f32 [tilespmem:s3], [sflag:$0x3], $0x1, s23, s23, $0xb8;
	[tilespmem:$0x3F90] =	vst v63  }
0x48: {  	_ =	swait.ge [sflag:s0], $0x7D0  }
0x49: {  	[sflag:s0] =	ssyncset.done $0x0  }
0x4a: {  	s8 =	sadd.s32 $0x0, s19;
	[sflag:s0] =	ssyncadd.s32 $0xFFFFF830  }
0x4b: {  	[tilespmem:s26], [sflag:$0x1] =	stream.linear.gather [hbm4b:s8+s3], $0x7D0, $0x38;
	[tilespmem:$0x3F90] =	vst v63  }
0x4c: {  	_ =	swait.ge [sflag:s28], $0x7D0  }
0x4d: {  	[sflag:s28] =	ssyncset.done $0x0  }
0x4e: {  	[sflag:s28] =	ssyncadd.s32 $0xFFFFF830  }
0x4f: {  	[spmem:s2] =	stream.indirect.scatter.add.f32 [tilespmem:s3], [sflag:$0x4], $0x1, s24, s23, $0xb8;
	[tilespmem:$0x3F90] =	vst v63  }
0x50: {  	_ =	swait.ge [sflag:s1], $0x7D0  }
0x51: {  	[sflag:s1] =	ssyncset.done $0x0  }
0x52: {  	s7 =	sadd.s32 $0x0, s18;
	[sflag:s1] =	ssyncadd.s32 $0xFFFFF830  }
0x53: {  	[tilespmem:s29], [sflag:$0x2] =	stream.linear.gather [hbm4b:s7+s3], $0x7D0, $0x38;
	[tilespmem:$0x3F90] =	vst v63  }
0x54: {  	_ =	swait.ge [sflag:s25], $0x7D0  }
0x55: {  	[sflag:s25] =	ssyncset.done $0x0  }
0x56: {  	[sflag:s25] =	ssyncadd.s32 $0xFFFFF830  }
0x57: {  	[spmem:s2] =	stream.indirect.scatter.add.f32 [tilespmem:s3], [sflag:$0x5], $0x1, s26, s23, $0xb8;
	[tilespmem:$0x3F90] =	vst v63  }
0x58: {  	_ =	swait.ge [sflag:s30], $0x7D0  }
0x59: {  	[sflag:s30] =	ssyncset.done $0x0  }
0x5a: {  	s8 =	sadd.s32 $0x0, s17;
	[sflag:s30] =	ssyncadd.s32 $0xFFFFF830  }
0x5b: {  	[tilespmem:s23], [sflag:$0x1] =	stream.linear.gather [hbm4b:s8+s3], $0x7D0, $0x38;
	[tilespmem:$0x3F90] =	vst v63  }
0x5c: {  	_ =	swait.ge [sflag:s28], $0x7D0  }
0x5d: {  	[sflag:s28] =	ssyncset.done $0x0  }
0x5e: {  	s5 =	simm.s32 $0x3E8;
	[sflag:s28] =	ssyncadd.s32 $0xFFFFF830  }
.LBB2_2:
0x5f: {  	[spmem:s2] =	stream.indirect.scatter.add.f32 [tilespmem:s3], [sflag:$0x6], $0x1, s29, s23, $0xb8;
	[tilespmem:$0x3F90] =	vst v63  }
0x60: {  	s7 =	smov.u32 s5  }
0x61: {  	p0 =	sne.s32 s5, $0x55F0;
	s5 =	sadd.s32 $0x3E8, s5;
	_ =	swait.ge [sflag:s31], $0x7D0  }
0x62: {  	[sflag:s31] =	ssyncset.done $0x0  }
0x63: {  	s8 =	sadd.s32 s7, s20;
	[sflag:s31] =	ssyncadd.s32 $0xFFFFF830  }
0x64: {  	[tilespmem:s24], [sflag:$0x2] =	stream.linear.gather [hbm4b:s8+s3], $0x7D0, $0x38;
	[tilespmem:$0x3F90] =	vst v63  }
0x65: {  	_ =	swait.ge [sflag:s25], $0x7D0  }
0x66: {  	[sflag:s25] =	ssyncset.done $0x0  }
0x67: {  	[sflag:s25] =	ssyncadd.s32 $0xFFFFF830  }
0x68: {  	[spmem:s2] =	stream.indirect.scatter.add.f32 [tilespmem:s3], [sflag:$0x3], $0x1, s23, s23, $0xb8;
	[tilespmem:$0x3F90] =	vst v63  }
0x69: {  	_ =	swait.ge [sflag:s0], $0x7D0  }
0x6a: {  	[sflag:s0] =	ssyncset.done $0x0  }
0x6b: {  	s8 =	sadd.s32 s7, s19;
	[sflag:s0] =	ssyncadd.s32 $0xFFFFF830  }
0x6c: {  	[tilespmem:s26], [sflag:$0x1] =	stream.linear.gather [hbm4b:s8+s3], $0x7D0, $0x38;
	[tilespmem:$0x3F90] =	vst v63  }
0x6d: {  	_ =	swait.ge [sflag:s28], $0x7D0  }
0x6e: {  	[sflag:s28] =	ssyncset.done $0x0  }
0x6f: {  	[sflag:s28] =	ssyncadd.s32 $0xFFFFF830  }
0x70: {  	[spmem:s2] =	stream.indirect.scatter.add.f32 [tilespmem:s3], [sflag:$0x4], $0x1, s24, s23, $0xb8;
	[tilespmem:$0x3F90] =	vst v63  }
0x71: {  	_ =	swait.ge [sflag:s1], $0x7D0  }
0x72: {  	[sflag:s1] =	ssyncset.done $0x0  }
0x73: {  	s8 =	sadd.s32 s7, s18;
	[sflag:s1] =	ssyncadd.s32 $0xFFFFF830  }
0x74: {  	[tilespmem:s29], [sflag:$0x2] =	stream.linear.gather [hbm4b:s8+s3], $0x7D0, $0x38;
	[tilespmem:$0x3F90] =	vst v63  }
0x75: {  	_ =	swait.ge [sflag:s25], $0x7D0  }
0x76: {  	[sflag:s25] =	ssyncset.done $0x0  }
0x77: {  	[sflag:s25] =	ssyncadd.s32 $0xFFFFF830  }
0x78: {  	[spmem:s2] =	stream.indirect.scatter.add.f32 [tilespmem:s3], [sflag:$0x5], $0x1, s26, s23, $0xb8;
	[tilespmem:$0x3F90] =	vst v63  }
0x79: {  	_ =	swait.ge [sflag:s30], $0x7D0  }
0x7a: {  	[sflag:s30] =	ssyncset.done $0x0  }
.Ltmp0:
0x7b: {  	s7 =	sadd.s32 s7, s17;
	[sflag:s30] =	ssyncadd.s32 $0xFFFFF830;
	(pc) =	sbr.rel @p0 .LBB2_2-.Ltmp0, $4  }
0x7c: {  	[tilespmem:s23], [sflag:$0x1] =	stream.linear.gather [hbm4b:s7+s3], $0x7D0, $0x38;
	[tilespmem:$0x3F90] =	vst v63  }
0x7d: {  	_ =	swait.ge [sflag:s28], $0x7D0  }
0x7e: {  	[sflag:s28] =	ssyncset.done $0x0  }
0x7f: {  	[sflag:s28] =	ssyncadd.s32 $0xFFFFF830  }
0x80: {  	[spmem:s2] =	stream.indirect.scatter.add.f32 [tilespmem:s3], [sflag:$0x6], $0x1, s29, s23, $0xb8;
	[tilespmem:$0x3F90] =	vst v63  }
0x81: {  	_ =	swait.ge [sflag:s31], $0x7D0  }
0x82: {  	[sflag:s31] =	ssyncset.done $0x0  }
0x83: {  	[sflag:s31] =	ssyncadd.s32 $0xFFFFF830  }
0x84: {  	[tilespmem:s24], [sflag:$0x2] =	stream.linear.gather [hbm4b:s14+s3], $0x7D0, $0x38;
	[tilespmem:$0x3F90] =	vst v63  }
0x85: {  	_ =	swait.ge [sflag:s25], $0x7D0  }
0x86: {  	[sflag:s25] =	ssyncset.done $0x0  }
0x87: {  	[sflag:s25] =	ssyncadd.s32 $0xFFFFF830  }
0x88: {  	[spmem:s2] =	stream.indirect.scatter.add.f32 [tilespmem:s3], [sflag:$0x3], $0x1, s23, s23, $0xb8;
	[tilespmem:$0x3F90] =	vst v63  }
0x89: {  	_ =	swait.ge [sflag:s0], $0x7D0  }
0x8a: {  	[sflag:s0] =	ssyncset.done $0x0  }
0x8b: {  	[sflag:s0] =	ssyncadd.s32 $0xFFFFF830  }
0x8c: {  	[tilespmem:s26], [sflag:$0x1] =	stream.linear.gather [hbm4b:s15+s3], $0x7D0, $0x38;
	[tilespmem:$0x3F90] =	vst v63  }
0x8d: {  	_ =	swait.ge [sflag:s28], $0x7D0  }
0x8e: {  	[sflag:s28] =	ssyncset.done $0x0  }
0x8f: {  	[sflag:s28] =	ssyncadd.s32 $0xFFFFF830  }
0x90: {  	[spmem:s2] =	stream.indirect.scatter.add.f32 [tilespmem:s3], [sflag:$0x4], $0x1, s24, s23, $0xb8;
	[tilespmem:$0x3F90] =	vst v63  }
0x91: {  	_ =	swait.ge [sflag:s1], $0x7D0  }
0x92: {  	[sflag:s1] =	ssyncset.done $0x0  }
0x93: {  	[sflag:s1] =	ssyncadd.s32 $0xFFFFF830  }
0x94: {  	[tilespmem:s29], [sflag:$0x2] =	stream.linear.gather [hbm4b:s16+s3], $0x7D0, $0x38;
	[tilespmem:$0x3F90] =	vst v63  }
0x95: {  	_ =	swait.ge [sflag:s25], $0x7D0  }
0x96: {  	[sflag:s25] =	ssyncset.done $0x0  }
0x97: {  	[sflag:s25] =	ssyncadd.s32 $0xFFFFF830  }
0x98: {  	[spmem:s2] =	stream.indirect.scatter.add.f32 [tilespmem:s3], [sflag:$0x5], $0x1, s26, s23, $0xb8;
	[tilespmem:$0x3F90] =	vst v63  }
0x99: {  	_ =	swait.ge [sflag:s30], $0x7D0  }
0x9a: {  	[sflag:s30] =	ssyncset.done $0x0  }
0x9b: {  	[sflag:s30] =	ssyncadd.s32 $0xFFFFF830  }
0x9c: {  	_ =	swait.ge [sflag:s28], $0x7D0  }
0x9d: {  	[sflag:s28] =	ssyncset.done $0x0  }
0x9e: {  	[sflag:s28] =	ssyncadd.s32 $0xFFFFF830  }
0x9f: {  	[spmem:s2] =	stream.indirect.scatter.add.f32 [tilespmem:s3], [sflag:$0x6], $0x1, s29, s23, $0xb8;
	[tilespmem:$0x3F90] =	vst v63  }
0xa0: {  	_ =	swait.ge [sflag:s31], $0x7D0  }
0xa1: {  	[sflag:s31] =	ssyncset.done $0x0  }
0xa2: {  	[sflag:s31] =	ssyncadd.s32 $0xFFFFF830  }
0xa3: {  	_ =	swait.ge [sflag:s0], $0x7D0  }
0xa4: {  	[sflag:s0] =	ssyncset.done $0x0  }
0xa5: {  	[sflag:s0] =	ssyncadd.s32 $0xFFFFF830  }
0xa6: {  	_ =	swait.ge [sflag:s1], $0x7D0  }
0xa7: {  	[sflag:s1] =	ssyncset.done $0x0  }
0xa8: {  	s4 =	sadd.s32 $0x1, s4;
	[sflag:s1] =	ssyncadd.s32 $0xFFFFF830  }
0xa9: {  	p0 =	sne.s32 s4, s9;
	[bflag:$0x0] =	sbarrier.arrive $0xFFFF  }
.Ltmp1:
0xaa: {  	s5 =	rddreg [dreg:$0x6];
	(pc) =	sbr.rel @p0 .LBB2_1-.Ltmp1, $4  }
0xab: {  	[hbm:s5], [sflag:s6] =	dma.local [spmem:s21], $0x310  }
0xac: {  	_ =	swait.ge [sflag:s22], $0x310  }
0xad: {  	[sflag:s22] =	ssyncset.done $0x0  }
0xae: {  	[sflag:s22] =	ssyncadd.s32 $0xFFFFFCF0  }
0xaf: {  	_ =	sfence.sel $0x180000  }
0xb0: {  	[bflag:$0x0] =	sbarrier.arrive $0xFFFF  }
0xb1: {  	_ =	strace $0x9000004A  }
0xb2: {  	s0 =	stileid.u32;
	[bflag:$0x2] =	sbarrier.arrive $0xFFFF  }
0xb3: {  	p0 =	sne.s32 s0, $0x0;
	s0 =	rddreg [dreg:$0x2]  }
0xb4: {  	s0 =	sadd.s32 @!p0 $0x100000, s0  }
0xb5: {  	[sflag:s0] =	ssyncadd.tile.s32 @!p0 $0x1;
	_ =	shalt  }
.Lfunc_end2:
_tile_overlayer_lowered:
.L_overlay_start_2:
0xb6: {  	(tag) =	ssettag $0x2  }
0xb7: {  	s0 =	rddreg [dreg:$0x0];
	s2 =	stileid.u32  }
0xb8: {  	s1 =	rddreg [dreg:$0x1];
	p0 =	sne.s32 s2, $0x0  }
0xb9: {  	s3 =	rddreg [dreg:$0x2];
	[bflag:$0x3] =	sbarrier.arrive $0xFFFF;
	s2 =	simm.s32 @!p0 $0x1C07  }
0xba: {  	[timem:s3], [sflag:s2] =	dma.local @!p0 [hbm:s0], s1  }
0xbb: {  	s0 =	simm.s32 @!p0 $0x7  }
0xbc: {  	_ =	swait.ge @!p0 [sflag:s0], s1  }
0xbd: {  	s1 =	ssub.s32 @!p0 $0x0, s1;
	[sflag:s0] =	ssyncset.done @!p0 $0x0  }
0xbe: {  	[sflag:s0] =	ssyncadd.s32 @!p0 s1  }
0xbf: {  	[bflag:$0x3] =	sbarrier.arrive $0xFFFF  }
0xc0: {  	_ =	shalt  }

// kernel: sparse-core-data-format-call.cloned.1.call-start
scs
called_computation_lowered:
.L_overlay_start_0:
0x0: {  	s2 =	sld [smem:$0x3FD9]  }
0x1: {  	s3 =	sld [smem:$0x3FFE];
	_ =	sdelay $0x1  }
0x2: {  	s1 =	srdreg.scid  }
0x3: {  	s0 =	sand.u32 $0x1, s1  }
0x4: {  	s18 =	sshll.u32 s0, $0xA;
	s2 =	sadd.s32 s3, s2  }
0x5: {  	s2 =	sadd.s32 s2, s18  }
0x6: {  	[smem:$0x3FC0] =	sst s2  }
0x7: {  	_ = 	snop  }
0x8: {  	s2 =	sld [smem:$0x3FC8];
	(tm) =	ssettm $0x1  }
0x9: {  	s19 =	sld [smem:$0x3FFB];
	_ =	sdelay $0x3  }
0xa: {  	_ =	strace s19  }
0xb: {  	s3 =	sld [smem:$0x3FFC];
	_ =	sdelay $0x3  }
0xc: {  	_ =	strace s3  }
0xd: {  	s3 =	sld [smem:$0x3FFD];
	_ =	sdelay $0x3  }
0xe: {  	_ =	strace s3  }
0xf: {  	_ =	strace $0x8FFFFFFF  }
0x10: {  	s20 =	sld [smem:$0x3FDB];
	_ =	sdelay $0x1  }
0x11: {  	s4 =	simm.s32 $_scs_section_size  }
0x12: {  	s5 =	simm.s32 $_size__tile_overlayer_lowered;
	s6 =	simm.s32 $_tile_overlayer_lowered  }
0x13: {  	s23 =	simm.s32 $0x1BFF;
	s22 =	sshll.u32 s6, $0x1;
	s3 =	sadd.s32 s4, s20  }
0x14: {  	s7 =	simm.s32 $0x0;
	s21 =	sshll.u32 s5, $0x1;
	s5 =	sadd.s32 s22, s3  }
0x15: {  	[timem:s7], [sflag:s23] =	dma.local [hbm:s5], s21  }
0x16: {  	_ =	swait.ge [sflag:s23], s21  }
0x17: {  	s4 =	ssub.s32 $0x0, s21;
	[sflag:s23] =	ssyncset.done $0x0  }
0x18: {  	[sflag:s23] =	ssyncadd.s32 s4;
	_ =	sdelay $0x1  }
0x19: {  	s24 =	simm.s32 $0x1B8B  }
0x1a: {  	_ =	swait.ge [sflag:s24], $0x1  }
0x1b: {  	[sflag:s24] =	ssyncset.done $0x0  }
0x1c: {  	s26 =	simm.s32 $0x1B8E;
	s25 =	sld [smem:$0x3FFE];
	[sflag:s24] =	ssyncadd.s32 $0xFFFFFFFF  }
0x1d: {  	s27 =	simm.s32 $execute0_lowered;
	[smem:$0x3FD2] =	sst s26  }
0x1e: {  	s5 =	sshll.u32 s27, $0x1;
	_ =	strace $0x80000046;
	[dreg:$0x1] =	wrdreg $0xFFFFFFFF  }
0x1f: {  	s28 =	simm.s32 $_size_execute0_lowered;
	s3 =	sadd.s32 s3, s5;
	[dreg:$0x0] =	wrdreg $0x0  }
0x20: {  	s5 =	sshll.u32 s28, $0x1;
	[dreg:$0x2] =	wrdreg s3  }
0x21: {  	[dreg:$0x3] =	wrdreg s5  }
0x22: {  	[dreg:$0x4] =	wrdreg $0xC0  }
0x23: {  	_ =	task [dreg:s7], $0x5FFFF  }
0x24: {  	[dreg:$0x1] =	wrdreg $0xFFFFFFFF  }
0x25: {  	[dreg:$0x0] =	wrdreg $0x60  }
0x26: {  	[dreg:$0x2] =	wrdreg s2  }
0x27: {  	[dreg:$0x3] =	wrdreg s25  }
0x28: {  	[dreg:$0x4] =	wrdreg $0x9  }
0x29: {  	_ =	task.clear_ibuf [dreg:s7], $0x5FFFF;
	_ =	strace $0x90000046  }
0x2a: {  	s29 =	simm.s32 $0x9;
	_ =	strace $0x80000048  }
0x2b: {  	_ =	swait.ge [sflag:s29], $0x1  }
0x2c: {  	[sflag:s29] =	ssyncadd.s32 $0xFFFFFFFF  }
0x2d: {  	_ =	strace $0x90000048  }
0x2e: {  	_ =	sfence  }
0x2f: {  	s30 =	sld [smem:$0x0];
	_ =	sdelay $0x2  }
0x30: {  	s31 =	sshll.u32 s1, $0xD;
	s1 =	sshrl.u32 s1, $0x2  }
0x31: {  	s3 =	sand.u32 $0x4000, s31;
	s1 =	sadd.s32 s1, s30  }
0x32: {  	s0 =	sor.u32 s3, s0;
	s1 =	sshll.u32 s1, $0x11  }
0x33: {  	s0 =	sor.u32 s1, s0  }
0x34: {  	s0 =	sadd.s32 $0x8F2B, s0  }
0x35: {  	[sflag:s0] =	ssyncadd.remote.s32 $0x1  }
0x36: {  	_ =	sfence.sel $0xFFFF  }
0x37: {  	[dreg:$0x0] =	wrdreg $0xFFFFFFFF;
	(pc) =	sbr.abs _section_cstart, $3  }
0x38: {  	[dreg:$0x1] =	wrdreg $0xFFFFFFFF  }
0x39: {  	_ =	task.clear_ibuf [dreg:s7], $0x2FFFF;
	_ =	strace $0x9FFFFFFF  }
0x3a: {  	(tm) =	ssettm $0x7FFFFFFF  }
0x3b: {  	_ =	shalt  }
tec
execute0_lowered:
.L_overlay_start_1:
0x0: {  	(tag) =	ssettag $0x1  }
0x1: {  	s0 =	stileid.u32;
	s7 =	rddreg [dreg:$0x0]  }
0x2: {  	s1 =	srdreg.scid;
	s4 =	rddreg [dreg:$0x1]  }
0x3: {  	s30 =	simm.s32 $0x2;
	s10 =	simm.s32 $0x0;
	s14 =	simm.s32 $0x0  }
0x4: {  	s15 =	simm.s32 $0x0;
	s11 =	simm.s32 $0x0;
	s13 =	simm.s32 $0x0  }
0x5: {  	s2 =	sand.u32 $0x1, s1;
	s3 =	sshll.u32 s0, $0x7;
	s1 =	rddreg [dreg:$0x2]  }
0x6: {  	_ =	strace $0x80000047;
	s5 =	ssub.s32 $0xC300, s3;
	s6 =	ssub.s32 $0x2, s2  }
.Ltmp0:
0x7: {  	s5 =	sshrl.u32 s5, $0xB;
	s8 =	sshrl.u32 s6, $0x1;
	(pc) =	sbr.rel .LBB1_1-.Ltmp0, $4  }
0x8: {  	s4 =	sadd.s32 $0x1A00, s4;
	s9 =	sadd.s32 $0x1, s5;
	s6 =	ssub.s32 s6, s8  }
0x9: {  	s31 =	sshll.u32 s2, $0x4;
	s5 =	simm.s32 $0x1;
	s6 =	smul.u32 s9, s6  }
0xa: {  	s12 =	smov.u32 s3;
	s7 =	sadd.s32 s7, s31;
	[sflag:s5] =	ssyncpa.u1 $0x0  }
0xb: {  	s9 =	simm.s32 $0x0;
	[sflag:s30] =	ssyncpa.u1 $0x0;
	s8 =	sadd.s32 $0x1, s6  }
.LBB1_4:
0xc: {  	s21 =	simm.s32 $0x0  }
.LBB1_8:
0xd: {  	_ =	sdelay $0x3  }
0xe: {  	v6 =	vld [tilespmem:s18+$0xFFFFFFC0];
	[tilespmem:v0+s20+$0x30 ss:$0x1] =	vst.idx.msk @p0 $0xffff, v2  }
0xf: {  	v58 =	vld [tilespmem:s18+$0xFFFFFFD0];
	[tilespmem:v0+s20+$0x40 ss:$0x1] =	vst.idx.msk @p0 $0xffff, v3;
	s21 =	sadd.s32 @p0 $0x80, s21  }
0x10: {  	v59 =	vld [tilespmem:s18+$0xFFFFFFE0];
	[tilespmem:v0+s20+$0x50 ss:$0x1] =	vst.idx.msk @p0 $0xffff, v5;
	s19 =	smov.u32 @p0 s21  }
0x11: {  	v60 =	vld [tilespmem:s18+$0xFFFFFFF0];
	[tilespmem:v0+s20+$0x60 ss:$0x1] =	vst.idx.msk @p0 $0xffff, v4;
	s19 =	sand.u32 $0x3F80, s19  }
0x12: {  	v61 =	vld [tilespmem:s18+$0x0];
	[tilespmem:v0+s19+$0x70 ss:$0x1] =	vst.idx.msk $0xffff, v1  }
0x13: {  	v62 =	vld [tilespmem:s18+$0x10];
	[tilespmem:v0+s19+$0x0 ss:$0x1] =	vst.idx.msk $0xffff, v6  }
0x14: {  	v63 =	vld [tilespmem:s18+$0x20];
	[tilespmem:v0+s19+$0x10 ss:$0x1] =	vst.idx.msk $0xffff, v58  }
0x15: {  	[tilespmem:v0+s19+$0x20 ss:$0x1] =	vst.idx.msk $0xffff, v59  }
0x16: {  	[tilespmem:v0+s19+$0x30 ss:$0x1] =	vst.idx.msk $0xffff, v60  }
0x17: {  	[tilespmem:v0+s19+$0x40 ss:$0x1] =	vst.idx.msk $0xffff, v61  }
0x18: {  	[tilespmem:v0+s19+$0x50 ss:$0x1] =	vst.idx.msk $0xffff, v62  }
0x19: {  	[tilespmem:v0+s19+$0x60 ss:$0x1] =	vst.idx.msk $0xffff, v63  }
.LBB1_9:
0x1a: {  	s18 =	sand.u32 $0x1FFFFFF, s11  }
0x1b: {  	s19 =	smulhi.u32 $0x14F8B59, s18;
	_ =	sdelay $0x1  }
0x1c: {  	s19 =	sshrl.u32 s19, $0x8  }
0x1d: {  	s19 =	smul.u32 $0xC350, s19  }
0x1e: {  	s15 =	smul.u32 $0xC3500, s15  }
0x1f: {  	s18 =	ssub.s32 s18, s19  }
0x20: {  	s15 =	sadd.s32 s4, s15;
	s18 =	sshll.u32 s18, $0x4  }
0x21: {  	s15 =	sadd.s32 s18, s15  }
0x22: {  	[hbm4b:s15+s9] =	stream.linear.scatter [tilespmem:s17], [sflag:$0x2], s16, $0x38;
	[tilespmem:$0x10000] =	vst v63  }
.LBB1_10:
0x23: {  	p0 =	slt.u32 s13, $0x2  }
0x24: {  	p1 =	sgt.s32 @!p0 s14, $0xC2D0  }
0x25: {  	s15 =	smov.u32 s14;
	s16 =	sshra.s32 @!p0 s14, $0x1F;
	p1 =	por !p1, p0  }
0x26: {  	s14 =	sand.u32 @!p0 s16, s14;
	s15 =	simm.s32 @p1 $0xC2D0  }
0x27: {  	s14 =	ssub.s32 @!p0 s15, s14  }
0x28: {  	s14 =	sadd.s32 @!p0 $0xFFFF3D30, s14  }
0x29: {  	s15 =	sshll.u32 @!p0 s14, $0x7  }
0x2a: {  	p1 =	sgt.s32 @!p0 s14, $0x7F;
	s14 =	ssub.s32 @!p0 $0x4000, s15  }
0x2b: {  	s16 =	sadd.s32 $0x800, s12;
	p1 =	por !p1, p0;
	s14 =	sand.u32 @!p0 $0x3FFFFF80, s14  }
0x2c: {  	s14 =	simm.s32 @!p1 $0x0;
	p1 =	sgt.s32 s16, $0xC34F  }
0x2d: {  	s16 =	smov.u32 @p1 s3;
	p1 =	sne.s32 s13, s8  }
.Ltmp1:
0x2e: {  	_ = 	snop;
	(pc) =	sbr.rel @!p1 .LBB1_11-.Ltmp1, $4  }
0x2f: {  	s10 =	sadd.s32 $0x4000, s10;
	s15 =	simm.s32 @!p0 $0x2  }
0x30: {  	_ =	swait.ge @!p0 [sflag:s15], s14;
	s17 =	ssub.s32 @!p0 $0x0, s14;
	s14 =	smov.u32 s11  }
0x31: {  	s13 =	sadd.s32 $0x1, s13;
	s11 =	smov.u32 s12;
	[sflag:s15] =	ssyncset.done @!p0 $0x0  }
0x32: {  	s12 =	smov.u32 s16;
	[sflag:s15] =	ssyncadd.s32 @!p0 s17;
	s15 =	smov.u32 s2  }
.LBB1_1:
0x33: {  	p0 =	sge.u32 s13, s6  }
0x34: {  	p1 =	sgt.s32 @!p0 s12, $0xC2D0  }
0x35: {  	s16 =	smov.u32 s12;
	s17 =	sshra.s32 @!p0 s12, $0x1F;
	p1 =	por !p1, p0  }
0x36: {  	s17 =	sand.u32 @!p0 s17, s12;
	s16 =	simm.s32 @p1 $0xC2D0  }
0x37: {  	s16 =	ssub.s32 @!p0 s16, s17  }
0x38: {  	s31 =	sadd.s32 $0xFFFFFFFF, s13;
	s18 =	sxor.u32 @!p0 $0xFFFFFFFF, s13;
	s16 =	sadd.s32 @!p0 $0xFFFF3D30, s16  }
0x39: {  	s19 =	simm.s32 @!p0 $0x80;
	s20 =	simm.s32 @!p0 $0x100;
	s17 =	sshll.u32 @!p0 s16, $0x7  }
0x3a: {  	p1 =	sgt.s32 @!p0 s16, $0x7F;
	s16 =	ssub.s32 @!p0 $0x4000, s17;
	s17 =	sshll.u32 @!p0 s18, $0xE  }
0x3b: {  	p1 =	por !p1, p0;
	s18 =	sshll.u32 @!p0 s12, $0x5;
	s16 =	sand.u32 @!p0 $0x3FFFFF80, s16  }
0x3c: {  	s17 =	sand.u32 @!p0 $0x4000, s17;
	s18 =	sadd.s32 @!p0 s18, s7;
	s16 =	simm.s32 @!p1 $0x0  }
0x3d: {  	[tilespmem:s17], [sflag:$0x1] =	stream.strided.gather @!p0 [hbm4b:s18+s19], s16, s20, s19, $0x38;
	[tilespmem:$0x10000] =	vst v63  }
0x3e: {  	p0 =	sge.u32 s31, s6  }
.Ltmp2:
0x3f: {  	_ = 	snop;
	(pc) =	sbr.rel @p0 .LBB1_10-.Ltmp2, $1  }
0x40: {  	_ =	sdelay $0x3  }
0x41: {  	p0 =	sgt.s32 s11, $0xC2D0;
	s16 =	smov.u32 s11;
	s17 =	sshra.s32 s11, $0x1F  }
0x42: {  	s16 =	simm.s32 @!p0 $0xC2D0;
	s17 =	sand.u32 s17, s11  }
0x43: {  	s16 =	ssub.s32 s16, s17  }
0x44: {  	s16 =	sadd.s32 $0xFFFF3D30, s16  }
0x45: {  	s30 =	sshll.u32 s16, $0x7  }
0x46: {  	s17 =	ssub.s32 $0x4000, s30  }
0x47: {  	p0 =	sgt.s32 s16, $0x7F;
	s16 =	sand.u32 $0x3FFFFF80, s17;
	s17 =	sadd.s32 $0x80, s11  }
0x48: {  	s16 =	simm.s32 @p0 $0x0;
	p0 =	slt.s32 s17, $0xC350  }
0x49: {  	s17 =	simm.s32 @!p0 $0xC350  }
0x4a: {  	s20 =	ssub.s32 s17, s11  }
0x4b: {  	p0 =	slt.s32 s20, $0x1  }
.Ltmp3:
0x4c: {  	_ = 	snop;
	(pc) =	sbr.rel @p0 .LBB1_9-.Ltmp3, $4  }
0x4d: {  	_ = 	snop  }
0x4e: {  	s19 =	sshll.u32 s13, $0xE;
	_ =	swait.ge [sflag:s5], s16  }
0x4f: {  	s31 =	sand.u32 $0x4000, s19;
	s18 =	ssub.s32 $0x0, s16;
	[sflag:s5] =	ssyncset.done $0x0  }
0x50: {  	s17 =	sor.u32 $0x8000, s31;
	[sflag:s5] =	ssyncadd.s32 s18  }
0x51: {  	p1 =	sne.s32 s20, $0x1  }
.Ltmp4:
0x52: {  	v0 =	vmov s17;
	(pc) =	sbr.rel @!p1 .LBB1_4-.Ltmp4, $4  }
0x53: {  	_ = 	snop  }
0x54: {  	s18 =	sand.u32 $0x4000, s10  }
0x55: {  	s18 =	sor.u32 $0x40, s18  }
0x56: {  	s19 =	simm.s32 $0x0;
	s21 =	sadd.s32 $0xFFFFFFFF, s20;
	p0 =	por $0x0, $0x0;
	v1 =	vld [tilespmem:s18+$0x30]  }
0x57: {  	v4 =	vld [tilespmem:s18+$0xFFFFFFC0]  }
0x58: {  	v6 =	vld [tilespmem:s18+$0xFFFFFFD0]  }
0x59: {  	v7 =	vld [tilespmem:s18+$0xFFFFFFE0];
	p1 =	sne.s32 s21, $0x1  }
.Ltmp5:
0x5a: {  	v2 =	vld [tilespmem:s18+$0xFFFFFFF0];
	s20 =	sand.u32 $0x3F80, s19;
	(pc) =	sbr.rel @!p1 .LBB1_6-.Ltmp5, $4  }
0x5b: {  	v3 =	vld [tilespmem:s18+$0x0];
	[tilespmem:v0+s20+$0x70 ss:$0x1] =	vst.idx.msk $0xffff, v1  }
0x5c: {  	v5 =	vld [tilespmem:s18+$0x10];
	[tilespmem:v0+s20+$0x0 ss:$0x1] =	vst.idx.msk $0xffff, v4  }
0x5d: {  	v4 =	vld [tilespmem:s18+$0x20];
	[tilespmem:v0+s20+$0x10 ss:$0x1] =	vst.idx.msk $0xffff, v6;
	s18 =	sadd.s32 $0x80, s18  }
0x5e: {  	s22 =	sadd.s32 $0xFFFFFFFF, s21;
	p0 =	por $0x1, $0x1;
	s21 =	simm.s32 $0x0;
	[tilespmem:v0+s20+$0x20 ss:$0x1] =	vst.idx.msk $0xffff, v7;
	v1 =	vld [tilespmem:s18+$0x30]  }
.LBB1_7:
0x5f: {  	p1 =	sne.s32 s22, $0x1;
	v6 =	vld [tilespmem:s18+$0xFFFFFFC0];
	[tilespmem:v0+s20+$0x30 ss:$0x1] =	vst.idx.msk $0xffff, v2  }
0x60: {  	v7 =	vld [tilespmem:s18+$0xFFFFFFD0];
	[tilespmem:v0+s20+$0x40 ss:$0x1] =	vst.idx.msk $0xffff, v3  }
0x61: {  	s21 =	sadd.s32 $0x80, s21;
	v8 =	vld [tilespmem:s18+$0xFFFFFFE0];
	[tilespmem:v0+s20+$0x50 ss:$0x1] =	vst.idx.msk $0xffff, v5  }
.Ltmp6:
0x62: {  	v2 =	vld [tilespmem:s18+$0xFFFFFFF0];
	[tilespmem:v0+s20+$0x60 ss:$0x1] =	vst.idx.msk $0xffff, v4;
	s20 =	sand.u32 $0x3F80, s21;
	(pc) =	sbr.rel @p1 .LBB1_7-.Ltmp6, $4  }
0x63: {  	v3 =	vld [tilespmem:s18+$0x0];
	[tilespmem:v0+s20+$0x70 ss:$0x1] =	vst.idx.msk $0xffff, v1  }
0x64: {  	[tilespmem:v0+s20+$0x0 ss:$0x1] =	vst.idx.msk $0xffff, v6;
	v5 =	vld [tilespmem:s18+$0x10]  }
0x65: {  	[tilespmem:v0+s20+$0x10 ss:$0x1] =	vst.idx.msk $0xffff, v7;
	v4 =	vld [tilespmem:s18+$0x20];
	s18 =	sadd.s32 $0x80, s18  }
0x66: {  	s22 =	sadd.s32 $0xFFFFFFFF, s22;
	v1 =	vld [tilespmem:s18+$0x30];
	[tilespmem:v0+s20+$0x20 ss:$0x1] =	vst.idx.msk $0xffff, v8  }
.Ltmp7:
0x67: {  	_ = 	snop;
	(pc) =	sbr.rel .LBB1_8-.Ltmp7, $1  }
0x68: {  	_ =	sdelay $0x3  }
.LBB1_6:
.Ltmp8:
0x69: {  	(pc) =	sbr.rel .LBB1_8-.Ltmp8, $2  }
0x6a: {  	_ =	sdelay $0x2  }
0x6b: {  	s21 =	simm.s32 $0x0  }
.LBB1_11:
0x6c: {  	_ =	sfence.sel $0x180000  }
0x6d: {  	s2 =	simm.s32 $0x1;
	[bflag:$0x0] =	sbarrier.arrive $0xFFFF  }
0x6e: {  	s31 =	simm.s32 $0x2;
	[sflag:s2] =	ssyncpa.u1 $0x1  }
0x6f: {  	[sflag:s31] =	ssyncpa.u1 $0x1  }
0x70: {  	p0 =	sne.s32 s0, $0x0;
	_ =	strace $0x90000047  }
0x71: {  	s0 =	sadd.s32 @!p0 $0x100000, s1;
	[bflag:$0x2] =	sbarrier.arrive $0xFFFF  }
0x72: {  	[sflag:s0] =	ssyncadd.tile.s32 @!p0 $0x1;
	_ =	shalt  }
.Lfunc_end1:
_tile_overlayer_lowered:
.L_overlay_start_2:
0x73: {  	(tag) =	ssettag $0x2  }
0x74: {  	s0 =	rddreg [dreg:$0x0];
	s2 =	stileid.u32  }
0x75: {  	s1 =	rddreg [dreg:$0x1];
	p0 =	sne.s32 s2, $0x0  }
0x76: {  	s3 =	rddreg [dreg:$0x2];
	[bflag:$0x3] =	sbarrier.arrive $0xFFFF;
	s2 =	simm.s32 @!p0 $0x1C01  }
0x77: {  	[timem:s3], [sflag:s2] =	dma.local @!p0 [hbm:s0], s1  }
0x78: {  	s0 =	simm.s32 @!p0 $0x1  }
0x79: {  	_ =	swait.ge @!p0 [sflag:s0], s1  }
0x7a: {  	s1 =	ssub.s32 @!p0 $0x0, s1;
	[sflag:s0] =	ssyncset.done @!p0 $0x0  }
0x7b: {  	[sflag:s0] =	ssyncadd.s32 @!p0 s1  }
0x7c: {  	[bflag:$0x3] =	sbarrier.arrive $0xFFFF  }
0x7d: {  	_ =	shalt  }

</sc_bundles>
